<compile_context>
chip_gen: v7x
topology: tpu7x:2x2x1
jax: 0.10.2.dev20260603
libtpu: 0.0.44.dev20260713+nightly
codegen_flags: <defaults>
</compile_context>

<pallas_src>
import functools

import jax
import jax.numpy as jnp
from jax import lax
from jax.experimental import pallas as pl
from jax.experimental.pallas import tpu as pltpu
from jax.experimental.pallas import tpu_sc as plsc

NNODES = 10000
NPAD = 10240
NC = 2
NS = 16
CHUNK = 128
NCHUNK = 160
IGRP = 32
NBUF = 4
EPAD = NS * NCHUNK * CHUNK
ROWS_PER_TILE = NPAD // NS
STAGE_PER_TILE = NNODES // NS



def _sc_degree():
  mesh = plsc.VectorSubcoreMesh(core_axis_name="c", subcore_axis_name="s",
                                num_cores=NC, num_subcores=NS)

  @functools.partial(
      pl.kernel,
      out_type=jax.ShapeDtypeStruct((NC, NPAD), jnp.float32),
      mesh=mesh,
      scratch_types=[
          pltpu.VMEM((NCHUNK // NC, CHUNK), jnp.int32),
          pltpu.VMEM((CHUNK,), jnp.float32),
          pltpu.VMEM_SHARED((NPAD,), jnp.float32),
      ],
  )
  def deg_kernel(dstp_hbm, zeros_hbm, out_hbm, dst_v, ones_v, acc):
    cid = lax.axis_index("c")
    sid = lax.axis_index("s")
    for i in range(CHUNK // 16):
      ones_v[pl.ds(i * 16, 16)] = jnp.ones((16,), jnp.float32)
    pltpu.sync_copy(zeros_hbm, acc.at[pl.ds(sid * ROWS_PER_TILE, ROWS_PER_TILE)])
    plsc.subcore_barrier()
    pltpu.sync_copy(dstp_hbm.at[sid, pl.ds(cid * (NCHUNK // NC), NCHUNK // NC)],
                    dst_v)

    def body(j, carry):
      pltpu.sync_copy(ones_v, acc.at[dst_v.at[j]], add=True)
      return carry

    lax.fori_loop(0, NCHUNK // NC, body, 0)
    plsc.subcore_barrier()
    pltpu.sync_copy(acc.at[pl.ds(sid * ROWS_PER_TILE, ROWS_PER_TILE)],
                    out_hbm.at[cid, pl.ds(sid * ROWS_PER_TILE, ROWS_PER_TILE)])

  return deg_kernel


def _sc_scatter(fh):
  mesh = plsc.VectorSubcoreMesh(core_axis_name="c", subcore_axis_name="s",
                                num_cores=NC, num_subcores=NS)

  @functools.partial(
      pl.kernel,
      out_type=jax.ShapeDtypeStruct((NC, NPAD, fh), jnp.float32),
      mesh=mesh,
      scratch_types=[
          pltpu.VMEM((IGRP, CHUNK), jnp.int32),
          pltpu.VMEM((IGRP, CHUNK), jnp.int32),
          pltpu.VMEM((NBUF, CHUNK, fh), jnp.float32),
          pltpu.VMEM_SHARED((NNODES, fh), jnp.float32),
          pltpu.VMEM_SHARED((NPAD, fh), jnp.float32),
      ] + [pltpu.SemaphoreType.DMA] * (2 * NBUF),
      compiler_params=pltpu.CompilerParams(use_tc_tiling_on_sc=False),
  )
  def scat_kernel(y_hbm, srcp_hbm, dstp_hbm, zeros_hbm, out_hbm,
                  src_v, dst_v, rows_v, y_spm, acc, *sems):
    cid = lax.axis_index("c")
    sid = lax.axis_index("s")
    gsem = sems[:NBUF]
    ssem = sems[NBUF:]
    pltpu.sync_copy(zeros_hbm, acc.at[pl.ds(sid * ROWS_PER_TILE, ROWS_PER_TILE)])
    pltpu.sync_copy(y_hbm.at[pl.ds(sid * STAGE_PER_TILE, STAGE_PER_TILE),
                             pl.ds(cid * fh, fh)],
                    y_spm.at[pl.ds(sid * STAGE_PER_TILE, STAGE_PER_TILE)])
    plsc.subcore_barrier()

    def group(g, carry):
      pltpu.sync_copy(srcp_hbm.at[sid, pl.ds(g * IGRP, IGRP)], src_v)
      pltpu.sync_copy(dstp_hbm.at[sid, pl.ds(g * IGRP, IGRP)], dst_v)
      for b in range(NBUF - 1):
        pltpu.async_copy(y_spm.at[src_v.at[b]], rows_v.at[b], gsem[b])

      def body(j4, c2):
        for b in range(NBUF):
          j = j4 * NBUF + b
          bb = (b + NBUF - 1) % NBUF
          pltpu.make_async_copy(y_spm.at[src_v.at[j]], rows_v.at[b],
                                gsem[b]).wait()
          pltpu.async_copy(rows_v.at[b], acc.at[dst_v.at[j]], ssem[b],
                           add=True)

          @pl.when(j > 0)
          def _drain_prev():
            pltpu.make_async_copy(rows_v.at[bb], acc.at[dst_v.at[j - 1]],
                                  ssem[bb]).wait()

          @pl.when(j + NBUF - 1 < IGRP)
          def _fire_next():
            pltpu.async_copy(y_spm.at[src_v.at[j + NBUF - 1]], rows_v.at[bb],
                             gsem[bb])
        return c2

      lax.fori_loop(0, IGRP // NBUF, body, 0)
      pltpu.make_async_copy(rows_v.at[(IGRP - 1) % NBUF],
                            acc.at[dst_v.at[IGRP - 1]],
                            ssem[(IGRP - 1) % NBUF]).wait()
      return carry

    lax.fori_loop(0, NCHUNK // IGRP, group, 0)
    plsc.subcore_barrier()
    pltpu.sync_copy(acc.at[pl.ds(sid * ROWS_PER_TILE, ROWS_PER_TILE)],
                    out_hbm.at[cid, pl.ds(sid * ROWS_PER_TILE, ROWS_PER_TILE)])

  return scat_kernel



_RB = 2000


def _mm(x, w):
  n, d = x.shape
  h = w.shape[1]

  def body(x_ref, w_ref, y_ref):
    y_ref[...] = jnp.dot(x_ref[...], w_ref[...],
                         preferred_element_type=jnp.float32)

  return pl.pallas_call(
      body,
      grid=(n // _RB,),
      in_specs=[
          pl.BlockSpec((_RB, d), lambda i: (i, 0)),
          pl.BlockSpec((d, h), lambda i: (0, 0)),
      ],
      out_specs=pl.BlockSpec((_RB, h), lambda i: (i, 0)),
      out_shape=jax.ShapeDtypeStruct((n, h), jnp.float32),
  )(x, w)


def _scale_deg(xw, degp3):
  n, h = xw.shape

  def body(xw_ref, deg_ref, y_ref, di_ref):
    di = lax.rsqrt(deg_ref[0] + deg_ref[1] + 1.0)
    di_ref[...] = di
    y_ref[...] = xw_ref[...] * di

  return pl.pallas_call(
      body,
      grid=(n // _RB,),
      in_specs=[
          pl.BlockSpec((_RB, h), lambda i: (i, 0)),
          pl.BlockSpec((NC, _RB, 1), lambda i: (0, i, 0)),
      ],
      out_specs=[
          pl.BlockSpec((_RB, h), lambda i: (i, 0)),
          pl.BlockSpec((_RB, 1), lambda i: (i, 0)),
      ],
      out_shape=[
          jax.ShapeDtypeStruct((n, h), jnp.float32),
          jax.ShapeDtypeStruct((n, 1), jnp.float32),
      ],
  )(xw, degp3)


def _layer_tail(parts, y, b2d, dinv2, w):
  n, h = y.shape
  fh = h // NC
  h2 = w.shape[1]
  nb = n // _RB

  def body(p_ref, y_ref, b_ref, di_ref, w_ref, yn_ref, v_scr, s_scr, q_scr):
    ph = pl.program_id(0)
    i = pl.program_id(1)
    di = di_ref[...]

    @pl.when(ph == 0)
    def _stats_phase():
      p = jnp.concatenate([p_ref[0], p_ref[1]], axis=1)
      v = di * (p + y_ref[...]) + b_ref[...]
      v_scr[pl.ds(i * _RB, _RB), :] = v

      @pl.when(i == 0)
      def _init():
        s_scr[...] = jnp.zeros_like(s_scr)
        q_scr[...] = jnp.zeros_like(q_scr)

      s_scr[...] += v.sum(axis=0, keepdims=True)
      q_scr[...] += (v * v).sum(axis=0, keepdims=True)

    @pl.when(ph == 1)
    def _mm_phase():
      mu = s_scr[...] / n
      var = (jnp.sum(q_scr[...]) - n * jnp.sum(mu * mu)) / n
      sinv = lax.rsqrt(1e-6 + var)
      z = jax.nn.relu((v_scr[pl.ds(i * _RB, _RB), :] - mu) * sinv)
      yn_ref[...] = jnp.dot(z, w_ref[...],
                            preferred_element_type=jnp.float32) * di

  last = nb - 1
  return pl.pallas_call(
      body,
      grid=(2, nb),
      in_specs=[
          pl.BlockSpec((NC, _RB, fh), lambda ph, i: (0, jnp.where(ph == 0, i, last), 0)),
          pl.BlockSpec((_RB, h), lambda ph, i: (jnp.where(ph == 0, i, last), 0)),
          pl.BlockSpec((1, h), lambda ph, i: (0, 0)),
          pl.BlockSpec((_RB, 1), lambda ph, i: (i, 0)),
          pl.BlockSpec((h, h2), lambda ph, i: (0, 0)),
      ],
      out_specs=pl.BlockSpec((_RB, h2), lambda ph, i: (i, 0)),
      out_shape=jax.ShapeDtypeStruct((n, h2), jnp.float32),
      scratch_shapes=[
          pltpu.VMEM((n, h), jnp.float32),
          pltpu.VMEM((1, h), jnp.float32),
          pltpu.VMEM((1, h), jnp.float32),
      ],
  )(parts, y, b2d, dinv2, w)


def _combine_final(parts, y, b2d, dinv2):
  n, h = y.shape
  fh = h // NC

  def body(p_ref, y_ref, b_ref, di_ref, v_ref):
    p = jnp.concatenate([p_ref[0], p_ref[1]], axis=1)
    v_ref[...] = di_ref[...] * (p + y_ref[...]) + b_ref[...]

  return pl.pallas_call(
      body,
      grid=(n // _RB,),
      in_specs=[
          pl.BlockSpec((NC, _RB, fh), lambda i: (0, i, 0)),
          pl.BlockSpec((_RB, h), lambda i: (i, 0)),
          pl.BlockSpec((1, h), lambda i: (0, 0)),
          pl.BlockSpec((_RB, 1), lambda i: (i, 0)),
      ],
      out_specs=pl.BlockSpec((_RB, h), lambda i: (i, 0)),
      out_shape=jax.ShapeDtypeStruct((n, h), jnp.float32),
  )(parts, y, b2d, dinv2)



def kernel(x, edge_index, W1, b1, W2, b2, W3, b3):
  n = x.shape[0]
  e = edge_index.shape[1]
  pad = EPAD - e
  src = jnp.concatenate([edge_index[0], jnp.zeros((pad,), jnp.int32)])
  dst = jnp.concatenate([edge_index[1], jnp.full((pad,), n, jnp.int32)])
  srcp = src.reshape(NS, NCHUNK, CHUNK)
  dstp = dst.reshape(NS, NCHUNK, CHUNK)

  zeros1d = jnp.zeros((ROWS_PER_TILE,), jnp.float32)
  zeros_h = jnp.zeros((ROWS_PER_TILE, 64), jnp.float32)
  zeros_c = jnp.zeros((ROWS_PER_TILE, 32), jnp.float32)

  degp = _sc_degree()(dstp, zeros1d)
  xw1 = _mm(x, W1)
  y1, dinv2 = _scale_deg(xw1, degp.reshape(NC, NPAD, 1))

  scat_h = _sc_scatter(64)
  scat_c = _sc_scatter(32)

  p1 = scat_h(y1, srcp, dstp, zeros_h)
  y2 = _layer_tail(p1, y1, b1.reshape(1, -1), dinv2, W2)

  p2 = scat_h(y2, srcp, dstp, zeros_h)
  y3 = _layer_tail(p2, y2, b2.reshape(1, -1), dinv2, W3)

  p3 = scat_c(y3, srcp, dstp, zeros_c)
  out = _combine_final(p3, y3, b3.reshape(1, -1), dinv2)
  return out

# --- scband reference (transcript-rebuilt; emitter-appended) ---
"""Pipeline reference for scband-gcn-5600637354062 (READ-ONLY COPY).

The authoritative reference and input builder live on the scoring server;
editing this copy changes nothing except your own understanding.
"""

import jax, jax.numpy as jnp
import numpy as np

N = 10000
D = 128
H = 128
C = 64
E = 320000


def gcn_conv(x, edge_index, W, b):
    n = x.shape[0]
    loop = jnp.arange(n, dtype=edge_index.dtype)
    src = jnp.concatenate([edge_index[0], loop])
    dst = jnp.concatenate([edge_index[1], loop])
    # symmetric GCN normalization with added self-loops (PyG GCNConv default)
    deg = jnp.zeros((n,), dtype=x.dtype).at[dst].add(1.0)
    dinv = jnp.where(deg > 0, 1.0 / jnp.sqrt(deg), 0.0)
    norm = jnp.take(dinv, src) * jnp.take(dinv, dst)
    xw = x @ W
    msg = jnp.take(xw, src, axis=0) * norm[:, None]
    out = jnp.zeros((n, W.shape[1]), dtype=x.dtype).at[dst].add(msg)
    return out + b


def pair_norm(x):
    x = x - x.mean(axis=0)
    rownorm_mean = jnp.sqrt(1e-06 + jnp.square(x).sum(axis=1).mean())
    return x / rownorm_mean


def glorot(key, fan_in, fan_out):
    lim = np.sqrt(6.0 / (fan_in + fan_out))
    return jax.random.uniform(key, (fan_in, fan_out), dtype=jnp.float32, minval=-lim, maxval=lim)


def setup_inputs(seed: int = 0) -> dict:
    key = jax.random.key(seed)
    ks = jax.random.split(key, 6)
    x = jax.random.normal(ks[0], (N, D), dtype=jnp.float32)
    edge_index = jax.random.randint(ks[1], (2, E), 0, N, dtype=jnp.int32)
    W1 = glorot(ks[2], D, H)
    b1 = jnp.zeros((H,), dtype=jnp.float32)
    W2 = glorot(ks[3], H, H)
    b2 = jnp.zeros((H,), dtype=jnp.float32)
    W3 = glorot(ks[4], H, C)
    b3 = jnp.zeros((C,), dtype=jnp.float32)
    return {"x": x, "edge_index": edge_index, "W1": W1, "b1": b1, "W2": W2, "b2": b2, "W3": W3, "b3": b3}


def reference(x, edge_index, W1, b1, W2, b2, W3, b3):
    # num_layers=3, type_norm='pair', dropout=0.0 (no-op)
    h = gcn_conv(x, edge_index, W1, b1)
    h = pair_norm(h)
    h = jax.nn.relu(h)
    h = gcn_conv(h, edge_index, W2, b2)
    h = pair_norm(h)
    h = jax.nn.relu(h)
    out = gcn_conv(h, edge_index, W3, b3)
    return out

if __name__ == "__main__":
    import jax
    _d = setup_inputs()
    print(jax.jit(kernel)(*tuple(_d.values())))

</pallas_src>

<mosaic_0001>
#map = affine_map<(d0, d1) -> (0, 0, 0)>
#map1 = affine_map<(d0, d1) -> (0)>
#map2 = affine_map<(d0, d1) -> (0, 0)>
module attributes {stable_mosaic.version = 14 : i64} {
  func.func @deg_kernel(%arg0: i32, %arg1: i32, %arg2: memref<16x160x128xi32, #tpu.memory_space<hbm>>, %arg3: memref<640xf32, #tpu.memory_space<hbm>>, %arg4: memref<2x10240xf32, #tpu.memory_space<hbm>>, %arg5: memref<80x128xi32, #tpu.memory_space<vmem>>, %arg6: memref<128xf32, #tpu.memory_space<vmem>>, %arg7: memref<10240xf32, #tpu.memory_space<vmem_shared>>) attributes {dimension_semantics = [#tpu.dimension_semantics<core_parallel>, #tpu.dimension_semantics<subcore_parallel>], iteration_bounds = array<i64: 2, 16>, scalar_prefetch = 0 : i64, scratch_operands = 3 : i64, tpu.core_type = #tpu.core_type<sc_vector_subcore>, window_params = [{transform_indices = #map}, {transform_indices = #map1}, {transform_indices = #map2}]} {
    %broadcast_in_dim3A = arith.constant 1.000000e+00 : f32
    %broadcast_in_dim3A_0 = vector.broadcast %broadcast_in_dim3A : f32 to vector<16xf32>
    %swap3A = arith.constant 0 : index
    %swap3A_1 = tpu.vector_load %arg6[%swap3A] {strides = array<i32>} : memref<128xf32, #tpu.memory_space<vmem>>, vector<16xf32>,
    %swap3A_2 = vector.shape_cast %swap3A_1 : vector<16xf32> to vector<16xf32>
    %swap3A_3 = vector.shape_cast %broadcast_in_dim3A_0 : vector<16xf32> to vector<16xf32>
    tpu.vector_store %arg6[%swap3A], %swap3A_3 {strides = array<i32>} : memref<128xf32, #tpu.memory_space<vmem>>, vector<16xf32>,
    %broadcast_in_dim3A_4 = arith.constant 1.000000e+00 : f32
    %broadcast_in_dim3A_5 = vector.broadcast %broadcast_in_dim3A_4 : f32 to vector<16xf32>
    %swap3A_6 = arith.constant 16 : index
    %swap3A_7 = tpu.vector_load %arg6[%swap3A_6] {strides = array<i32>} : memref<128xf32, #tpu.memory_space<vmem>>, vector<16xf32>,
    %swap3A_8 = vector.shape_cast %swap3A_7 : vector<16xf32> to vector<16xf32>
    %swap3A_9 = vector.shape_cast %broadcast_in_dim3A_5 : vector<16xf32> to vector<16xf32>
    tpu.vector_store %arg6[%swap3A_6], %swap3A_9 {strides = array<i32>} : memref<128xf32, #tpu.memory_space<vmem>>, vector<16xf32>,
    %broadcast_in_dim3A_10 = arith.constant 1.000000e+00 : f32
    %broadcast_in_dim3A_11 = vector.broadcast %broadcast_in_dim3A_10 : f32 to vector<16xf32>
    %swap3A_12 = arith.constant 32 : index
    %swap3A_13 = tpu.vector_load %arg6[%swap3A_12] {strides = array<i32>} : memref<128xf32, #tpu.memory_space<vmem>>, vector<16xf32>,
    %swap3A_14 = vector.shape_cast %swap3A_13 : vector<16xf32> to vector<16xf32>
    %swap3A_15 = vector.shape_cast %broadcast_in_dim3A_11 : vector<16xf32> to vector<16xf32>
    tpu.vector_store %arg6[%swap3A_12], %swap3A_15 {strides = array<i32>} : memref<128xf32, #tpu.memory_space<vmem>>, vector<16xf32>,
    %broadcast_in_dim3A_16 = arith.constant 1.000000e+00 : f32
    %broadcast_in_dim3A_17 = vector.broadcast %broadcast_in_dim3A_16 : f32 to vector<16xf32>
    %swap3A_18 = arith.constant 48 : index
    %swap3A_19 = tpu.vector_load %arg6[%swap3A_18] {strides = array<i32>} : memref<128xf32, #tpu.memory_space<vmem>>, vector<16xf32>,
    %swap3A_20 = vector.shape_cast %swap3A_19 : vector<16xf32> to vector<16xf32>
    %swap3A_21 = vector.shape_cast %broadcast_in_dim3A_17 : vector<16xf32> to vector<16xf32>
    tpu.vector_store %arg6[%swap3A_18], %swap3A_21 {strides = array<i32>} : memref<128xf32, #tpu.memory_space<vmem>>, vector<16xf32>,
    %broadcast_in_dim3A_22 = arith.constant 1.000000e+00 : f32
    %broadcast_in_dim3A_23 = vector.broadcast %broadcast_in_dim3A_22 : f32 to vector<16xf32>
    %swap3A_24 = arith.constant 64 : index
    %swap3A_25 = tpu.vector_load %arg6[%swap3A_24] {strides = array<i32>} : memref<128xf32, #tpu.memory_space<vmem>>, vector<16xf32>,
    %swap3A_26 = vector.shape_cast %swap3A_25 : vector<16xf32> to vector<16xf32>
    %swap3A_27 = vector.shape_cast %broadcast_in_dim3A_23 : vector<16xf32> to vector<16xf32>
    tpu.vector_store %arg6[%swap3A_24], %swap3A_27 {strides = array<i32>} : memref<128xf32, #tpu.memory_space<vmem>>, vector<16xf32>,
    %broadcast_in_dim3A_28 = arith.constant 1.000000e+00 : f32
    %broadcast_in_dim3A_29 = vector.broadcast %broadcast_in_dim3A_28 : f32 to vector<16xf32>
    %swap3A_30 = arith.constant 80 : index
    %swap3A_31 = tpu.vector_load %arg6[%swap3A_30] {strides = array<i32>} : memref<128xf32, #tpu.memory_space<vmem>>, vector<16xf32>,
    %swap3A_32 = vector.shape_cast %swap3A_31 : vector<16xf32> to vector<16xf32>
    %swap3A_33 = vector.shape_cast %broadcast_in_dim3A_29 : vector<16xf32> to vector<16xf32>
    tpu.vector_store %arg6[%swap3A_30], %swap3A_33 {strides = array<i32>} : memref<128xf32, #tpu.memory_space<vmem>>, vector<16xf32>,
    %broadcast_in_dim3A_34 = arith.constant 1.000000e+00 : f32
    %broadcast_in_dim3A_35 = vector.broadcast %broadcast_in_dim3A_34 : f32 to vector<16xf32>
    %swap3A_36 = arith.constant 96 : index
    %swap3A_37 = tpu.vector_load %arg6[%swap3A_36] {strides = array<i32>} : memref<128xf32, #tpu.memory_space<vmem>>, vector<16xf32>,
    %swap3A_38 = vector.shape_cast %swap3A_37 : vector<16xf32> to vector<16xf32>
    %swap3A_39 = vector.shape_cast %broadcast_in_dim3A_35 : vector<16xf32> to vector<16xf32>
    tpu.vector_store %arg6[%swap3A_36], %swap3A_39 {strides = array<i32>} : memref<128xf32, #tpu.memory_space<vmem>>, vector<16xf32>,
    %broadcast_in_dim3A_40 = arith.constant 1.000000e+00 : f32
    %broadcast_in_dim3A_41 = vector.broadcast %broadcast_in_dim3A_40 : f32 to vector<16xf32>
    %swap3A_42 = arith.constant 112 : index
    %swap3A_43 = tpu.vector_load %arg6[%swap3A_42] {strides = array<i32>} : memref<128xf32, #tpu.memory_space<vmem>>, vector<16xf32>,
    %swap3A_44 = vector.shape_cast %swap3A_43 : vector<16xf32> to vector<16xf32>
    %swap3A_45 = vector.shape_cast %broadcast_in_dim3A_41 : vector<16xf32> to vector<16xf32>
    tpu.vector_store %arg6[%swap3A_42], %swap3A_45 {strides = array<i32>} : memref<128xf32, #tpu.memory_space<vmem>>, vector<16xf32>,
    %mul3A = arith.constant 640 : i32
    %mul3A_46 = arith.muli %arg1, %mul3A : i32
    "tpu.region"() ({
      %run_scoped3A = tpu.sem_alloc : memref<!tpu.dma_semaphore, #tpu.memory_space<semaphore_mem>>
      %dma_start3A = tpu.memref_slice %arg7[%mul3A_46] : memref<10240xf32, #tpu.memory_space<vmem_shared>> -> memref<640xf32, #tpu.memory_space<vmem_shared>>
      tpu.enqueue_dma source(%arg3 : memref<640xf32, #tpu.memory_space<hbm>>) target(%dma_start3A : memref<640xf32, #tpu.memory_space<vmem_shared>>) target_semaphore(%run_scoped3A : memref<!tpu.dma_semaphore, #tpu.memory_space<semaphore_mem>>)
      %dma_wait3A = tpu.memref_slice %arg7[%mul3A_46] : memref<10240xf32, #tpu.memory_space<vmem_shared>> -> memref<640xf32, #tpu.memory_space<vmem_shared>>
      tpu.wait_dma2 semaphore(%run_scoped3A : memref<!tpu.dma_semaphore, #tpu.memory_space<semaphore_mem>>) src(%arg3 : memref<640xf32, #tpu.memory_space<hbm>>) dst(%dma_wait3A : memref<640xf32, #tpu.memory_space<vmem_shared>>)
      tpu.yield
    }) : () -> ()
    %barrier3A = arith.constant 0 : index
    tpu.barrier barrier_id(%barrier3A)
    %mul3A_47 = arith.constant 80 : i32
    %mul3A_48 = arith.muli %arg0, %mul3A_47 : i32
    "tpu.region"() ({
      %run_scoped3A = tpu.sem_alloc : memref<!tpu.dma_semaphore, #tpu.memory_space<semaphore_mem>>
      %dma_start3A = arith.constant 0 : i32
      %dma_start3A_59 = tpu.memref_slice %arg2[%arg1, %mul3A_48, %dma_start3A] : memref<16x160x128xi32, #tpu.memory_space<hbm>> -> memref<1x80x128xi32, #tpu.memory_space<hbm>>
      %dma_start3A_60 = tpu.memref_squeeze %dma_start3A_59 : memref<1x80x128xi32, #tpu.memory_space<hbm>> -> memref<80x128xi32, #tpu.memory_space<hbm>>
      %dma_start3A_61 = arith.constant 0 : i32
      %dma_start3A_62 = tpu.memref_slice %arg2[%arg1, %mul3A_48, %dma_start3A_61] : memref<16x160x128xi32, #tpu.memory_space<hbm>> -> memref<1x80x128xi32, #tpu.memory_space<hbm>>
      %dma_start3A_63 = tpu.memref_squeeze %dma_start3A_62 : memref<1x80x128xi32, #tpu.memory_space<hbm>> -> memref<80x128xi32, #tpu.memory_space<hbm>>
      tpu.enqueue_dma source(%dma_start3A_63 : memref<80x128xi32, #tpu.memory_space<hbm>>) target(%arg5 : memref<80x128xi32, #tpu.memory_space<vmem>>) target_semaphore(%run_scoped3A : memref<!tpu.dma_semaphore, #tpu.memory_space<semaphore_mem>>)
      %dma_wait3A = arith.constant 0 : i32
      %dma_wait3A_64 = tpu.memref_slice %arg2[%arg1, %mul3A_48, %dma_wait3A] : memref<16x160x128xi32, #tpu.memory_space<hbm>> -> memref<1x80x128xi32, #tpu.memory_space<hbm>>
      %dma_wait3A_65 = tpu.memref_squeeze %dma_wait3A_64 : memref<1x80x128xi32, #tpu.memory_space<hbm>> -> memref<80x128xi32, #tpu.memory_space<hbm>>
      %dma_wait3A_66 = arith.constant 0 : i32
      %dma_wait3A_67 = tpu.memref_slice %arg2[%arg1, %mul3A_48, %dma_wait3A_66] : memref<16x160x128xi32, #tpu.memory_space<hbm>> -> memref<1x80x128xi32, #tpu.memory_space<hbm>>
      %dma_wait3A_68 = tpu.memref_squeeze %dma_wait3A_67 : memref<1x80x128xi32, #tpu.memory_space<hbm>> -> memref<80x128xi32, #tpu.memory_space<hbm>>
      tpu.wait_dma2 semaphore(%run_scoped3A : memref<!tpu.dma_semaphore, #tpu.memory_space<semaphore_mem>>) src(%dma_wait3A_68 : memref<80x128xi32, #tpu.memory_space<hbm>>) dst(%arg5 : memref<80x128xi32, #tpu.memory_space<vmem>>)
      tpu.yield
    }) : () -> ()
    %scan3A = arith.constant 0 : i32
    %scan3A_49 = arith.constant 0 : i32
    %scan3A_50 = arith.constant 80 : i32
    %scan3A_51 = arith.addi %scan3A_49, %scan3A_50 : i32
    %scan3A_52 = arith.constant 1 : i32
    scf.for %scan3A_59 = %scan3A_49 to %scan3A_51 step %scan3A_52  : i32 {
      "tpu.region"() ({
        %run_scoped3A = tpu.sem_alloc : memref<!tpu.dma_semaphore, #tpu.memory_space<semaphore_mem>>
        %dma_start3A = arith.constant 0 : i32
        %dma_start3A_60 = tpu.memref_slice %arg5[%scan3A_59, %dma_start3A] : memref<80x128xi32, #tpu.memory_space<vmem>> -> memref<1x128xi32, #tpu.memory_space<vmem>>
        %dma_start3A_61 = tpu.memref_squeeze %dma_start3A_60 : memref<1x128xi32, #tpu.memory_space<vmem>> -> memref<128xi32, #tpu.memory_space<vmem>>
        %dma_start3A_62 = arith.constant 0 : i32
        %dma_start3A_63 = tpu.memref_slice %arg7[%dma_start3A_62] : memref<10240xf32, #tpu.memory_space<vmem_shared>> -> memref<10240xf32, #tpu.memory_space<vmem_shared>>
        tpu.enqueue_indirect_dma source(%arg6 : memref<128xf32, #tpu.memory_space<vmem>>) target(%dma_start3A_63 : memref<10240xf32, #tpu.memory_space<vmem_shared>>) offsets(%dma_start3A_61 : memref<128xi32, #tpu.memory_space<vmem>>) semaphore(%run_scoped3A : memref<!tpu.dma_semaphore, #tpu.memory_space<semaphore_mem>>) {add = true}
        %dma_wait3A = arith.constant 0 : i32
        %dma_wait3A_64 = tpu.memref_slice %arg5[%scan3A_59, %dma_wait3A] : memref<80x128xi32, #tpu.memory_space<vmem>> -> memref<1x128xi32, #tpu.memory_space<vmem>>
        %dma_wait3A_65 = tpu.memref_squeeze %dma_wait3A_64 : memref<1x128xi32, #tpu.memory_space<vmem>> -> memref<128xi32, #tpu.memory_space<vmem>>
        %dma_wait3A_66 = arith.constant 0 : i32
        %dma_wait3A_67 = tpu.memref_slice %arg7[%dma_wait3A_66] : memref<10240xf32, #tpu.memory_space<vmem_shared>> -> memref<10240xf32, #tpu.memory_space<vmem_shared>>
        tpu.wait_indirect_dma semaphore(%run_scoped3A : memref<!tpu.dma_semaphore, #tpu.memory_space<semaphore_mem>>) src(%arg6 : memref<128xf32, #tpu.memory_space<vmem>>) dst(%dma_wait3A_67 : memref<10240xf32, #tpu.memory_space<vmem_shared>>)
        tpu.yield
      }) : () -> ()
    }
    %scan3A_53 = arith.constant 80 : i32
    %barrier3A_54 = arith.constant 0 : index
    tpu.barrier barrier_id(%barrier3A_54)
    %mul3A_55 = arith.constant 640 : i32
    %mul3A_56 = arith.muli %arg1, %mul3A_55 : i32
    %mul3A_57 = arith.constant 640 : i32
    %mul3A_58 = arith.muli %arg1, %mul3A_57 : i32
    "tpu.region"() ({
      %run_scoped3A = tpu.sem_alloc : memref<!tpu.dma_semaphore, #tpu.memory_space<semaphore_mem>>
      %dma_start3A = tpu.memref_slice %arg4[%arg0, %mul3A_58] : memref<2x10240xf32, #tpu.memory_space<hbm>> -> memref<1x640xf32, #tpu.memory_space<hbm>>
      %dma_start3A_59 = tpu.memref_squeeze %dma_start3A : memref<1x640xf32, #tpu.memory_space<hbm>> -> memref<640xf32, #tpu.memory_space<hbm>>
      %dma_start3A_60 = tpu.memref_slice %arg7[%mul3A_56] : memref<10240xf32, #tpu.memory_space<vmem_shared>> -> memref<640xf32, #tpu.memory_space<vmem_shared>>
      tpu.enqueue_dma source(%dma_start3A_60 : memref<640xf32, #tpu.memory_space<vmem_shared>>) target(%dma_start3A_59 : memref<640xf32, #tpu.memory_space<hbm>>) target_semaphore(%run_scoped3A : memref<!tpu.dma_semaphore, #tpu.memory_space<semaphore_mem>>)
      %dma_wait3A = tpu.memref_slice %arg4[%arg0, %mul3A_58] : memref<2x10240xf32, #tpu.memory_space<hbm>> -> memref<1x640xf32, #tpu.memory_space<hbm>>
      %dma_wait3A_61 = tpu.memref_squeeze %dma_wait3A : memref<1x640xf32, #tpu.memory_space<hbm>> -> memref<640xf32, #tpu.memory_space<hbm>>
      %dma_wait3A_62 = tpu.memref_slice %arg7[%mul3A_56] : memref<10240xf32, #tpu.memory_space<vmem_shared>> -> memref<640xf32, #tpu.memory_space<vmem_shared>>
      tpu.wait_dma2 semaphore(%run_scoped3A : memref<!tpu.dma_semaphore, #tpu.memory_space<semaphore_mem>>) src(%dma_wait3A_62 : memref<640xf32, #tpu.memory_space<vmem_shared>>) dst(%dma_wait3A_61 : memref<640xf32, #tpu.memory_space<hbm>>)
      tpu.yield
    }) : () -> ()
    return
  }
}

#map = affine_map<(d0, d1) -> (0, 0)>
#map1 = affine_map<(d0, d1) -> (0, 0, 0)>
module attributes {stable_mosaic.version = 14 : i64} {
  func.func @scat_kernel(%arg0: i32, %arg1: i32, %arg2: memref<10000x64xf32, #tpu.memory_space<hbm>>, %arg3: memref<16x160x128xi32, #tpu.memory_space<hbm>>, %arg4: memref<16x160x128xi32, #tpu.memory_space<hbm>>, %arg5: memref<640x32xf32, #tpu.memory_space<hbm>>, %arg6: memref<2x10240x32xf32, #tpu.memory_space<hbm>>, %arg7: memref<32x128xi32, #tpu.memory_space<vmem>>, %arg8: memref<32x128xi32, #tpu.memory_space<vmem>>, %arg9: memref<4x128x32xf32, #tpu.memory_space<vmem>>, %arg10: memref<10000x32xf32, #tpu.memory_space<vmem_shared>>, %arg11: memref<10240x32xf32, #tpu.memory_space<vmem_shared>>, %arg12: memref<!tpu.dma_semaphore, #tpu.memory_space<semaphore_mem>>, %arg13: memref<!tpu.dma_semaphore, #tpu.memory_space<semaphore_mem>>, %arg14: memref<!tpu.dma_semaphore, #tpu.memory_space<semaphore_mem>>, %arg15: memref<!tpu.dma_semaphore, #tpu.memory_space<semaphore_mem>>, %arg16: memref<!tpu.dma_semaphore, #tpu.memory_space<semaphore_mem>>, %arg17: memref<!tpu.dma_semaphore, #tpu.memory_space<semaphore_mem>>, %arg18: memref<!tpu.dma_semaphore, #tpu.memory_space<semaphore_mem>>, %arg19: memref<!tpu.dma_semaphore, #tpu.memory_space<semaphore_mem>>) attributes {dimension_semantics = [#tpu.dimension_semantics<core_parallel>, #tpu.dimension_semantics<subcore_parallel>], iteration_bounds = array<i64: 2, 16>, scalar_prefetch = 0 : i64, scratch_operands = 13 : i64, tpu.core_type = #tpu.core_type<sc_vector_subcore>, window_params = [{transform_indices = #map}, {transform_indices = #map1}, {transform_indices = #map1}, {transform_indices = #map}, {transform_indices = #map1}]} {
    %mul3A = arith.constant 640 : i32
    %mul3A_0 = arith.muli %arg1, %mul3A : i32
    "tpu.region"() ({
      %run_scoped3A = tpu.sem_alloc : memref<!tpu.dma_semaphore, #tpu.memory_space<semaphore_mem>>
      %dma_start3A = arith.constant 0 : i32
      %dma_start3A_17 = tpu.memref_slice %arg11[%mul3A_0, %dma_start3A] : memref<10240x32xf32, #tpu.memory_space<vmem_shared>> -> memref<640x32xf32, #tpu.memory_space<vmem_shared>>
      tpu.enqueue_dma source(%arg5 : memref<640x32xf32, #tpu.memory_space<hbm>>) target(%dma_start3A_17 : memref<640x32xf32, #tpu.memory_space<vmem_shared>>) target_semaphore(%run_scoped3A : memref<!tpu.dma_semaphore, #tpu.memory_space<semaphore_mem>>)
      %dma_wait3A = arith.constant 0 : i32
      %dma_wait3A_18 = tpu.memref_slice %arg11[%mul3A_0, %dma_wait3A] : memref<10240x32xf32, #tpu.memory_space<vmem_shared>> -> memref<640x32xf32, #tpu.memory_space<vmem_shared>>
      tpu.wait_dma2 semaphore(%run_scoped3A : memref<!tpu.dma_semaphore, #tpu.memory_space<semaphore_mem>>) src(%arg5 : memref<640x32xf32, #tpu.memory_space<hbm>>) dst(%dma_wait3A_18 : memref<640x32xf32, #tpu.memory_space<vmem_shared>>)
      tpu.yield
    }) : () -> ()
    %mul3A_1 = arith.constant 625 : i32
    %mul3A_2 = arith.muli %arg1, %mul3A_1 : i32
    %mul3A_3 = arith.constant 32 : i32
    %mul3A_4 = arith.muli %arg0, %mul3A_3 : i32
    %mul3A_5 = arith.constant 625 : i32
    %mul3A_6 = arith.muli %arg1, %mul3A_5 : i32
    "tpu.region"() ({
      %run_scoped3A = tpu.sem_alloc : memref<!tpu.dma_semaphore, #tpu.memory_space<semaphore_mem>>
      %dma_start3A = arith.constant 0 : i32
      %dma_start3A_17 = tpu.memref_slice %arg10[%mul3A_6, %dma_start3A] : memref<10000x32xf32, #tpu.memory_space<vmem_shared>> -> memref<625x32xf32, #tpu.memory_space<vmem_shared>>
      %dma_start3A_18 = tpu.memref_slice %arg2[%mul3A_2, %mul3A_4] : memref<10000x64xf32, #tpu.memory_space<hbm>> -> memref<625x32xf32, #tpu.memory_space<hbm>>
      tpu.enqueue_dma source(%dma_start3A_18 : memref<625x32xf32, #tpu.memory_space<hbm>>) target(%dma_start3A_17 : memref<625x32xf32, #tpu.memory_space<vmem_shared>>) target_semaphore(%run_scoped3A : memref<!tpu.dma_semaphore, #tpu.memory_space<semaphore_mem>>)
      %dma_wait3A = arith.constant 0 : i32
      %dma_wait3A_19 = tpu.memref_slice %arg10[%mul3A_6, %dma_wait3A] : memref<10000x32xf32, #tpu.memory_space<vmem_shared>> -> memref<625x32xf32, #tpu.memory_space<vmem_shared>>
      %dma_wait3A_20 = tpu.memref_slice %arg2[%mul3A_2, %mul3A_4] : memref<10000x64xf32, #tpu.memory_space<hbm>> -> memref<625x32xf32, #tpu.memory_space<hbm>>
      tpu.wait_dma2 semaphore(%run_scoped3A : memref<!tpu.dma_semaphore, #tpu.memory_space<semaphore_mem>>) src(%dma_wait3A_20 : memref<625x32xf32, #tpu.memory_space<hbm>>) dst(%dma_wait3A_19 : memref<625x32xf32, #tpu.memory_space<vmem_shared>>)
      tpu.yield
    }) : () -> ()
    %barrier3A = arith.constant 0 : index
    tpu.barrier barrier_id(%barrier3A)
    %scan3A = arith.constant 0 : i32
    %scan3A_7 = arith.constant 0 : i32
    %scan3A_8 = arith.constant 5 : i32
    %scan3A_9 = arith.addi %scan3A_7, %scan3A_8 : i32
    %scan3A_10 = arith.constant 1 : i32
    scf.for %scan3A_17 = %scan3A_7 to %scan3A_9 step %scan3A_10  : i32 {
      %mul3A_18 = arith.constant 32 : i32
      %mul3A_19 = arith.muli %scan3A_17, %mul3A_18 : i32
      "tpu.region"() ({
        %run_scoped3A = tpu.sem_alloc : memref<!tpu.dma_semaphore, #tpu.memory_space<semaphore_mem>>
        %dma_start3A_74 = arith.constant 0 : i32
        %dma_start3A_75 = tpu.memref_slice %arg3[%arg1, %mul3A_19, %dma_start3A_74] : memref<16x160x128xi32, #tpu.memory_space<hbm>> -> memref<1x32x128xi32, #tpu.memory_space<hbm>>
        %dma_start3A_76 = tpu.memref_squeeze %dma_start3A_75 : memref<1x32x128xi32, #tpu.memory_space<hbm>> -> memref<32x128xi32, #tpu.memory_space<hbm>>
        %dma_start3A_77 = arith.constant 0 : i32
        %dma_start3A_78 = tpu.memref_slice %arg3[%arg1, %mul3A_19, %dma_start3A_77] : memref<16x160x128xi32, #tpu.memory_space<hbm>> -> memref<1x32x128xi32, #tpu.memory_space<hbm>>
        %dma_start3A_79 = tpu.memref_squeeze %dma_start3A_78 : memref<1x32x128xi32, #tpu.memory_space<hbm>> -> memref<32x128xi32, #tpu.memory_space<hbm>>
        tpu.enqueue_dma source(%dma_start3A_79 : memref<32x128xi32, #tpu.memory_space<hbm>>) target(%arg7 : memref<32x128xi32, #tpu.memory_space<vmem>>) target_semaphore(%run_scoped3A : memref<!tpu.dma_semaphore, #tpu.memory_space<semaphore_mem>>)
        %dma_wait3A_80 = arith.constant 0 : i32
        %dma_wait3A_81 = tpu.memref_slice %arg3[%arg1, %mul3A_19, %dma_wait3A_80] : memref<16x160x128xi32, #tpu.memory_space<hbm>> -> memref<1x32x128xi32, #tpu.memory_space<hbm>>
        %dma_wait3A_82 = tpu.memref_squeeze %dma_wait3A_81 : memref<1x32x128xi32, #tpu.memory_space<hbm>> -> memref<32x128xi32, #tpu.memory_space<hbm>>
        %dma_wait3A_83 = arith.constant 0 : i32
        %dma_wait3A_84 = tpu.memref_slice %arg3[%arg1, %mul3A_19, %dma_wait3A_83] : memref<16x160x128xi32, #tpu.memory_space<hbm>> -> memref<1x32x128xi32, #tpu.memory_space<hbm>>
        %dma_wait3A_85 = tpu.memref_squeeze %dma_wait3A_84 : memref<1x32x128xi32, #tpu.memory_space<hbm>> -> memref<32x128xi32, #tpu.memory_space<hbm>>
        tpu.wait_dma2 semaphore(%run_scoped3A : memref<!tpu.dma_semaphore, #tpu.memory_space<semaphore_mem>>) src(%dma_wait3A_85 : memref<32x128xi32, #tpu.memory_space<hbm>>) dst(%arg7 : memref<32x128xi32, #tpu.memory_space<vmem>>)
        tpu.yield
      }) : () -> ()
      %mul3A_20 = arith.constant 32 : i32
      %mul3A_21 = arith.muli %scan3A_17, %mul3A_20 : i32
      "tpu.region"() ({
        %run_scoped3A = tpu.sem_alloc : memref<!tpu.dma_semaphore, #tpu.memory_space<semaphore_mem>>
        %dma_start3A_74 = arith.constant 0 : i32
        %dma_start3A_75 = tpu.memref_slice %arg4[%arg1, %mul3A_21, %dma_start3A_74] : memref<16x160x128xi32, #tpu.memory_space<hbm>> -> memref<1x32x128xi32, #tpu.memory_space<hbm>>
        %dma_start3A_76 = tpu.memref_squeeze %dma_start3A_75 : memref<1x32x128xi32, #tpu.memory_space<hbm>> -> memref<32x128xi32, #tpu.memory_space<hbm>>
        %dma_start3A_77 = arith.constant 0 : i32
        %dma_start3A_78 = tpu.memref_slice %arg4[%arg1, %mul3A_21, %dma_start3A_77] : memref<16x160x128xi32, #tpu.memory_space<hbm>> -> memref<1x32x128xi32, #tpu.memory_space<hbm>>
        %dma_start3A_79 = tpu.memref_squeeze %dma_start3A_78 : memref<1x32x128xi32, #tpu.memory_space<hbm>> -> memref<32x128xi32, #tpu.memory_space<hbm>>
        tpu.enqueue_dma source(%dma_start3A_79 : memref<32x128xi32, #tpu.memory_space<hbm>>) target(%arg8 : memref<32x128xi32, #tpu.memory_space<vmem>>) target_semaphore(%run_scoped3A : memref<!tpu.dma_semaphore, #tpu.memory_space<semaphore_mem>>)
        %dma_wait3A_80 = arith.constant 0 : i32
        %dma_wait3A_81 = tpu.memref_slice %arg4[%arg1, %mul3A_21, %dma_wait3A_80] : memref<16x160x128xi32, #tpu.memory_space<hbm>> -> memref<1x32x128xi32, #tpu.memory_space<hbm>>
        %dma_wait3A_82 = tpu.memref_squeeze %dma_wait3A_81 : memref<1x32x128xi32, #tpu.memory_space<hbm>> -> memref<32x128xi32, #tpu.memory_space<hbm>>
        %dma_wait3A_83 = arith.constant 0 : i32
        %dma_wait3A_84 = tpu.memref_slice %arg4[%arg1, %mul3A_21, %dma_wait3A_83] : memref<16x160x128xi32, #tpu.memory_space<hbm>> -> memref<1x32x128xi32, #tpu.memory_space<hbm>>
        %dma_wait3A_85 = tpu.memref_squeeze %dma_wait3A_84 : memref<1x32x128xi32, #tpu.memory_space<hbm>> -> memref<32x128xi32, #tpu.memory_space<hbm>>
        tpu.wait_dma2 semaphore(%run_scoped3A : memref<!tpu.dma_semaphore, #tpu.memory_space<semaphore_mem>>) src(%dma_wait3A_85 : memref<32x128xi32, #tpu.memory_space<hbm>>) dst(%arg8 : memref<32x128xi32, #tpu.memory_space<vmem>>)
        tpu.yield
      }) : () -> ()
      %dma_start3A = arith.constant 0 : i32
      %dma_start3A_22 = arith.constant 0 : i32
      %dma_start3A_23 = arith.constant 0 : i32
      %dma_start3A_24 = arith.constant 0 : i32
      %dma_start3A_25 = tpu.memref_slice %arg9[%dma_start3A_22, %dma_start3A_23, %dma_start3A_24] : memref<4x128x32xf32, #tpu.memory_space<vmem>> -> memref<1x128x32xf32, #tpu.memory_space<vmem>>
      %dma_start3A_26 = tpu.memref_squeeze %dma_start3A_25 : memref<1x128x32xf32, #tpu.memory_space<vmem>> -> memref<128x32xf32, #tpu.memory_space<vmem>>
      %dma_start3A_27 = arith.constant 0 : i32
      %dma_start3A_28 = tpu.memref_slice %arg7[%dma_start3A, %dma_start3A_27] : memref<32x128xi32, #tpu.memory_space<vmem>> -> memref<1x128xi32, #tpu.memory_space<vmem>>
      %dma_start3A_29 = tpu.memref_squeeze %dma_start3A_28 : memref<1x128xi32, #tpu.memory_space<vmem>> -> memref<128xi32, #tpu.memory_space<vmem>>
      %dma_start3A_30 = arith.constant 0 : i32
      %dma_start3A_31 = arith.constant 0 : i32
      %dma_start3A_32 = tpu.memref_slice %arg10[%dma_start3A_30, %dma_start3A_31] : memref<10000x32xf32, #tpu.memory_space<vmem_shared>> -> memref<10000x32xf32, #tpu.memory_space<vmem_shared>>
      tpu.enqueue_indirect_dma source(%dma_start3A_32 : memref<10000x32xf32, #tpu.memory_space<vmem_shared>>) target(%dma_start3A_26 : memref<128x32xf32, #tpu.memory_space<vmem>>) offsets(%dma_start3A_29 : memref<128xi32, #tpu.memory_space<vmem>>) semaphore(%arg12 : memref<!tpu.dma_semaphore, #tpu.memory_space<semaphore_mem>>)
      %dma_start3A_33 = arith.constant 1 : i32
      %dma_start3A_34 = arith.constant 1 : i32
      %dma_start3A_35 = arith.constant 0 : i32
      %dma_start3A_36 = arith.constant 0 : i32
      %dma_start3A_37 = tpu.memref_slice %arg9[%dma_start3A_34, %dma_start3A_35, %dma_start3A_36] : memref<4x128x32xf32, #tpu.memory_space<vmem>> -> memref<1x128x32xf32, #tpu.memory_space<vmem>>
      %dma_start3A_38 = tpu.memref_squeeze %dma_start3A_37 : memref<1x128x32xf32, #tpu.memory_space<vmem>> -> memref<128x32xf32, #tpu.memory_space<vmem>>
      %dma_start3A_39 = arith.constant 0 : i32
      %dma_start3A_40 = tpu.memref_slice %arg7[%dma_start3A_33, %dma_start3A_39] : memref<32x128xi32, #tpu.memory_space<vmem>> -> memref<1x128xi32, #tpu.memory_space<vmem>>
      %dma_start3A_41 = tpu.memref_squeeze %dma_start3A_40 : memref<1x128xi32, #tpu.memory_space<vmem>> -> memref<128xi32, #tpu.memory_space<vmem>>
      %dma_start3A_42 = arith.constant 0 : i32
      %dma_start3A_43 = arith.constant 0 : i32
      %dma_start3A_44 = tpu.memref_slice %arg10[%dma_start3A_42, %dma_start3A_43] : memref<10000x32xf32, #tpu.memory_space<vmem_shared>> -> memref<10000x32xf32, #tpu.memory_space<vmem_shared>>
      tpu.enqueue_indirect_dma source(%dma_start3A_44 : memref<10000x32xf32, #tpu.memory_space<vmem_shared>>) target(%dma_start3A_38 : memref<128x32xf32, #tpu.memory_space<vmem>>) offsets(%dma_start3A_41 : memref<128xi32, #tpu.memory_space<vmem>>) semaphore(%arg13 : memref<!tpu.dma_semaphore, #tpu.memory_space<semaphore_mem>>)
      %dma_start3A_45 = arith.constant 2 : i32
      %dma_start3A_46 = arith.constant 2 : i32
      %dma_start3A_47 = arith.constant 0 : i32
      %dma_start3A_48 = arith.constant 0 : i32
      %dma_start3A_49 = tpu.memref_slice %arg9[%dma_start3A_46, %dma_start3A_47, %dma_start3A_48] : memref<4x128x32xf32, #tpu.memory_space<vmem>> -> memref<1x128x32xf32, #tpu.memory_space<vmem>>
      %dma_start3A_50 = tpu.memref_squeeze %dma_start3A_49 : memref<1x128x32xf32, #tpu.memory_space<vmem>> -> memref<128x32xf32, #tpu.memory_space<vmem>>
      %dma_start3A_51 = arith.constant 0 : i32
      %dma_start3A_52 = tpu.memref_slice %arg7[%dma_start3A_45, %dma_start3A_51] : memref<32x128xi32, #tpu.memory_space<vmem>> -> memref<1x128xi32, #tpu.memory_space<vmem>>
      %dma_start3A_53 = tpu.memref_squeeze %dma_start3A_52 : memref<1x128xi32, #tpu.memory_space<vmem>> -> memref<128xi32, #tpu.memory_space<vmem>>
      %dma_start3A_54 = arith.constant 0 : i32
      %dma_start3A_55 = arith.constant 0 : i32
      %dma_start3A_56 = tpu.memref_slice %arg10[%dma_start3A_54, %dma_start3A_55] : memref<10000x32xf32, #tpu.memory_space<vmem_shared>> -> memref<10000x32xf32, #tpu.memory_space<vmem_shared>>
      tpu.enqueue_indirect_dma source(%dma_start3A_56 : memref<10000x32xf32, #tpu.memory_space<vmem_shared>>) target(%dma_start3A_50 : memref<128x32xf32, #tpu.memory_space<vmem>>) offsets(%dma_start3A_53 : memref<128xi32, #tpu.memory_space<vmem>>) semaphore(%arg14 : memref<!tpu.dma_semaphore, #tpu.memory_space<semaphore_mem>>)
      %scan3A_57 = arith.constant 0 : i32
      %scan3A_58 = arith.constant 0 : i32
      %scan3A_59 = arith.constant 8 : i32
      %scan3A_60 = arith.addi %scan3A_58, %scan3A_59 : i32
      %scan3A_61 = arith.constant 1 : i32
      scf.for %scan3A_74 = %scan3A_58 to %scan3A_60 step %scan3A_61  : i32 {
        %mul3A_75 = arith.constant 4 : i32
        %mul3A_76 = arith.muli %scan3A_74, %mul3A_75 : i32
        %add3A = arith.constant 0 : i32
        %add3A_77 = arith.addi %mul3A_76, %add3A : i32
        %dma_wait3A_78 = arith.constant 0 : i32
        %dma_wait3A_79 = arith.constant 0 : i32
        %dma_wait3A_80 = arith.constant 0 : i32
        %dma_wait3A_81 = tpu.memref_slice %arg9[%dma_wait3A_78, %dma_wait3A_79, %dma_wait3A_80] : memref<4x128x32xf32, #tpu.memory_space<vmem>> -> memref<1x128x32xf32, #tpu.memory_space<vmem>>
        %dma_wait3A_82 = tpu.memref_squeeze %dma_wait3A_81 : memref<1x128x32xf32, #tpu.memory_space<vmem>> -> memref<128x32xf32, #tpu.memory_space<vmem>>
        %dma_wait3A_83 = arith.constant 0 : i32
        %dma_wait3A_84 = tpu.memref_slice %arg7[%add3A_77, %dma_wait3A_83] : memref<32x128xi32, #tpu.memory_space<vmem>> -> memref<1x128xi32, #tpu.memory_space<vmem>>
        %dma_wait3A_85 = tpu.memref_squeeze %dma_wait3A_84 : memref<1x128xi32, #tpu.memory_space<vmem>> -> memref<128xi32, #tpu.memory_space<vmem>>
        %dma_wait3A_86 = arith.constant 0 : i32
        %dma_wait3A_87 = arith.constant 0 : i32
        %dma_wait3A_88 = tpu.memref_slice %arg10[%dma_wait3A_86, %dma_wait3A_87] : memref<10000x32xf32, #tpu.memory_space<vmem_shared>> -> memref<10000x32xf32, #tpu.memory_space<vmem_shared>>
        tpu.wait_indirect_dma semaphore(%arg12 : memref<!tpu.dma_semaphore, #tpu.memory_space<semaphore_mem>>) src(%dma_wait3A_88 : memref<10000x32xf32, #tpu.memory_space<vmem_shared>>) dst(%dma_wait3A_82 : memref<128x32xf32, #tpu.memory_space<vmem>>)
        %dma_start3A_89 = arith.constant 0 : i32
        %dma_start3A_90 = arith.constant 0 : i32
        %dma_start3A_91 = arith.constant 0 : i32
        %dma_start3A_92 = tpu.memref_slice %arg9[%dma_start3A_89, %dma_start3A_90, %dma_start3A_91] : memref<4x128x32xf32, #tpu.memory_space<vmem>> -> memref<1x128x32xf32, #tpu.memory_space<vmem>>
        %dma_start3A_93 = tpu.memref_squeeze %dma_start3A_92 : memref<1x128x32xf32, #tpu.memory_space<vmem>> -> memref<128x32xf32, #tpu.memory_space<vmem>>
        %dma_start3A_94 = arith.constant 0 : i32
        %dma_start3A_95 = tpu.memref_slice %arg8[%add3A_77, %dma_start3A_94] : memref<32x128xi32, #tpu.memory_space<vmem>> -> memref<1x128xi32, #tpu.memory_space<vmem>>
        %dma_start3A_96 = tpu.memref_squeeze %dma_start3A_95 : memref<1x128xi32, #tpu.memory_space<vmem>> -> memref<128xi32, #tpu.memory_space<vmem>>
        %dma_start3A_97 = arith.constant 0 : i32
        %dma_start3A_98 = arith.constant 0 : i32
        %dma_start3A_99 = tpu.memref_slice %arg11[%dma_start3A_97, %dma_start3A_98] : memref<10240x32xf32, #tpu.memory_space<vmem_shared>> -> memref<10240x32xf32, #tpu.memory_space<vmem_shared>>
        tpu.enqueue_indirect_dma source(%dma_start3A_93 : memref<128x32xf32, #tpu.memory_space<vmem>>) target(%dma_start3A_99 : memref<10240x32xf32, #tpu.memory_space<vmem_shared>>) offsets(%dma_start3A_96 : memref<128xi32, #tpu.memory_space<vmem>>) semaphore(%arg16 : memref<!tpu.dma_semaphore, #tpu.memory_space<semaphore_mem>>) {add = true}
        %gt3A = arith.constant 0 : i32
        %gt3A_100 = arith.cmpi sgt, %add3A_77, %gt3A : i32
        %convert_element_type3A = arith.extui %gt3A_100 : i1 to i32
        %cond3A = arith.constant 0 : i32
        %cond3A_101 = arith.cmpi ne, %convert_element_type3A, %cond3A : i32
        scf.if %cond3A_101 {
          %sub3A_229 = arith.constant 1 : i32
          %sub3A_230 = arith.subi %add3A_77, %sub3A_229 : i32
          %dma_wait3A_231 = arith.constant 3 : i32
          %dma_wait3A_232 = arith.constant 0 : i32
          %dma_wait3A_233 = arith.constant 0 : i32
          %dma_wait3A_234 = tpu.memref_slice %arg9[%dma_wait3A_231, %dma_wait3A_232, %dma_wait3A_233] : memref<4x128x32xf32, #tpu.memory_space<vmem>> -> memref<1x128x32xf32, #tpu.memory_space<vmem>>
          %dma_wait3A_235 = tpu.memref_squeeze %dma_wait3A_234 : memref<1x128x32xf32, #tpu.memory_space<vmem>> -> memref<128x32xf32, #tpu.memory_space<vmem>>
          %dma_wait3A_236 = arith.constant 0 : i32
          %dma_wait3A_237 = tpu.memref_slice %arg8[%sub3A_230, %dma_wait3A_236] : memref<32x128xi32, #tpu.memory_space<vmem>> -> memref<1x128xi32, #tpu.memory_space<vmem>>
          %dma_wait3A_238 = tpu.memref_squeeze %dma_wait3A_237 : memref<1x128xi32, #tpu.memory_space<vmem>> -> memref<128xi32, #tpu.memory_space<vmem>>
          %dma_wait3A_239 = arith.constant 0 : i32
          %dma_wait3A_240 = arith.constant 0 : i32
          %dma_wait3A_241 = tpu.memref_slice %arg11[%dma_wait3A_239, %dma_wait3A_240] : memref<10240x32xf32, #tpu.memory_space<vmem_shared>> -> memref<10240x32xf32, #tpu.memory_space<vmem_shared>>
          tpu.wait_indirect_dma semaphore(%arg19 : memref<!tpu.dma_semaphore, #tpu.memory_space<semaphore_mem>>) src(%dma_wait3A_235 : memref<128x32xf32, #tpu.memory_space<vmem>>) dst(%dma_wait3A_241 : memref<10240x32xf32, #tpu.memory_space<vmem_shared>>)
        } else {
        }
        %add3A_102 = arith.constant 4 : i32
        %add3A_103 = arith.addi %add3A_77, %add3A_102 : i32
        %sub3A = arith.constant 1 : i32
        %sub3A_104 = arith.subi %add3A_103, %sub3A : i32
        %lt3A = arith.constant 32 : i32
        %lt3A_105 = arith.cmpi slt, %sub3A_104, %lt3A : i32
        %convert_element_type3A_106 = arith.extui %lt3A_105 : i1 to i32
        %cond3A_107 = arith.constant 0 : i32
        %cond3A_108 = arith.cmpi ne, %convert_element_type3A_106, %cond3A_107 : i32
        scf.if %cond3A_108 {
          %add3A_229 = arith.constant 4 : i32
          %add3A_230 = arith.addi %add3A_77, %add3A_229 : i32
          %sub3A_231 = arith.constant 1 : i32
          %sub3A_232 = arith.subi %add3A_230, %sub3A_231 : i32
          %dma_start3A_233 = arith.constant 3 : i32
          %dma_start3A_234 = arith.constant 0 : i32
          %dma_start3A_235 = arith.constant 0 : i32
          %dma_start3A_236 = tpu.memref_slice %arg9[%dma_start3A_233, %dma_start3A_234, %dma_start3A_235] : memref<4x128x32xf32, #tpu.memory_space<vmem>> -> memref<1x128x32xf32, #tpu.memory_space<vmem>>
          %dma_start3A_237 = tpu.memref_squeeze %dma_start3A_236 : memref<1x128x32xf32, #tpu.memory_space<vmem>> -> memref<128x32xf32, #tpu.memory_space<vmem>>
          %dma_start3A_238 = arith.constant 0 : i32
          %dma_start3A_239 = tpu.memref_slice %arg7[%sub3A_232, %dma_start3A_238] : memref<32x128xi32, #tpu.memory_space<vmem>> -> memref<1x128xi32, #tpu.memory_space<vmem>>
          %dma_start3A_240 = tpu.memref_squeeze %dma_start3A_239 : memref<1x128xi32, #tpu.memory_space<vmem>> -> memref<128xi32, #tpu.memory_space<vmem>>
          %dma_start3A_241 = arith.constant 0 : i32
          %dma_start3A_242 = arith.constant 0 : i32
          %dma_start3A_243 = tpu.memref_slice %arg10[%dma_start3A_241, %dma_start3A_242] : memref<10000x32xf32, #tpu.memory_space<vmem_shared>> -> memref<10000x32xf32, #tpu.memory_space<vmem_shared>>
          tpu.enqueue_indirect_dma source(%dma_start3A_243 : memref<10000x32xf32, #tpu.memory_space<vmem_shared>>) target(%dma_start3A_237 : memref<128x32xf32, #tpu.memory_space<vmem>>) offsets(%dma_start3A_240 : memref<128xi32, #tpu.memory_space<vmem>>) semaphore(%arg15 : memref<!tpu.dma_semaphore, #tpu.memory_space<semaphore_mem>>)
        } else {
        }
        %mul3A_109 = arith.constant 4 : i32
        %mul3A_110 = arith.muli %scan3A_74, %mul3A_109 : i32
        %add3A_111 = arith.constant 1 : i32
        %add3A_112 = arith.addi %mul3A_110, %add3A_111 : i32
        %dma_wait3A_113 = arith.constant 1 : i32
        %dma_wait3A_114 = arith.constant 0 : i32
        %dma_wait3A_115 = arith.constant 0 : i32
        %dma_wait3A_116 = tpu.memref_slice %arg9[%dma_wait3A_113, %dma_wait3A_114, %dma_wait3A_115] : memref<4x128x32xf32, #tpu.memory_space<vmem>> -> memref<1x128x32xf32, #tpu.memory_space<vmem>>
        %dma_wait3A_117 = tpu.memref_squeeze %dma_wait3A_116 : memref<1x128x32xf32, #tpu.memory_space<vmem>> -> memref<128x32xf32, #tpu.memory_space<vmem>>
        %dma_wait3A_118 = arith.constant 0 : i32
        %dma_wait3A_119 = tpu.memref_slice %arg7[%add3A_112, %dma_wait3A_118] : memref<32x128xi32, #tpu.memory_space<vmem>> -> memref<1x128xi32, #tpu.memory_space<vmem>>
        %dma_wait3A_120 = tpu.memref_squeeze %dma_wait3A_119 : memref<1x128xi32, #tpu.memory_space<vmem>> -> memref<128xi32, #tpu.memory_space<vmem>>
        %dma_wait3A_121 = arith.constant 0 : i32
        %dma_wait3A_122 = arith.constant 0 : i32
        %dma_wait3A_123 = tpu.memref_slice %arg10[%dma_wait3A_121, %dma_wait3A_122] : memref<10000x32xf32, #tpu.memory_space<vmem_shared>> -> memref<10000x32xf32, #tpu.memory_space<vmem_shared>>
        tpu.wait_indirect_dma semaphore(%arg13 : memref<!tpu.dma_semaphore, #tpu.memory_space<semaphore_mem>>) src(%dma_wait3A_123 : memref<10000x32xf32, #tpu.memory_space<vmem_shared>>) dst(%dma_wait3A_117 : memref<128x32xf32, #tpu.memory_space<vmem>>)
        %dma_start3A_124 = arith.constant 1 : i32
        %dma_start3A_125 = arith.constant 0 : i32
        %dma_start3A_126 = arith.constant 0 : i32
        %dma_start3A_127 = tpu.memref_slice %arg9[%dma_start3A_124, %dma_start3A_125, %dma_start3A_126] : memref<4x128x32xf32, #tpu.memory_space<vmem>> -> memref<1x128x32xf32, #tpu.memory_space<vmem>>
        %dma_start3A_128 = tpu.memref_squeeze %dma_start3A_127 : memref<1x128x32xf32, #tpu.memory_space<vmem>> -> memref<128x32xf32, #tpu.memory_space<vmem>>
        %dma_start3A_129 = arith.constant 0 : i32
        %dma_start3A_130 = tpu.memref_slice %arg8[%add3A_112, %dma_start3A_129] : memref<32x128xi32, #tpu.memory_space<vmem>> -> memref<1x128xi32, #tpu.memory_space<vmem>>
        %dma_start3A_131 = tpu.memref_squeeze %dma_start3A_130 : memref<1x128xi32, #tpu.memory_space<vmem>> -> memref<128xi32, #tpu.memory_space<vmem>>
        %dma_start3A_132 = arith.constant 0 : i32
        %dma_start3A_133 = arith.constant 0 : i32
        %dma_start3A_134 = tpu.memref_slice %arg11[%dma_start3A_132, %dma_start3A_133] : memref<10240x32xf32, #tpu.memory_space<vmem_shared>> -> memref<10240x32xf32, #tpu.memory_space<vmem_shared>>
        tpu.enqueue_indirect_dma source(%dma_start3A_128 : memref<128x32xf32, #tpu.memory_space<vmem>>) target(%dma_start3A_134 : memref<10240x32xf32, #tpu.memory_space<vmem_shared>>) offsets(%dma_start3A_131 : memref<128xi32, #tpu.memory_space<vmem>>) semaphore(%arg17 : memref<!tpu.dma_semaphore, #tpu.memory_space<semaphore_mem>>) {add = true}
        %gt3A_135 = arith.constant 0 : i32
        %gt3A_136 = arith.cmpi sgt, %add3A_112, %gt3A_135 : i32
        %convert_element_type3A_137 = arith.extui %gt3A_136 : i1 to i32
        %cond3A_138 = arith.constant 0 : i32
        %cond3A_139 = arith.cmpi ne, %convert_element_type3A_137, %cond3A_138 : i32
        scf.if %cond3A_139 {
          %sub3A_229 = arith.constant 1 : i32
          %sub3A_230 = arith.subi %add3A_112, %sub3A_229 : i32
          %dma_wait3A_231 = arith.constant 0 : i32
          %dma_wait3A_232 = arith.constant 0 : i32
          %dma_wait3A_233 = arith.constant 0 : i32
          %dma_wait3A_234 = tpu.memref_slice %arg9[%dma_wait3A_231, %dma_wait3A_232, %dma_wait3A_233] : memref<4x128x32xf32, #tpu.memory_space<vmem>> -> memref<1x128x32xf32, #tpu.memory_space<vmem>>
          %dma_wait3A_235 = tpu.memref_squeeze %dma_wait3A_234 : memref<1x128x32xf32, #tpu.memory_space<vmem>> -> memref<128x32xf32, #tpu.memory_space<vmem>>
          %dma_wait3A_236 = arith.constant 0 : i32
          %dma_wait3A_237 = tpu.memref_slice %arg8[%sub3A_230, %dma_wait3A_236] : memref<32x128xi32, #tpu.memory_space<vmem>> -> memref<1x128xi32, #tpu.memory_space<vmem>>
          %dma_wait3A_238 = tpu.memref_squeeze %dma_wait3A_237 : memref<1x128xi32, #tpu.memory_space<vmem>> -> memref<128xi32, #tpu.memory_space<vmem>>
          %dma_wait3A_239 = arith.constant 0 : i32
          %dma_wait3A_240 = arith.constant 0 : i32
          %dma_wait3A_241 = tpu.memref_slice %arg11[%dma_wait3A_239, %dma_wait3A_240] : memref<10240x32xf32, #tpu.memory_space<vmem_shared>> -> memref<10240x32xf32, #tpu.memory_space<vmem_shared>>
          tpu.wait_indirect_dma semaphore(%arg16 : memref<!tpu.dma_semaphore, #tpu.memory_space<semaphore_mem>>) src(%dma_wait3A_235 : memref<128x32xf32, #tpu.memory_space<vmem>>) dst(%dma_wait3A_241 : memref<10240x32xf32, #tpu.memory_space<vmem_shared>>)
        } else {
        }
        %add3A_140 = arith.constant 4 : i32
        %add3A_141 = arith.addi %add3A_112, %add3A_140 : i32
        %sub3A_142 = arith.constant 1 : i32
        %sub3A_143 = arith.subi %add3A_141, %sub3A_142 : i32
        %lt3A_144 = arith.constant 32 : i32
        %lt3A_145 = arith.cmpi slt, %sub3A_143, %lt3A_144 : i32
        %convert_element_type3A_146 = arith.extui %lt3A_145 : i1 to i32
        %cond3A_147 = arith.constant 0 : i32
        %cond3A_148 = arith.cmpi ne, %convert_element_type3A_146, %cond3A_147 : i32
        scf.if %cond3A_148 {
          %add3A_229 = arith.constant 4 : i32
          %add3A_230 = arith.addi %add3A_112, %add3A_229 : i32
          %sub3A_231 = arith.constant 1 : i32
          %sub3A_232 = arith.subi %add3A_230, %sub3A_231 : i32
          %dma_start3A_233 = arith.constant 0 : i32
          %dma_start3A_234 = arith.constant 0 : i32
          %dma_start3A_235 = arith.constant 0 : i32
          %dma_start3A_236 = tpu.memref_slice %arg9[%dma_start3A_233, %dma_start3A_234, %dma_start3A_235] : memref<4x128x32xf32, #tpu.memory_space<vmem>> -> memref<1x128x32xf32, #tpu.memory_space<vmem>>
          %dma_start3A_237 = tpu.memref_squeeze %dma_start3A_236 : memref<1x128x32xf32, #tpu.memory_space<vmem>> -> memref<128x32xf32, #tpu.memory_space<vmem>>
          %dma_start3A_238 = arith.constant 0 : i32
          %dma_start3A_239 = tpu.memref_slice %arg7[%sub3A_232, %dma_start3A_238] : memref<32x128xi32, #tpu.memory_space<vmem>> -> memref<1x128xi32, #tpu.memory_space<vmem>>
          %dma_start3A_240 = tpu.memref_squeeze %dma_start3A_239 : memref<1x128xi32, #tpu.memory_space<vmem>> -> memref<128xi32, #tpu.memory_space<vmem>>
          %dma_start3A_241 = arith.constant 0 : i32
          %dma_start3A_242 = arith.constant 0 : i32
          %dma_start3A_243 = tpu.memref_slice %arg10[%dma_start3A_241, %dma_start3A_242] : memref<10000x32xf32, #tpu.memory_space<vmem_shared>> -> memref<10000x32xf32, #tpu.memory_space<vmem_shared>>
          tpu.enqueue_indirect_dma source(%dma_start3A_243 : memref<10000x32xf32, #tpu.memory_space<vmem_shared>>) target(%dma_start3A_237 : memref<128x32xf32, #tpu.memory_space<vmem>>) offsets(%dma_start3A_240 : memref<128xi32, #tpu.memory_space<vmem>>) semaphore(%arg12 : memref<!tpu.dma_semaphore, #tpu.memory_space<semaphore_mem>>)
        } else {
        }
        %mul3A_149 = arith.constant 4 : i32
        %mul3A_150 = arith.muli %scan3A_74, %mul3A_149 : i32
        %add3A_151 = arith.constant 2 : i32
        %add3A_152 = arith.addi %mul3A_150, %add3A_151 : i32
        %dma_wait3A_153 = arith.constant 2 : i32
        %dma_wait3A_154 = arith.constant 0 : i32
        %dma_wait3A_155 = arith.constant 0 : i32
        %dma_wait3A_156 = tpu.memref_slice %arg9[%dma_wait3A_153, %dma_wait3A_154, %dma_wait3A_155] : memref<4x128x32xf32, #tpu.memory_space<vmem>> -> memref<1x128x32xf32, #tpu.memory_space<vmem>>
        %dma_wait3A_157 = tpu.memref_squeeze %dma_wait3A_156 : memref<1x128x32xf32, #tpu.memory_space<vmem>> -> memref<128x32xf32, #tpu.memory_space<vmem>>
        %dma_wait3A_158 = arith.constant 0 : i32
        %dma_wait3A_159 = tpu.memref_slice %arg7[%add3A_152, %dma_wait3A_158] : memref<32x128xi32, #tpu.memory_space<vmem>> -> memref<1x128xi32, #tpu.memory_space<vmem>>
        %dma_wait3A_160 = tpu.memref_squeeze %dma_wait3A_159 : memref<1x128xi32, #tpu.memory_space<vmem>> -> memref<128xi32, #tpu.memory_space<vmem>>
        %dma_wait3A_161 = arith.constant 0 : i32
        %dma_wait3A_162 = arith.constant 0 : i32
        %dma_wait3A_163 = tpu.memref_slice %arg10[%dma_wait3A_161, %dma_wait3A_162] : memref<10000x32xf32, #tpu.memory_space<vmem_shared>> -> memref<10000x32xf32, #tpu.memory_space<vmem_shared>>
        tpu.wait_indirect_dma semaphore(%arg14 : memref<!tpu.dma_semaphore, #tpu.memory_space<semaphore_mem>>) src(%dma_wait3A_163 : memref<10000x32xf32, #tpu.memory_space<vmem_shared>>) dst(%dma_wait3A_157 : memref<128x32xf32, #tpu.memory_space<vmem>>)
        %dma_start3A_164 = arith.constant 2 : i32
        %dma_start3A_165 = arith.constant 0 : i32
        %dma_start3A_166 = arith.constant 0 : i32
        %dma_start3A_167 = tpu.memref_slice %arg9[%dma_start3A_164, %dma_start3A_165, %dma_start3A_166] : memref<4x128x32xf32, #tpu.memory_space<vmem>> -> memref<1x128x32xf32, #tpu.memory_space<vmem>>
        %dma_start3A_168 = tpu.memref_squeeze %dma_start3A_167 : memref<1x128x32xf32, #tpu.memory_space<vmem>> -> memref<128x32xf32, #tpu.memory_space<vmem>>
        %dma_start3A_169 = arith.constant 0 : i32
        %dma_start3A_170 = tpu.memref_slice %arg8[%add3A_152, %dma_start3A_169] : memref<32x128xi32, #tpu.memory_space<vmem>> -> memref<1x128xi32, #tpu.memory_space<vmem>>
        %dma_start3A_171 = tpu.memref_squeeze %dma_start3A_170 : memref<1x128xi32, #tpu.memory_space<vmem>> -> memref<128xi32, #tpu.memory_space<vmem>>
        %dma_start3A_172 = arith.constant 0 : i32
        %dma_start3A_173 = arith.constant 0 : i32
        %dma_start3A_174 = tpu.memref_slice %arg11[%dma_start3A_172, %dma_start3A_173] : memref<10240x32xf32, #tpu.memory_space<vmem_shared>> -> memref<10240x32xf32, #tpu.memory_space<vmem_shared>>
        tpu.enqueue_indirect_dma source(%dma_start3A_168 : memref<128x32xf32, #tpu.memory_space<vmem>>) target(%dma_start3A_174 : memref<10240x32xf32, #tpu.memory_space<vmem_shared>>) offsets(%dma_start3A_171 : memref<128xi32, #tpu.memory_space<vmem>>) semaphore(%arg18 : memref<!tpu.dma_semaphore, #tpu.memory_space<semaphore_mem>>) {add = true}
        %gt3A_175 = arith.constant 0 : i32
        %gt3A_176 = arith.cmpi sgt, %add3A_152, %gt3A_175 : i32
        %convert_element_type3A_177 = arith.extui %gt3A_176 : i1 to i32
        %cond3A_178 = arith.constant 0 : i32
        %cond3A_179 = arith.cmpi ne, %convert_element_type3A_177, %cond3A_178 : i32
        scf.if %cond3A_179 {
          %sub3A_229 = arith.constant 1 : i32
          %sub3A_230 = arith.subi %add3A_152, %sub3A_229 : i32
          %dma_wait3A_231 = arith.constant 1 : i32
          %dma_wait3A_232 = arith.constant 0 : i32
          %dma_wait3A_233 = arith.constant 0 : i32
          %dma_wait3A_234 = tpu.memref_slice %arg9[%dma_wait3A_231, %dma_wait3A_232, %dma_wait3A_233] : memref<4x128x32xf32, #tpu.memory_space<vmem>> -> memref<1x128x32xf32, #tpu.memory_space<vmem>>
          %dma_wait3A_235 = tpu.memref_squeeze %dma_wait3A_234 : memref<1x128x32xf32, #tpu.memory_space<vmem>> -> memref<128x32xf32, #tpu.memory_space<vmem>>
          %dma_wait3A_236 = arith.constant 0 : i32
          %dma_wait3A_237 = tpu.memref_slice %arg8[%sub3A_230, %dma_wait3A_236] : memref<32x128xi32, #tpu.memory_space<vmem>> -> memref<1x128xi32, #tpu.memory_space<vmem>>
          %dma_wait3A_238 = tpu.memref_squeeze %dma_wait3A_237 : memref<1x128xi32, #tpu.memory_space<vmem>> -> memref<128xi32, #tpu.memory_space<vmem>>
          %dma_wait3A_239 = arith.constant 0 : i32
          %dma_wait3A_240 = arith.constant 0 : i32
          %dma_wait3A_241 = tpu.memref_slice %arg11[%dma_wait3A_239, %dma_wait3A_240] : memref<10240x32xf32, #tpu.memory_space<vmem_shared>> -> memref<10240x32xf32, #tpu.memory_space<vmem_shared>>
          tpu.wait_indirect_dma semaphore(%arg17 : memref<!tpu.dma_semaphore, #tpu.memory_space<semaphore_mem>>) src(%dma_wait3A_235 : memref<128x32xf32, #tpu.memory_space<vmem>>) dst(%dma_wait3A_241 : memref<10240x32xf32, #tpu.memory_space<vmem_shared>>)
        } else {
        }
        %add3A_180 = arith.constant 4 : i32
        %add3A_181 = arith.addi %add3A_152, %add3A_180 : i32
        %sub3A_182 = arith.constant 1 : i32
        %sub3A_183 = arith.subi %add3A_181, %sub3A_182 : i32
        %lt3A_184 = arith.constant 32 : i32
        %lt3A_185 = arith.cmpi slt, %sub3A_183, %lt3A_184 : i32
        %convert_element_type3A_186 = arith.extui %lt3A_185 : i1 to i32
        %cond3A_187 = arith.constant 0 : i32
        %cond3A_188 = arith.cmpi ne, %convert_element_type3A_186, %cond3A_187 : i32
        scf.if %cond3A_188 {
          %add3A_229 = arith.constant 4 : i32
          %add3A_230 = arith.addi %add3A_152, %add3A_229 : i32
          %sub3A_231 = arith.constant 1 : i32
          %sub3A_232 = arith.subi %add3A_230, %sub3A_231 : i32
          %dma_start3A_233 = arith.constant 1 : i32
          %dma_start3A_234 = arith.constant 0 : i32
          %dma_start3A_235 = arith.constant 0 : i32
          %dma_start3A_236 = tpu.memref_slice %arg9[%dma_start3A_233, %dma_start3A_234, %dma_start3A_235] : memref<4x128x32xf32, #tpu.memory_space<vmem>> -> memref<1x128x32xf32, #tpu.memory_space<vmem>>
          %dma_start3A_237 = tpu.memref_squeeze %dma_start3A_236 : memref<1x128x32xf32, #tpu.memory_space<vmem>> -> memref<128x32xf32, #tpu.memory_space<vmem>>
          %dma_start3A_238 = arith.constant 0 : i32
          %dma_start3A_239 = tpu.memref_slice %arg7[%sub3A_232, %dma_start3A_238] : memref<32x128xi32, #tpu.memory_space<vmem>> -> memref<1x128xi32, #tpu.memory_space<vmem>>
          %dma_start3A_240 = tpu.memref_squeeze %dma_start3A_239 : memref<1x128xi32, #tpu.memory_space<vmem>> -> memref<128xi32, #tpu.memory_space<vmem>>
          %dma_start3A_241 = arith.constant 0 : i32
          %dma_start3A_242 = arith.constant 0 : i32
          %dma_start3A_243 = tpu.memref_slice %arg10[%dma_start3A_241, %dma_start3A_242] : memref<10000x32xf32, #tpu.memory_space<vmem_shared>> -> memref<10000x32xf32, #tpu.memory_space<vmem_shared>>
          tpu.enqueue_indirect_dma source(%dma_start3A_243 : memref<10000x32xf32, #tpu.memory_space<vmem_shared>>) target(%dma_start3A_237 : memref<128x32xf32, #tpu.memory_space<vmem>>) offsets(%dma_start3A_240 : memref<128xi32, #tpu.memory_space<vmem>>) semaphore(%arg13 : memref<!tpu.dma_semaphore, #tpu.memory_space<semaphore_mem>>)
        } else {
        }
        %mul3A_189 = arith.constant 4 : i32
        %mul3A_190 = arith.muli %scan3A_74, %mul3A_189 : i32
        %add3A_191 = arith.constant 3 : i32
        %add3A_192 = arith.addi %mul3A_190, %add3A_191 : i32
        %dma_wait3A_193 = arith.constant 3 : i32
        %dma_wait3A_194 = arith.constant 0 : i32
        %dma_wait3A_195 = arith.constant 0 : i32
        %dma_wait3A_196 = tpu.memref_slice %arg9[%dma_wait3A_193, %dma_wait3A_194, %dma_wait3A_195] : memref<4x128x32xf32, #tpu.memory_space<vmem>> -> memref<1x128x32xf32, #tpu.memory_space<vmem>>
        %dma_wait3A_197 = tpu.memref_squeeze %dma_wait3A_196 : memref<1x128x32xf32, #tpu.memory_space<vmem>> -> memref<128x32xf32, #tpu.memory_space<vmem>>
        %dma_wait3A_198 = arith.constant 0 : i32
        %dma_wait3A_199 = tpu.memref_slice %arg7[%add3A_192, %dma_wait3A_198] : memref<32x128xi32, #tpu.memory_space<vmem>> -> memref<1x128xi32, #tpu.memory_space<vmem>>
        %dma_wait3A_200 = tpu.memref_squeeze %dma_wait3A_199 : memref<1x128xi32, #tpu.memory_space<vmem>> -> memref<128xi32, #tpu.memory_space<vmem>>
        %dma_wait3A_201 = arith.constant 0 : i32
        %dma_wait3A_202 = arith.constant 0 : i32
        %dma_wait3A_203 = tpu.memref_slice %arg10[%dma_wait3A_201, %dma_wait3A_202] : memref<10000x32xf32, #tpu.memory_space<vmem_shared>> -> memref<10000x32xf32, #tpu.memory_space<vmem_shared>>
        tpu.wait_indirect_dma semaphore(%arg15 : memref<!tpu.dma_semaphore, #tpu.memory_space<semaphore_mem>>) src(%dma_wait3A_203 : memref<10000x32xf32, #tpu.memory_space<vmem_shared>>) dst(%dma_wait3A_197 : memref<128x32xf32, #tpu.memory_space<vmem>>)
        %dma_start3A_204 = arith.constant 3 : i32
        %dma_start3A_205 = arith.constant 0 : i32
        %dma_start3A_206 = arith.constant 0 : i32
        %dma_start3A_207 = tpu.memref_slice %arg9[%dma_start3A_204, %dma_start3A_205, %dma_start3A_206] : memref<4x128x32xf32, #tpu.memory_space<vmem>> -> memref<1x128x32xf32, #tpu.memory_space<vmem>>
        %dma_start3A_208 = tpu.memref_squeeze %dma_start3A_207 : memref<1x128x32xf32, #tpu.memory_space<vmem>> -> memref<128x32xf32, #tpu.memory_space<vmem>>
        %dma_start3A_209 = arith.constant 0 : i32
        %dma_start3A_210 = tpu.memref_slice %arg8[%add3A_192, %dma_start3A_209] : memref<32x128xi32, #tpu.memory_space<vmem>> -> memref<1x128xi32, #tpu.memory_space<vmem>>
        %dma_start3A_211 = tpu.memref_squeeze %dma_start3A_210 : memref<1x128xi32, #tpu.memory_space<vmem>> -> memref<128xi32, #tpu.memory_space<vmem>>
        %dma_start3A_212 = arith.constant 0 : i32
        %dma_start3A_213 = arith.constant 0 : i32
        %dma_start3A_214 = tpu.memref_slice %arg11[%dma_start3A_212, %dma_start3A_213] : memref<10240x32xf32, #tpu.memory_space<vmem_shared>> -> memref<10240x32xf32, #tpu.memory_space<vmem_shared>>
        tpu.enqueue_indirect_dma source(%dma_start3A_208 : memref<128x32xf32, #tpu.memory_space<vmem>>) target(%dma_start3A_214 : memref<10240x32xf32, #tpu.memory_space<vmem_shared>>) offsets(%dma_start3A_211 : memref<128xi32, #tpu.memory_space<vmem>>) semaphore(%arg19 : memref<!tpu.dma_semaphore, #tpu.memory_space<semaphore_mem>>) {add = true}
        %gt3A_215 = arith.constant 0 : i32
        %gt3A_216 = arith.cmpi sgt, %add3A_192, %gt3A_215 : i32
        %convert_element_type3A_217 = arith.extui %gt3A_216 : i1 to i32
        %cond3A_218 = arith.constant 0 : i32
        %cond3A_219 = arith.cmpi ne, %convert_element_type3A_217, %cond3A_218 : i32
        scf.if %cond3A_219 {
          %sub3A_229 = arith.constant 1 : i32
          %sub3A_230 = arith.subi %add3A_192, %sub3A_229 : i32
          %dma_wait3A_231 = arith.constant 2 : i32
          %dma_wait3A_232 = arith.constant 0 : i32
          %dma_wait3A_233 = arith.constant 0 : i32
          %dma_wait3A_234 = tpu.memref_slice %arg9[%dma_wait3A_231, %dma_wait3A_232, %dma_wait3A_233] : memref<4x128x32xf32, #tpu.memory_space<vmem>> -> memref<1x128x32xf32, #tpu.memory_space<vmem>>
          %dma_wait3A_235 = tpu.memref_squeeze %dma_wait3A_234 : memref<1x128x32xf32, #tpu.memory_space<vmem>> -> memref<128x32xf32, #tpu.memory_space<vmem>>
          %dma_wait3A_236 = arith.constant 0 : i32
          %dma_wait3A_237 = tpu.memref_slice %arg8[%sub3A_230, %dma_wait3A_236] : memref<32x128xi32, #tpu.memory_space<vmem>> -> memref<1x128xi32, #tpu.memory_space<vmem>>
          %dma_wait3A_238 = tpu.memref_squeeze %dma_wait3A_237 : memref<1x128xi32, #tpu.memory_space<vmem>> -> memref<128xi32, #tpu.memory_space<vmem>>
          %dma_wait3A_239 = arith.constant 0 : i32
          %dma_wait3A_240 = arith.constant 0 : i32
          %dma_wait3A_241 = tpu.memref_slice %arg11[%dma_wait3A_239, %dma_wait3A_240] : memref<10240x32xf32, #tpu.memory_space<vmem_shared>> -> memref<10240x32xf32, #tpu.memory_space<vmem_shared>>
          tpu.wait_indirect_dma semaphore(%arg18 : memref<!tpu.dma_semaphore, #tpu.memory_space<semaphore_mem>>) src(%dma_wait3A_235 : memref<128x32xf32, #tpu.memory_space<vmem>>) dst(%dma_wait3A_241 : memref<10240x32xf32, #tpu.memory_space<vmem_shared>>)
        } else {
        }
        %add3A_220 = arith.constant 4 : i32
        %add3A_221 = arith.addi %add3A_192, %add3A_220 : i32
        %sub3A_222 = arith.constant 1 : i32
        %sub3A_223 = arith.subi %add3A_221, %sub3A_222 : i32
        %lt3A_224 = arith.constant 32 : i32
        %lt3A_225 = arith.cmpi slt, %sub3A_223, %lt3A_224 : i32
        %convert_element_type3A_226 = arith.extui %lt3A_225 : i1 to i32
        %cond3A_227 = arith.constant 0 : i32
        %cond3A_228 = arith.cmpi ne, %convert_element_type3A_226, %cond3A_227 : i32
        scf.if %cond3A_228 {
          %add3A_229 = arith.constant 4 : i32
          %add3A_230 = arith.addi %add3A_192, %add3A_229 : i32
          %sub3A_231 = arith.constant 1 : i32
          %sub3A_232 = arith.subi %add3A_230, %sub3A_231 : i32
          %dma_start3A_233 = arith.constant 2 : i32
          %dma_start3A_234 = arith.constant 0 : i32
          %dma_start3A_235 = arith.constant 0 : i32
          %dma_start3A_236 = tpu.memref_slice %arg9[%dma_start3A_233, %dma_start3A_234, %dma_start3A_235] : memref<4x128x32xf32, #tpu.memory_space<vmem>> -> memref<1x128x32xf32, #tpu.memory_space<vmem>>
          %dma_start3A_237 = tpu.memref_squeeze %dma_start3A_236 : memref<1x128x32xf32, #tpu.memory_space<vmem>> -> memref<128x32xf32, #tpu.memory_space<vmem>>
          %dma_start3A_238 = arith.constant 0 : i32
          %dma_start3A_239 = tpu.memref_slice %arg7[%sub3A_232, %dma_start3A_238] : memref<32x128xi32, #tpu.memory_space<vmem>> -> memref<1x128xi32, #tpu.memory_space<vmem>>
          %dma_start3A_240 = tpu.memref_squeeze %dma_start3A_239 : memref<1x128xi32, #tpu.memory_space<vmem>> -> memref<128xi32, #tpu.memory_space<vmem>>
          %dma_start3A_241 = arith.constant 0 : i32
          %dma_start3A_242 = arith.constant 0 : i32
          %dma_start3A_243 = tpu.memref_slice %arg10[%dma_start3A_241, %dma_start3A_242] : memref<10000x32xf32, #tpu.memory_space<vmem_shared>> -> memref<10000x32xf32, #tpu.memory_space<vmem_shared>>
          tpu.enqueue_indirect_dma source(%dma_start3A_243 : memref<10000x32xf32, #tpu.memory_space<vmem_shared>>) target(%dma_start3A_237 : memref<128x32xf32, #tpu.memory_space<vmem>>) offsets(%dma_start3A_240 : memref<128xi32, #tpu.memory_space<vmem>>) semaphore(%arg14 : memref<!tpu.dma_semaphore, #tpu.memory_space<semaphore_mem>>)
        } else {
        }
      }
      %scan3A_62 = arith.constant 8 : i32
      %dma_wait3A = arith.constant 3 : i32
      %dma_wait3A_63 = arith.constant 31 : i32
      %dma_wait3A_64 = arith.constant 0 : i32
      %dma_wait3A_65 = arith.constant 0 : i32
      %dma_wait3A_66 = tpu.memref_slice %arg9[%dma_wait3A, %dma_wait3A_64, %dma_wait3A_65] : memref<4x128x32xf32, #tpu.memory_space<vmem>> -> memref<1x128x32xf32, #tpu.memory_space<vmem>>
      %dma_wait3A_67 = tpu.memref_squeeze %dma_wait3A_66 : memref<1x128x32xf32, #tpu.memory_space<vmem>> -> memref<128x32xf32, #tpu.memory_space<vmem>>
      %dma_wait3A_68 = arith.constant 0 : i32
      %dma_wait3A_69 = tpu.memref_slice %arg8[%dma_wait3A_63, %dma_wait3A_68] : memref<32x128xi32, #tpu.memory_space<vmem>> -> memref<1x128xi32, #tpu.memory_space<vmem>>
      %dma_wait3A_70 = tpu.memref_squeeze %dma_wait3A_69 : memref<1x128xi32, #tpu.memory_space<vmem>> -> memref<128xi32, #tpu.memory_space<vmem>>
      %dma_wait3A_71 = arith.constant 0 : i32
      %dma_wait3A_72 = arith.constant 0 : i32
      %dma_wait3A_73 = tpu.memref_slice %arg11[%dma_wait3A_71, %dma_wait3A_72] : memref<10240x32xf32, #tpu.memory_space<vmem_shared>> -> memref<10240x32xf32, #tpu.memory_space<vmem_shared>>
      tpu.wait_indirect_dma semaphore(%arg19 : memref<!tpu.dma_semaphore, #tpu.memory_space<semaphore_mem>>) src(%dma_wait3A_67 : memref<128x32xf32, #tpu.memory_space<vmem>>) dst(%dma_wait3A_73 : memref<10240x32xf32, #tpu.memory_space<vmem_shared>>)
    }
    %scan3A_11 = arith.constant 5 : i32
    %barrier3A_12 = arith.constant 0 : index
    tpu.barrier barrier_id(%barrier3A_12)
    %mul3A_13 = arith.constant 640 : i32
    %mul3A_14 = arith.muli %arg1, %mul3A_13 : i32
    %mul3A_15 = arith.constant 640 : i32
    %mul3A_16 = arith.muli %arg1, %mul3A_15 : i32
    "tpu.region"() ({
      %run_scoped3A = tpu.sem_alloc : memref<!tpu.dma_semaphore, #tpu.memory_space<semaphore_mem>>
      %dma_start3A = arith.constant 0 : i32
      %dma_start3A_17 = tpu.memref_slice %arg6[%arg0, %mul3A_16, %dma_start3A] : memref<2x10240x32xf32, #tpu.memory_space<hbm>> -> memref<1x640x32xf32, #tpu.memory_space<hbm>>
      %dma_start3A_18 = tpu.memref_squeeze %dma_start3A_17 : memref<1x640x32xf32, #tpu.memory_space<hbm>> -> memref<640x32xf32, #tpu.memory_space<hbm>>
      %dma_start3A_19 = arith.constant 0 : i32
      %dma_start3A_20 = tpu.memref_slice %arg11[%mul3A_14, %dma_start3A_19] : memref<10240x32xf32, #tpu.memory_space<vmem_shared>> -> memref<640x32xf32, #tpu.memory_space<vmem_shared>>
      tpu.enqueue_dma source(%dma_start3A_20 : memref<640x32xf32, #tpu.memory_space<vmem_shared>>) target(%dma_start3A_18 : memref<640x32xf32, #tpu.memory_space<hbm>>) target_semaphore(%run_scoped3A : memref<!tpu.dma_semaphore, #tpu.memory_space<semaphore_mem>>)
      %dma_wait3A = arith.constant 0 : i32
      %dma_wait3A_21 = tpu.memref_slice %arg6[%arg0, %mul3A_16, %dma_wait3A] : memref<2x10240x32xf32, #tpu.memory_space<hbm>> -> memref<1x640x32xf32, #tpu.memory_space<hbm>>
      %dma_wait3A_22 = tpu.memref_squeeze %dma_wait3A_21 : memref<1x640x32xf32, #tpu.memory_space<hbm>> -> memref<640x32xf32, #tpu.memory_space<hbm>>
      %dma_wait3A_23 = arith.constant 0 : i32
      %dma_wait3A_24 = tpu.memref_slice %arg11[%mul3A_14, %dma_wait3A_23] : memref<10240x32xf32, #tpu.memory_space<vmem_shared>> -> memref<640x32xf32, #tpu.memory_space<vmem_shared>>
      tpu.wait_dma2 semaphore(%run_scoped3A : memref<!tpu.dma_semaphore, #tpu.memory_space<semaphore_mem>>) src(%dma_wait3A_24 : memref<640x32xf32, #tpu.memory_space<vmem_shared>>) dst(%dma_wait3A_22 : memref<640x32xf32, #tpu.memory_space<hbm>>)
      tpu.yield
    }) : () -> ()
    return
  }
}

#map = affine_map<(d0, d1) -> (0, 0)>
#map1 = affine_map<(d0, d1) -> (0, 0, 0)>
module attributes {stable_mosaic.version = 14 : i64} {
  func.func @scat_kernel(%arg0: i32, %arg1: i32, %arg2: memref<10000x128xf32, #tpu.memory_space<hbm>>, %arg3: memref<16x160x128xi32, #tpu.memory_space<hbm>>, %arg4: memref<16x160x128xi32, #tpu.memory_space<hbm>>, %arg5: memref<640x64xf32, #tpu.memory_space<hbm>>, %arg6: memref<2x10240x64xf32, #tpu.memory_space<hbm>>, %arg7: memref<32x128xi32, #tpu.memory_space<vmem>>, %arg8: memref<32x128xi32, #tpu.memory_space<vmem>>, %arg9: memref<4x128x64xf32, #tpu.memory_space<vmem>>, %arg10: memref<10000x64xf32, #tpu.memory_space<vmem_shared>>, %arg11: memref<10240x64xf32, #tpu.memory_space<vmem_shared>>, %arg12: memref<!tpu.dma_semaphore, #tpu.memory_space<semaphore_mem>>, %arg13: memref<!tpu.dma_semaphore, #tpu.memory_space<semaphore_mem>>, %arg14: memref<!tpu.dma_semaphore, #tpu.memory_space<semaphore_mem>>, %arg15: memref<!tpu.dma_semaphore, #tpu.memory_space<semaphore_mem>>, %arg16: memref<!tpu.dma_semaphore, #tpu.memory_space<semaphore_mem>>, %arg17: memref<!tpu.dma_semaphore, #tpu.memory_space<semaphore_mem>>, %arg18: memref<!tpu.dma_semaphore, #tpu.memory_space<semaphore_mem>>, %arg19: memref<!tpu.dma_semaphore, #tpu.memory_space<semaphore_mem>>) attributes {dimension_semantics = [#tpu.dimension_semantics<core_parallel>, #tpu.dimension_semantics<subcore_parallel>], iteration_bounds = array<i64: 2, 16>, scalar_prefetch = 0 : i64, scratch_operands = 13 : i64, tpu.core_type = #tpu.core_type<sc_vector_subcore>, window_params = [{transform_indices = #map}, {transform_indices = #map1}, {transform_indices = #map1}, {transform_indices = #map}, {transform_indices = #map1}]} {
    %mul3A = arith.constant 640 : i32
    %mul3A_0 = arith.muli %arg1, %mul3A : i32
    "tpu.region"() ({
      %run_scoped3A = tpu.sem_alloc : memref<!tpu.dma_semaphore, #tpu.memory_space<semaphore_mem>>
      %dma_start3A = arith.constant 0 : i32
      %dma_start3A_17 = tpu.memref_slice %arg11[%mul3A_0, %dma_start3A] : memref<10240x64xf32, #tpu.memory_space<vmem_shared>> -> memref<640x64xf32, #tpu.memory_space<vmem_shared>>
      tpu.enqueue_dma source(%arg5 : memref<640x64xf32, #tpu.memory_space<hbm>>) target(%dma_start3A_17 : memref<640x64xf32, #tpu.memory_space<vmem_shared>>) target_semaphore(%run_scoped3A : memref<!tpu.dma_semaphore, #tpu.memory_space<semaphore_mem>>)
      %dma_wait3A = arith.constant 0 : i32
      %dma_wait3A_18 = tpu.memref_slice %arg11[%mul3A_0, %dma_wait3A] : memref<10240x64xf32, #tpu.memory_space<vmem_shared>> -> memref<640x64xf32, #tpu.memory_space<vmem_shared>>
      tpu.wait_dma2 semaphore(%run_scoped3A : memref<!tpu.dma_semaphore, #tpu.memory_space<semaphore_mem>>) src(%arg5 : memref<640x64xf32, #tpu.memory_space<hbm>>) dst(%dma_wait3A_18 : memref<640x64xf32, #tpu.memory_space<vmem_shared>>)
      tpu.yield
    }) : () -> ()
    %mul3A_1 = arith.constant 625 : i32
    %mul3A_2 = arith.muli %arg1, %mul3A_1 : i32
    %mul3A_3 = arith.constant 64 : i32
    %mul3A_4 = arith.muli %arg0, %mul3A_3 : i32
    %mul3A_5 = arith.constant 625 : i32
    %mul3A_6 = arith.muli %arg1, %mul3A_5 : i32
    "tpu.region"() ({
      %run_scoped3A = tpu.sem_alloc : memref<!tpu.dma_semaphore, #tpu.memory_space<semaphore_mem>>
      %dma_start3A = arith.constant 0 : i32
      %dma_start3A_17 = tpu.memref_slice %arg10[%mul3A_6, %dma_start3A] : memref<10000x64xf32, #tpu.memory_space<vmem_shared>> -> memref<625x64xf32, #tpu.memory_space<vmem_shared>>
      %dma_start3A_18 = tpu.memref_slice %arg2[%mul3A_2, %mul3A_4] : memref<10000x128xf32, #tpu.memory_space<hbm>> -> memref<625x64xf32, #tpu.memory_space<hbm>>
      tpu.enqueue_dma source(%dma_start3A_18 : memref<625x64xf32, #tpu.memory_space<hbm>>) target(%dma_start3A_17 : memref<625x64xf32, #tpu.memory_space<vmem_shared>>) target_semaphore(%run_scoped3A : memref<!tpu.dma_semaphore, #tpu.memory_space<semaphore_mem>>)
      %dma_wait3A = arith.constant 0 : i32
      %dma_wait3A_19 = tpu.memref_slice %arg10[%mul3A_6, %dma_wait3A] : memref<10000x64xf32, #tpu.memory_space<vmem_shared>> -> memref<625x64xf32, #tpu.memory_space<vmem_shared>>
      %dma_wait3A_20 = tpu.memref_slice %arg2[%mul3A_2, %mul3A_4] : memref<10000x128xf32, #tpu.memory_space<hbm>> -> memref<625x64xf32, #tpu.memory_space<hbm>>
      tpu.wait_dma2 semaphore(%run_scoped3A : memref<!tpu.dma_semaphore, #tpu.memory_space<semaphore_mem>>) src(%dma_wait3A_20 : memref<625x64xf32, #tpu.memory_space<hbm>>) dst(%dma_wait3A_19 : memref<625x64xf32, #tpu.memory_space<vmem_shared>>)
      tpu.yield
    }) : () -> ()
    %barrier3A = arith.constant 0 : index
    tpu.barrier barrier_id(%barrier3A)
    %scan3A = arith.constant 0 : i32
    %scan3A_7 = arith.constant 0 : i32
    %scan3A_8 = arith.constant 5 : i32
    %scan3A_9 = arith.addi %scan3A_7, %scan3A_8 : i32
    %scan3A_10 = arith.constant 1 : i32
    scf.for %scan3A_17 = %scan3A_7 to %scan3A_9 step %scan3A_10  : i32 {
      %mul3A_18 = arith.constant 32 : i32
      %mul3A_19 = arith.muli %scan3A_17, %mul3A_18 : i32
      "tpu.region"() ({
        %run_scoped3A = tpu.sem_alloc : memref<!tpu.dma_semaphore, #tpu.memory_space<semaphore_mem>>
        %dma_start3A_74 = arith.constant 0 : i32
        %dma_start3A_75 = tpu.memref_slice %arg3[%arg1, %mul3A_19, %dma_start3A_74] : memref<16x160x128xi32, #tpu.memory_space<hbm>> -> memref<1x32x128xi32, #tpu.memory_space<hbm>>
        %dma_start3A_76 = tpu.memref_squeeze %dma_start3A_75 : memref<1x32x128xi32, #tpu.memory_space<hbm>> -> memref<32x128xi32, #tpu.memory_space<hbm>>
        %dma_start3A_77 = arith.constant 0 : i32
        %dma_start3A_78 = tpu.memref_slice %arg3[%arg1, %mul3A_19, %dma_start3A_77] : memref<16x160x128xi32, #tpu.memory_space<hbm>> -> memref<1x32x128xi32, #tpu.memory_space<hbm>>
        %dma_start3A_79 = tpu.memref_squeeze %dma_start3A_78 : memref<1x32x128xi32, #tpu.memory_space<hbm>> -> memref<32x128xi32, #tpu.memory_space<hbm>>
        tpu.enqueue_dma source(%dma_start3A_79 : memref<32x128xi32, #tpu.memory_space<hbm>>) target(%arg7 : memref<32x128xi32, #tpu.memory_space<vmem>>) target_semaphore(%run_scoped3A : memref<!tpu.dma_semaphore, #tpu.memory_space<semaphore_mem>>)
        %dma_wait3A_80 = arith.constant 0 : i32
        %dma_wait3A_81 = tpu.memref_slice %arg3[%arg1, %mul3A_19, %dma_wait3A_80] : memref<16x160x128xi32, #tpu.memory_space<hbm>> -> memref<1x32x128xi32, #tpu.memory_space<hbm>>
        %dma_wait3A_82 = tpu.memref_squeeze %dma_wait3A_81 : memref<1x32x128xi32, #tpu.memory_space<hbm>> -> memref<32x128xi32, #tpu.memory_space<hbm>>
        %dma_wait3A_83 = arith.constant 0 : i32
        %dma_wait3A_84 = tpu.memref_slice %arg3[%arg1, %mul3A_19, %dma_wait3A_83] : memref<16x160x128xi32, #tpu.memory_space<hbm>> -> memref<1x32x128xi32, #tpu.memory_space<hbm>>
        %dma_wait3A_85 = tpu.memref_squeeze %dma_wait3A_84 : memref<1x32x128xi32, #tpu.memory_space<hbm>> -> memref<32x128xi32, #tpu.memory_space<hbm>>
        tpu.wait_dma2 semaphore(%run_scoped3A : memref<!tpu.dma_semaphore, #tpu.memory_space<semaphore_mem>>) src(%dma_wait3A_85 : memref<32x128xi32, #tpu.memory_space<hbm>>) dst(%arg7 : memref<32x128xi32, #tpu.memory_space<vmem>>)
        tpu.yield
      }) : () -> ()
      %mul3A_20 = arith.constant 32 : i32
      %mul3A_21 = arith.muli %scan3A_17, %mul3A_20 : i32
      "tpu.region"() ({
        %run_scoped3A = tpu.sem_alloc : memref<!tpu.dma_semaphore, #tpu.memory_space<semaphore_mem>>
        %dma_start3A_74 = arith.constant 0 : i32
        %dma_start3A_75 = tpu.memref_slice %arg4[%arg1, %mul3A_21, %dma_start3A_74] : memref<16x160x128xi32, #tpu.memory_space<hbm>> -> memref<1x32x128xi32, #tpu.memory_space<hbm>>
        %dma_start3A_76 = tpu.memref_squeeze %dma_start3A_75 : memref<1x32x128xi32, #tpu.memory_space<hbm>> -> memref<32x128xi32, #tpu.memory_space<hbm>>
        %dma_start3A_77 = arith.constant 0 : i32
        %dma_start3A_78 = tpu.memref_slice %arg4[%arg1, %mul3A_21, %dma_start3A_77] : memref<16x160x128xi32, #tpu.memory_space<hbm>> -> memref<1x32x128xi32, #tpu.memory_space<hbm>>
        %dma_start3A_79 = tpu.memref_squeeze %dma_start3A_78 : memref<1x32x128xi32, #tpu.memory_space<hbm>> -> memref<32x128xi32, #tpu.memory_space<hbm>>
        tpu.enqueue_dma source(%dma_start3A_79 : memref<32x128xi32, #tpu.memory_space<hbm>>) target(%arg8 : memref<32x128xi32, #tpu.memory_space<vmem>>) target_semaphore(%run_scoped3A : memref<!tpu.dma_semaphore, #tpu.memory_space<semaphore_mem>>)
        %dma_wait3A_80 = arith.constant 0 : i32
        %dma_wait3A_81 = tpu.memref_slice %arg4[%arg1, %mul3A_21, %dma_wait3A_80] : memref<16x160x128xi32, #tpu.memory_space<hbm>> -> memref<1x32x128xi32, #tpu.memory_space<hbm>>
        %dma_wait3A_82 = tpu.memref_squeeze %dma_wait3A_81 : memref<1x32x128xi32, #tpu.memory_space<hbm>> -> memref<32x128xi32, #tpu.memory_space<hbm>>
        %dma_wait3A_83 = arith.constant 0 : i32
        %dma_wait3A_84 = tpu.memref_slice %arg4[%arg1, %mul3A_21, %dma_wait3A_83] : memref<16x160x128xi32, #tpu.memory_space<hbm>> -> memref<1x32x128xi32, #tpu.memory_space<hbm>>
        %dma_wait3A_85 = tpu.memref_squeeze %dma_wait3A_84 : memref<1x32x128xi32, #tpu.memory_space<hbm>> -> memref<32x128xi32, #tpu.memory_space<hbm>>
        tpu.wait_dma2 semaphore(%run_scoped3A : memref<!tpu.dma_semaphore, #tpu.memory_space<semaphore_mem>>) src(%dma_wait3A_85 : memref<32x128xi32, #tpu.memory_space<hbm>>) dst(%arg8 : memref<32x128xi32, #tpu.memory_space<vmem>>)
        tpu.yield
      }) : () -> ()
      %dma_start3A = arith.constant 0 : i32
      %dma_start3A_22 = arith.constant 0 : i32
      %dma_start3A_23 = arith.constant 0 : i32
      %dma_start3A_24 = arith.constant 0 : i32
      %dma_start3A_25 = tpu.memref_slice %arg9[%dma_start3A_22, %dma_start3A_23, %dma_start3A_24] : memref<4x128x64xf32, #tpu.memory_space<vmem>> -> memref<1x128x64xf32, #tpu.memory_space<vmem>>
      %dma_start3A_26 = tpu.memref_squeeze %dma_start3A_25 : memref<1x128x64xf32, #tpu.memory_space<vmem>> -> memref<128x64xf32, #tpu.memory_space<vmem>>
      %dma_start3A_27 = arith.constant 0 : i32
      %dma_start3A_28 = tpu.memref_slice %arg7[%dma_start3A, %dma_start3A_27] : memref<32x128xi32, #tpu.memory_space<vmem>> -> memref<1x128xi32, #tpu.memory_space<vmem>>
      %dma_start3A_29 = tpu.memref_squeeze %dma_start3A_28 : memref<1x128xi32, #tpu.memory_space<vmem>> -> memref<128xi32, #tpu.memory_space<vmem>>
      %dma_start3A_30 = arith.constant 0 : i32
      %dma_start3A_31 = arith.constant 0 : i32
      %dma_start3A_32 = tpu.memref_slice %arg10[%dma_start3A_30, %dma_start3A_31] : memref<10000x64xf32, #tpu.memory_space<vmem_shared>> -> memref<10000x64xf32, #tpu.memory_space<vmem_shared>>
      tpu.enqueue_indirect_dma source(%dma_start3A_32 : memref<10000x64xf32, #tpu.memory_space<vmem_shared>>) target(%dma_start3A_26 : memref<128x64xf32, #tpu.memory_space<vmem>>) offsets(%dma_start3A_29 : memref<128xi32, #tpu.memory_space<vmem>>) semaphore(%arg12 : memref<!tpu.dma_semaphore, #tpu.memory_space<semaphore_mem>>)
      %dma_start3A_33 = arith.constant 1 : i32
      %dma_start3A_34 = arith.constant 1 : i32
      %dma_start3A_35 = arith.constant 0 : i32
      %dma_start3A_36 = arith.constant 0 : i32
      %dma_start3A_37 = tpu.memref_slice %arg9[%dma_start3A_34, %dma_start3A_35, %dma_start3A_36] : memref<4x128x64xf32, #tpu.memory_space<vmem>> -> memref<1x128x64xf32, #tpu.memory_space<vmem>>
      %dma_start3A_38 = tpu.memref_squeeze %dma_start3A_37 : memref<1x128x64xf32, #tpu.memory_space<vmem>> -> memref<128x64xf32, #tpu.memory_space<vmem>>
      %dma_start3A_39 = arith.constant 0 : i32
      %dma_start3A_40 = tpu.memref_slice %arg7[%dma_start3A_33, %dma_start3A_39] : memref<32x128xi32, #tpu.memory_space<vmem>> -> memref<1x128xi32, #tpu.memory_space<vmem>>
      %dma_start3A_41 = tpu.memref_squeeze %dma_start3A_40 : memref<1x128xi32, #tpu.memory_space<vmem>> -> memref<128xi32, #tpu.memory_space<vmem>>
      %dma_start3A_42 = arith.constant 0 : i32
      %dma_start3A_43 = arith.constant 0 : i32
      %dma_start3A_44 = tpu.memref_slice %arg10[%dma_start3A_42, %dma_start3A_43] : memref<10000x64xf32, #tpu.memory_space<vmem_shared>> -> memref<10000x64xf32, #tpu.memory_space<vmem_shared>>
      tpu.enqueue_indirect_dma source(%dma_start3A_44 : memref<10000x64xf32, #tpu.memory_space<vmem_shared>>) target(%dma_start3A_38 : memref<128x64xf32, #tpu.memory_space<vmem>>) offsets(%dma_start3A_41 : memref<128xi32, #tpu.memory_space<vmem>>) semaphore(%arg13 : memref<!tpu.dma_semaphore, #tpu.memory_space<semaphore_mem>>)
      %dma_start3A_45 = arith.constant 2 : i32
      %dma_start3A_46 = arith.constant 2 : i32
      %dma_start3A_47 = arith.constant 0 : i32
      %dma_start3A_48 = arith.constant 0 : i32
      %dma_start3A_49 = tpu.memref_slice %arg9[%dma_start3A_46, %dma_start3A_47, %dma_start3A_48] : memref<4x128x64xf32, #tpu.memory_space<vmem>> -> memref<1x128x64xf32, #tpu.memory_space<vmem>>
      %dma_start3A_50 = tpu.memref_squeeze %dma_start3A_49 : memref<1x128x64xf32, #tpu.memory_space<vmem>> -> memref<128x64xf32, #tpu.memory_space<vmem>>
      %dma_start3A_51 = arith.constant 0 : i32
      %dma_start3A_52 = tpu.memref_slice %arg7[%dma_start3A_45, %dma_start3A_51] : memref<32x128xi32, #tpu.memory_space<vmem>> -> memref<1x128xi32, #tpu.memory_space<vmem>>
      %dma_start3A_53 = tpu.memref_squeeze %dma_start3A_52 : memref<1x128xi32, #tpu.memory_space<vmem>> -> memref<128xi32, #tpu.memory_space<vmem>>
      %dma_start3A_54 = arith.constant 0 : i32
      %dma_start3A_55 = arith.constant 0 : i32
      %dma_start3A_56 = tpu.memref_slice %arg10[%dma_start3A_54, %dma_start3A_55] : memref<10000x64xf32, #tpu.memory_space<vmem_shared>> -> memref<10000x64xf32, #tpu.memory_space<vmem_shared>>
      tpu.enqueue_indirect_dma source(%dma_start3A_56 : memref<10000x64xf32, #tpu.memory_space<vmem_shared>>) target(%dma_start3A_50 : memref<128x64xf32, #tpu.memory_space<vmem>>) offsets(%dma_start3A_53 : memref<128xi32, #tpu.memory_space<vmem>>) semaphore(%arg14 : memref<!tpu.dma_semaphore, #tpu.memory_space<semaphore_mem>>)
      %scan3A_57 = arith.constant 0 : i32
      %scan3A_58 = arith.constant 0 : i32
      %scan3A_59 = arith.constant 8 : i32
      %scan3A_60 = arith.addi %scan3A_58, %scan3A_59 : i32
      %scan3A_61 = arith.constant 1 : i32
      scf.for %scan3A_74 = %scan3A_58 to %scan3A_60 step %scan3A_61  : i32 {
        %mul3A_75 = arith.constant 4 : i32
        %mul3A_76 = arith.muli %scan3A_74, %mul3A_75 : i32
        %add3A = arith.constant 0 : i32
        %add3A_77 = arith.addi %mul3A_76, %add3A : i32
        %dma_wait3A_78 = arith.constant 0 : i32
        %dma_wait3A_79 = arith.constant 0 : i32
        %dma_wait3A_80 = arith.constant 0 : i32
        %dma_wait3A_81 = tpu.memref_slice %arg9[%dma_wait3A_78, %dma_wait3A_79, %dma_wait3A_80] : memref<4x128x64xf32, #tpu.memory_space<vmem>> -> memref<1x128x64xf32, #tpu.memory_space<vmem>>
        %dma_wait3A_82 = tpu.memref_squeeze %dma_wait3A_81 : memref<1x128x64xf32, #tpu.memory_space<vmem>> -> memref<128x64xf32, #tpu.memory_space<vmem>>
        %dma_wait3A_83 = arith.constant 0 : i32
        %dma_wait3A_84 = tpu.memref_slice %arg7[%add3A_77, %dma_wait3A_83] : memref<32x128xi32, #tpu.memory_space<vmem>> -> memref<1x128xi32, #tpu.memory_space<vmem>>
        %dma_wait3A_85 = tpu.memref_squeeze %dma_wait3A_84 : memref<1x128xi32, #tpu.memory_space<vmem>> -> memref<128xi32, #tpu.memory_space<vmem>>
        %dma_wait3A_86 = arith.constant 0 : i32
        %dma_wait3A_87 = arith.constant 0 : i32
        %dma_wait3A_88 = tpu.memref_slice %arg10[%dma_wait3A_86, %dma_wait3A_87] : memref<10000x64xf32, #tpu.memory_space<vmem_shared>> -> memref<10000x64xf32, #tpu.memory_space<vmem_shared>>
        tpu.wait_indirect_dma semaphore(%arg12 : memref<!tpu.dma_semaphore, #tpu.memory_space<semaphore_mem>>) src(%dma_wait3A_88 : memref<10000x64xf32, #tpu.memory_space<vmem_shared>>) dst(%dma_wait3A_82 : memref<128x64xf32, #tpu.memory_space<vmem>>)
        %dma_start3A_89 = arith.constant 0 : i32
        %dma_start3A_90 = arith.constant 0 : i32
        %dma_start3A_91 = arith.constant 0 : i32
        %dma_start3A_92 = tpu.memref_slice %arg9[%dma_start3A_89, %dma_start3A_90, %dma_start3A_91] : memref<4x128x64xf32, #tpu.memory_space<vmem>> -> memref<1x128x64xf32, #tpu.memory_space<vmem>>
        %dma_start3A_93 = tpu.memref_squeeze %dma_start3A_92 : memref<1x128x64xf32, #tpu.memory_space<vmem>> -> memref<128x64xf32, #tpu.memory_space<vmem>>
        %dma_start3A_94 = arith.constant 0 : i32
        %dma_start3A_95 = tpu.memref_slice %arg8[%add3A_77, %dma_start3A_94] : memref<32x128xi32, #tpu.memory_space<vmem>> -> memref<1x128xi32, #tpu.memory_space<vmem>>
        %dma_start3A_96 = tpu.memref_squeeze %dma_start3A_95 : memref<1x128xi32, #tpu.memory_space<vmem>> -> memref<128xi32, #tpu.memory_space<vmem>>
        %dma_start3A_97 = arith.constant 0 : i32
        %dma_start3A_98 = arith.constant 0 : i32
        %dma_start3A_99 = tpu.memref_slice %arg11[%dma_start3A_97, %dma_start3A_98] : memref<10240x64xf32, #tpu.memory_space<vmem_shared>> -> memref<10240x64xf32, #tpu.memory_space<vmem_shared>>
        tpu.enqueue_indirect_dma source(%dma_start3A_93 : memref<128x64xf32, #tpu.memory_space<vmem>>) target(%dma_start3A_99 : memref<10240x64xf32, #tpu.memory_space<vmem_shared>>) offsets(%dma_start3A_96 : memref<128xi32, #tpu.memory_space<vmem>>) semaphore(%arg16 : memref<!tpu.dma_semaphore, #tpu.memory_space<semaphore_mem>>) {add = true}
        %gt3A = arith.constant 0 : i32
        %gt3A_100 = arith.cmpi sgt, %add3A_77, %gt3A : i32
        %convert_element_type3A = arith.extui %gt3A_100 : i1 to i32
        %cond3A = arith.constant 0 : i32
        %cond3A_101 = arith.cmpi ne, %convert_element_type3A, %cond3A : i32
        scf.if %cond3A_101 {
          %sub3A_229 = arith.constant 1 : i32
          %sub3A_230 = arith.subi %add3A_77, %sub3A_229 : i32
          %dma_wait3A_231 = arith.constant 3 : i32
          %dma_wait3A_232 = arith.constant 0 : i32
          %dma_wait3A_233 = arith.constant 0 : i32
          %dma_wait3A_234 = tpu.memref_slice %arg9[%dma_wait3A_231, %dma_wait3A_232, %dma_wait3A_233] : memref<4x128x64xf32, #tpu.memory_space<vmem>> -> memref<1x128x64xf32, #tpu.memory_space<vmem>>
          %dma_wait3A_235 = tpu.memref_squeeze %dma_wait3A_234 : memref<1x128x64xf32, #tpu.memory_space<vmem>> -> memref<128x64xf32, #tpu.memory_space<vmem>>
          %dma_wait3A_236 = arith.constant 0 : i32
          %dma_wait3A_237 = tpu.memref_slice %arg8[%sub3A_230, %dma_wait3A_236] : memref<32x128xi32, #tpu.memory_space<vmem>> -> memref<1x128xi32, #tpu.memory_space<vmem>>
          %dma_wait3A_238 = tpu.memref_squeeze %dma_wait3A_237 : memref<1x128xi32, #tpu.memory_space<vmem>> -> memref<128xi32, #tpu.memory_space<vmem>>
          %dma_wait3A_239 = arith.constant 0 : i32
          %dma_wait3A_240 = arith.constant 0 : i32
          %dma_wait3A_241 = tpu.memref_slice %arg11[%dma_wait3A_239, %dma_wait3A_240] : memref<10240x64xf32, #tpu.memory_space<vmem_shared>> -> memref<10240x64xf32, #tpu.memory_space<vmem_shared>>
          tpu.wait_indirect_dma semaphore(%arg19 : memref<!tpu.dma_semaphore, #tpu.memory_space<semaphore_mem>>) src(%dma_wait3A_235 : memref<128x64xf32, #tpu.memory_space<vmem>>) dst(%dma_wait3A_241 : memref<10240x64xf32, #tpu.memory_space<vmem_shared>>)
        } else {
        }
        %add3A_102 = arith.constant 4 : i32
        %add3A_103 = arith.addi %add3A_77, %add3A_102 : i32
        %sub3A = arith.constant 1 : i32
        %sub3A_104 = arith.subi %add3A_103, %sub3A : i32
        %lt3A = arith.constant 32 : i32
        %lt3A_105 = arith.cmpi slt, %sub3A_104, %lt3A : i32
        %convert_element_type3A_106 = arith.extui %lt3A_105 : i1 to i32
        %cond3A_107 = arith.constant 0 : i32
        %cond3A_108 = arith.cmpi ne, %convert_element_type3A_106, %cond3A_107 : i32
        scf.if %cond3A_108 {
          %add3A_229 = arith.constant 4 : i32
          %add3A_230 = arith.addi %add3A_77, %add3A_229 : i32
          %sub3A_231 = arith.constant 1 : i32
          %sub3A_232 = arith.subi %add3A_230, %sub3A_231 : i32
          %dma_start3A_233 = arith.constant 3 : i32
          %dma_start3A_234 = arith.constant 0 : i32
          %dma_start3A_235 = arith.constant 0 : i32
          %dma_start3A_236 = tpu.memref_slice %arg9[%dma_start3A_233, %dma_start3A_234, %dma_start3A_235] : memref<4x128x64xf32, #tpu.memory_space<vmem>> -> memref<1x128x64xf32, #tpu.memory_space<vmem>>
          %dma_start3A_237 = tpu.memref_squeeze %dma_start3A_236 : memref<1x128x64xf32, #tpu.memory_space<vmem>> -> memref<128x64xf32, #tpu.memory_space<vmem>>
          %dma_start3A_238 = arith.constant 0 : i32
          %dma_start3A_239 = tpu.memref_slice %arg7[%sub3A_232, %dma_start3A_238] : memref<32x128xi32, #tpu.memory_space<vmem>> -> memref<1x128xi32, #tpu.memory_space<vmem>>
          %dma_start3A_240 = tpu.memref_squeeze %dma_start3A_239 : memref<1x128xi32, #tpu.memory_space<vmem>> -> memref<128xi32, #tpu.memory_space<vmem>>
          %dma_start3A_241 = arith.constant 0 : i32
          %dma_start3A_242 = arith.constant 0 : i32
          %dma_start3A_243 = tpu.memref_slice %arg10[%dma_start3A_241, %dma_start3A_242] : memref<10000x64xf32, #tpu.memory_space<vmem_shared>> -> memref<10000x64xf32, #tpu.memory_space<vmem_shared>>
          tpu.enqueue_indirect_dma source(%dma_start3A_243 : memref<10000x64xf32, #tpu.memory_space<vmem_shared>>) target(%dma_start3A_237 : memref<128x64xf32, #tpu.memory_space<vmem>>) offsets(%dma_start3A_240 : memref<128xi32, #tpu.memory_space<vmem>>) semaphore(%arg15 : memref<!tpu.dma_semaphore, #tpu.memory_space<semaphore_mem>>)
        } else {
        }
        %mul3A_109 = arith.constant 4 : i32
        %mul3A_110 = arith.muli %scan3A_74, %mul3A_109 : i32
        %add3A_111 = arith.constant 1 : i32
        %add3A_112 = arith.addi %mul3A_110, %add3A_111 : i32
        %dma_wait3A_113 = arith.constant 1 : i32
        %dma_wait3A_114 = arith.constant 0 : i32
        %dma_wait3A_115 = arith.constant 0 : i32
        %dma_wait3A_116 = tpu.memref_slice %arg9[%dma_wait3A_113, %dma_wait3A_114, %dma_wait3A_115] : memref<4x128x64xf32, #tpu.memory_space<vmem>> -> memref<1x128x64xf32, #tpu.memory_space<vmem>>
        %dma_wait3A_117 = tpu.memref_squeeze %dma_wait3A_116 : memref<1x128x64xf32, #tpu.memory_space<vmem>> -> memref<128x64xf32, #tpu.memory_space<vmem>>
        %dma_wait3A_118 = arith.constant 0 : i32
        %dma_wait3A_119 = tpu.memref_slice %arg7[%add3A_112, %dma_wait3A_118] : memref<32x128xi32, #tpu.memory_space<vmem>> -> memref<1x128xi32, #tpu.memory_space<vmem>>
        %dma_wait3A_120 = tpu.memref_squeeze %dma_wait3A_119 : memref<1x128xi32, #tpu.memory_space<vmem>> -> memref<128xi32, #tpu.memory_space<vmem>>
        %dma_wait3A_121 = arith.constant 0 : i32
        %dma_wait3A_122 = arith.constant 0 : i32
        %dma_wait3A_123 = tpu.memref_slice %arg10[%dma_wait3A_121, %dma_wait3A_122] : memref<10000x64xf32, #tpu.memory_space<vmem_shared>> -> memref<10000x64xf32, #tpu.memory_space<vmem_shared>>
        tpu.wait_indirect_dma semaphore(%arg13 : memref<!tpu.dma_semaphore, #tpu.memory_space<semaphore_mem>>) src(%dma_wait3A_123 : memref<10000x64xf32, #tpu.memory_space<vmem_shared>>) dst(%dma_wait3A_117 : memref<128x64xf32, #tpu.memory_space<vmem>>)
        %dma_start3A_124 = arith.constant 1 : i32
        %dma_start3A_125 = arith.constant 0 : i32
        %dma_start3A_126 = arith.constant 0 : i32
        %dma_start3A_127 = tpu.memref_slice %arg9[%dma_start3A_124, %dma_start3A_125, %dma_start3A_126] : memref<4x128x64xf32, #tpu.memory_space<vmem>> -> memref<1x128x64xf32, #tpu.memory_space<vmem>>
        %dma_start3A_128 = tpu.memref_squeeze %dma_start3A_127 : memref<1x128x64xf32, #tpu.memory_space<vmem>> -> memref<128x64xf32, #tpu.memory_space<vmem>>
        %dma_start3A_129 = arith.constant 0 : i32
        %dma_start3A_130 = tpu.memref_slice %arg8[%add3A_112, %dma_start3A_129] : memref<32x128xi32, #tpu.memory_space<vmem>> -> memref<1x128xi32, #tpu.memory_space<vmem>>
        %dma_start3A_131 = tpu.memref_squeeze %dma_start3A_130 : memref<1x128xi32, #tpu.memory_space<vmem>> -> memref<128xi32, #tpu.memory_space<vmem>>
        %dma_start3A_132 = arith.constant 0 : i32
        %dma_start3A_133 = arith.constant 0 : i32
        %dma_start3A_134 = tpu.memref_slice %arg11[%dma_start3A_132, %dma_start3A_133] : memref<10240x64xf32, #tpu.memory_space<vmem_shared>> -> memref<10240x64xf32, #tpu.memory_space<vmem_shared>>
        tpu.enqueue_indirect_dma source(%dma_start3A_128 : memref<128x64xf32, #tpu.memory_space<vmem>>) target(%dma_start3A_134 : memref<10240x64xf32, #tpu.memory_space<vmem_shared>>) offsets(%dma_start3A_131 : memref<128xi32, #tpu.memory_space<vmem>>) semaphore(%arg17 : memref<!tpu.dma_semaphore, #tpu.memory_space<semaphore_mem>>) {add = true}
        %gt3A_135 = arith.constant 0 : i32
        %gt3A_136 = arith.cmpi sgt, %add3A_112, %gt3A_135 : i32
        %convert_element_type3A_137 = arith.extui %gt3A_136 : i1 to i32
        %cond3A_138 = arith.constant 0 : i32
        %cond3A_139 = arith.cmpi ne, %convert_element_type3A_137, %cond3A_138 : i32
        scf.if %cond3A_139 {
          %sub3A_229 = arith.constant 1 : i32
          %sub3A_230 = arith.subi %add3A_112, %sub3A_229 : i32
          %dma_wait3A_231 = arith.constant 0 : i32
          %dma_wait3A_232 = arith.constant 0 : i32
          %dma_wait3A_233 = arith.constant 0 : i32
          %dma_wait3A_234 = tpu.memref_slice %arg9[%dma_wait3A_231, %dma_wait3A_232, %dma_wait3A_233] : memref<4x128x64xf32, #tpu.memory_space<vmem>> -> memref<1x128x64xf32, #tpu.memory_space<vmem>>
          %dma_wait3A_235 = tpu.memref_squeeze %dma_wait3A_234 : memref<1x128x64xf32, #tpu.memory_space<vmem>> -> memref<128x64xf32, #tpu.memory_space<vmem>>
          %dma_wait3A_236 = arith.constant 0 : i32
          %dma_wait3A_237 = tpu.memref_slice %arg8[%sub3A_230, %dma_wait3A_236] : memref<32x128xi32, #tpu.memory_space<vmem>> -> memref<1x128xi32, #tpu.memory_space<vmem>>
          %dma_wait3A_238 = tpu.memref_squeeze %dma_wait3A_237 : memref<1x128xi32, #tpu.memory_space<vmem>> -> memref<128xi32, #tpu.memory_space<vmem>>
          %dma_wait3A_239 = arith.constant 0 : i32
          %dma_wait3A_240 = arith.constant 0 : i32
          %dma_wait3A_241 = tpu.memref_slice %arg11[%dma_wait3A_239, %dma_wait3A_240] : memref<10240x64xf32, #tpu.memory_space<vmem_shared>> -> memref<10240x64xf32, #tpu.memory_space<vmem_shared>>
          tpu.wait_indirect_dma semaphore(%arg16 : memref<!tpu.dma_semaphore, #tpu.memory_space<semaphore_mem>>) src(%dma_wait3A_235 : memref<128x64xf32, #tpu.memory_space<vmem>>) dst(%dma_wait3A_241 : memref<10240x64xf32, #tpu.memory_space<vmem_shared>>)
        } else {
        }
        %add3A_140 = arith.constant 4 : i32
        %add3A_141 = arith.addi %add3A_112, %add3A_140 : i32
        %sub3A_142 = arith.constant 1 : i32
        %sub3A_143 = arith.subi %add3A_141, %sub3A_142 : i32
        %lt3A_144 = arith.constant 32 : i32
        %lt3A_145 = arith.cmpi slt, %sub3A_143, %lt3A_144 : i32
        %convert_element_type3A_146 = arith.extui %lt3A_145 : i1 to i32
        %cond3A_147 = arith.constant 0 : i32
        %cond3A_148 = arith.cmpi ne, %convert_element_type3A_146, %cond3A_147 : i32
        scf.if %cond3A_148 {
          %add3A_229 = arith.constant 4 : i32
          %add3A_230 = arith.addi %add3A_112, %add3A_229 : i32
          %sub3A_231 = arith.constant 1 : i32
          %sub3A_232 = arith.subi %add3A_230, %sub3A_231 : i32
          %dma_start3A_233 = arith.constant 0 : i32
          %dma_start3A_234 = arith.constant 0 : i32
          %dma_start3A_235 = arith.constant 0 : i32
          %dma_start3A_236 = tpu.memref_slice %arg9[%dma_start3A_233, %dma_start3A_234, %dma_start3A_235] : memref<4x128x64xf32, #tpu.memory_space<vmem>> -> memref<1x128x64xf32, #tpu.memory_space<vmem>>
          %dma_start3A_237 = tpu.memref_squeeze %dma_start3A_236 : memref<1x128x64xf32, #tpu.memory_space<vmem>> -> memref<128x64xf32, #tpu.memory_space<vmem>>
          %dma_start3A_238 = arith.constant 0 : i32
          %dma_start3A_239 = tpu.memref_slice %arg7[%sub3A_232, %dma_start3A_238] : memref<32x128xi32, #tpu.memory_space<vmem>> -> memref<1x128xi32, #tpu.memory_space<vmem>>
          %dma_start3A_240 = tpu.memref_squeeze %dma_start3A_239 : memref<1x128xi32, #tpu.memory_space<vmem>> -> memref<128xi32, #tpu.memory_space<vmem>>
          %dma_start3A_241 = arith.constant 0 : i32
          %dma_start3A_242 = arith.constant 0 : i32
          %dma_start3A_243 = tpu.memref_slice %arg10[%dma_start3A_241, %dma_start3A_242] : memref<10000x64xf32, #tpu.memory_space<vmem_shared>> -> memref<10000x64xf32, #tpu.memory_space<vmem_shared>>
          tpu.enqueue_indirect_dma source(%dma_start3A_243 : memref<10000x64xf32, #tpu.memory_space<vmem_shared>>) target(%dma_start3A_237 : memref<128x64xf32, #tpu.memory_space<vmem>>) offsets(%dma_start3A_240 : memref<128xi32, #tpu.memory_space<vmem>>) semaphore(%arg12 : memref<!tpu.dma_semaphore, #tpu.memory_space<semaphore_mem>>)
        } else {
        }
        %mul3A_149 = arith.constant 4 : i32
        %mul3A_150 = arith.muli %scan3A_74, %mul3A_149 : i32
        %add3A_151 = arith.constant 2 : i32
        %add3A_152 = arith.addi %mul3A_150, %add3A_151 : i32
        %dma_wait3A_153 = arith.constant 2 : i32
        %dma_wait3A_154 = arith.constant 0 : i32
        %dma_wait3A_155 = arith.constant 0 : i32
        %dma_wait3A_156 = tpu.memref_slice %arg9[%dma_wait3A_153, %dma_wait3A_154, %dma_wait3A_155] : memref<4x128x64xf32, #tpu.memory_space<vmem>> -> memref<1x128x64xf32, #tpu.memory_space<vmem>>
        %dma_wait3A_157 = tpu.memref_squeeze %dma_wait3A_156 : memref<1x128x64xf32, #tpu.memory_space<vmem>> -> memref<128x64xf32, #tpu.memory_space<vmem>>
        %dma_wait3A_158 = arith.constant 0 : i32
        %dma_wait3A_159 = tpu.memref_slice %arg7[%add3A_152, %dma_wait3A_158] : memref<32x128xi32, #tpu.memory_space<vmem>> -> memref<1x128xi32, #tpu.memory_space<vmem>>
        %dma_wait3A_160 = tpu.memref_squeeze %dma_wait3A_159 : memref<1x128xi32, #tpu.memory_space<vmem>> -> memref<128xi32, #tpu.memory_space<vmem>>
        %dma_wait3A_161 = arith.constant 0 : i32
        %dma_wait3A_162 = arith.constant 0 : i32
        %dma_wait3A_163 = tpu.memref_slice %arg10[%dma_wait3A_161, %dma_wait3A_162] : memref<10000x64xf32, #tpu.memory_space<vmem_shared>> -> memref<10000x64xf32, #tpu.memory_space<vmem_shared>>
        tpu.wait_indirect_dma semaphore(%arg14 : memref<!tpu.dma_semaphore, #tpu.memory_space<semaphore_mem>>) src(%dma_wait3A_163 : memref<10000x64xf32, #tpu.memory_space<vmem_shared>>) dst(%dma_wait3A_157 : memref<128x64xf32, #tpu.memory_space<vmem>>)
        %dma_start3A_164 = arith.constant 2 : i32
        %dma_start3A_165 = arith.constant 0 : i32
        %dma_start3A_166 = arith.constant 0 : i32
        %dma_start3A_167 = tpu.memref_slice %arg9[%dma_start3A_164, %dma_start3A_165, %dma_start3A_166] : memref<4x128x64xf32, #tpu.memory_space<vmem>> -> memref<1x128x64xf32, #tpu.memory_space<vmem>>
        %dma_start3A_168 = tpu.memref_squeeze %dma_start3A_167 : memref<1x128x64xf32, #tpu.memory_space<vmem>> -> memref<128x64xf32, #tpu.memory_space<vmem>>
        %dma_start3A_169 = arith.constant 0 : i32
        %dma_start3A_170 = tpu.memref_slice %arg8[%add3A_152, %dma_start3A_169] : memref<32x128xi32, #tpu.memory_space<vmem>> -> memref<1x128xi32, #tpu.memory_space<vmem>>
        %dma_start3A_171 = tpu.memref_squeeze %dma_start3A_170 : memref<1x128xi32, #tpu.memory_space<vmem>> -> memref<128xi32, #tpu.memory_space<vmem>>
        %dma_start3A_172 = arith.constant 0 : i32
        %dma_start3A_173 = arith.constant 0 : i32
        %dma_start3A_174 = tpu.memref_slice %arg11[%dma_start3A_172, %dma_start3A_173] : memref<10240x64xf32, #tpu.memory_space<vmem_shared>> -> memref<10240x64xf32, #tpu.memory_space<vmem_shared>>
        tpu.enqueue_indirect_dma source(%dma_start3A_168 : memref<128x64xf32, #tpu.memory_space<vmem>>) target(%dma_start3A_174 : memref<10240x64xf32, #tpu.memory_space<vmem_shared>>) offsets(%dma_start3A_171 : memref<128xi32, #tpu.memory_space<vmem>>) semaphore(%arg18 : memref<!tpu.dma_semaphore, #tpu.memory_space<semaphore_mem>>) {add = true}
        %gt3A_175 = arith.constant 0 : i32
        %gt3A_176 = arith.cmpi sgt, %add3A_152, %gt3A_175 : i32
        %convert_element_type3A_177 = arith.extui %gt3A_176 : i1 to i32
        %cond3A_178 = arith.constant 0 : i32
        %cond3A_179 = arith.cmpi ne, %convert_element_type3A_177, %cond3A_178 : i32
        scf.if %cond3A_179 {
          %sub3A_229 = arith.constant 1 : i32
          %sub3A_230 = arith.subi %add3A_152, %sub3A_229 : i32
          %dma_wait3A_231 = arith.constant 1 : i32
          %dma_wait3A_232 = arith.constant 0 : i32
          %dma_wait3A_233 = arith.constant 0 : i32
          %dma_wait3A_234 = tpu.memref_slice %arg9[%dma_wait3A_231, %dma_wait3A_232, %dma_wait3A_233] : memref<4x128x64xf32, #tpu.memory_space<vmem>> -> memref<1x128x64xf32, #tpu.memory_space<vmem>>
          %dma_wait3A_235 = tpu.memref_squeeze %dma_wait3A_234 : memref<1x128x64xf32, #tpu.memory_space<vmem>> -> memref<128x64xf32, #tpu.memory_space<vmem>>
          %dma_wait3A_236 = arith.constant 0 : i32
          %dma_wait3A_237 = tpu.memref_slice %arg8[%sub3A_230, %dma_wait3A_236] : memref<32x128xi32, #tpu.memory_space<vmem>> -> memref<1x128xi32, #tpu.memory_space<vmem>>
          %dma_wait3A_238 = tpu.memref_squeeze %dma_wait3A_237 : memref<1x128xi32, #tpu.memory_space<vmem>> -> memref<128xi32, #tpu.memory_space<vmem>>
          %dma_wait3A_239 = arith.constant 0 : i32
          %dma_wait3A_240 = arith.constant 0 : i32
          %dma_wait3A_241 = tpu.memref_slice %arg11[%dma_wait3A_239, %dma_wait3A_240] : memref<10240x64xf32, #tpu.memory_space<vmem_shared>> -> memref<10240x64xf32, #tpu.memory_space<vmem_shared>>
          tpu.wait_indirect_dma semaphore(%arg17 : memref<!tpu.dma_semaphore, #tpu.memory_space<semaphore_mem>>) src(%dma_wait3A_235 : memref<128x64xf32, #tpu.memory_space<vmem>>) dst(%dma_wait3A_241 : memref<10240x64xf32, #tpu.memory_space<vmem_shared>>)
        } else {
        }
        %add3A_180 = arith.constant 4 : i32
        %add3A_181 = arith.addi %add3A_152, %add3A_180 : i32
        %sub3A_182 = arith.constant 1 : i32
        %sub3A_183 = arith.subi %add3A_181, %sub3A_182 : i32
        %lt3A_184 = arith.constant 32 : i32
        %lt3A_185 = arith.cmpi slt, %sub3A_183, %lt3A_184 : i32
        %convert_element_type3A_186 = arith.extui %lt3A_185 : i1 to i32
        %cond3A_187 = arith.constant 0 : i32
        %cond3A_188 = arith.cmpi ne, %convert_element_type3A_186, %cond3A_187 : i32
        scf.if %cond3A_188 {
          %add3A_229 = arith.constant 4 : i32
          %add3A_230 = arith.addi %add3A_152, %add3A_229 : i32
          %sub3A_231 = arith.constant 1 : i32
          %sub3A_232 = arith.subi %add3A_230, %sub3A_231 : i32
          %dma_start3A_233 = arith.constant 1 : i32
          %dma_start3A_234 = arith.constant 0 : i32
          %dma_start3A_235 = arith.constant 0 : i32
          %dma_start3A_236 = tpu.memref_slice %arg9[%dma_start3A_233, %dma_start3A_234, %dma_start3A_235] : memref<4x128x64xf32, #tpu.memory_space<vmem>> -> memref<1x128x64xf32, #tpu.memory_space<vmem>>
          %dma_start3A_237 = tpu.memref_squeeze %dma_start3A_236 : memref<1x128x64xf32, #tpu.memory_space<vmem>> -> memref<128x64xf32, #tpu.memory_space<vmem>>
          %dma_start3A_238 = arith.constant 0 : i32
          %dma_start3A_239 = tpu.memref_slice %arg7[%sub3A_232, %dma_start3A_238] : memref<32x128xi32, #tpu.memory_space<vmem>> -> memref<1x128xi32, #tpu.memory_space<vmem>>
          %dma_start3A_240 = tpu.memref_squeeze %dma_start3A_239 : memref<1x128xi32, #tpu.memory_space<vmem>> -> memref<128xi32, #tpu.memory_space<vmem>>
          %dma_start3A_241 = arith.constant 0 : i32
          %dma_start3A_242 = arith.constant 0 : i32
          %dma_start3A_243 = tpu.memref_slice %arg10[%dma_start3A_241, %dma_start3A_242] : memref<10000x64xf32, #tpu.memory_space<vmem_shared>> -> memref<10000x64xf32, #tpu.memory_space<vmem_shared>>
          tpu.enqueue_indirect_dma source(%dma_start3A_243 : memref<10000x64xf32, #tpu.memory_space<vmem_shared>>) target(%dma_start3A_237 : memref<128x64xf32, #tpu.memory_space<vmem>>) offsets(%dma_start3A_240 : memref<128xi32, #tpu.memory_space<vmem>>) semaphore(%arg13 : memref<!tpu.dma_semaphore, #tpu.memory_space<semaphore_mem>>)
        } else {
        }
        %mul3A_189 = arith.constant 4 : i32
        %mul3A_190 = arith.muli %scan3A_74, %mul3A_189 : i32
        %add3A_191 = arith.constant 3 : i32
        %add3A_192 = arith.addi %mul3A_190, %add3A_191 : i32
        %dma_wait3A_193 = arith.constant 3 : i32
        %dma_wait3A_194 = arith.constant 0 : i32
        %dma_wait3A_195 = arith.constant 0 : i32
        %dma_wait3A_196 = tpu.memref_slice %arg9[%dma_wait3A_193, %dma_wait3A_194, %dma_wait3A_195] : memref<4x128x64xf32, #tpu.memory_space<vmem>> -> memref<1x128x64xf32, #tpu.memory_space<vmem>>
        %dma_wait3A_197 = tpu.memref_squeeze %dma_wait3A_196 : memref<1x128x64xf32, #tpu.memory_space<vmem>> -> memref<128x64xf32, #tpu.memory_space<vmem>>
        %dma_wait3A_198 = arith.constant 0 : i32
        %dma_wait3A_199 = tpu.memref_slice %arg7[%add3A_192, %dma_wait3A_198] : memref<32x128xi32, #tpu.memory_space<vmem>> -> memref<1x128xi32, #tpu.memory_space<vmem>>
        %dma_wait3A_200 = tpu.memref_squeeze %dma_wait3A_199 : memref<1x128xi32, #tpu.memory_space<vmem>> -> memref<128xi32, #tpu.memory_space<vmem>>
        %dma_wait3A_201 = arith.constant 0 : i32
        %dma_wait3A_202 = arith.constant 0 : i32
        %dma_wait3A_203 = tpu.memref_slice %arg10[%dma_wait3A_201, %dma_wait3A_202] : memref<10000x64xf32, #tpu.memory_space<vmem_shared>> -> memref<10000x64xf32, #tpu.memory_space<vmem_shared>>
        tpu.wait_indirect_dma semaphore(%arg15 : memref<!tpu.dma_semaphore, #tpu.memory_space<semaphore_mem>>) src(%dma_wait3A_203 : memref<10000x64xf32, #tpu.memory_space<vmem_shared>>) dst(%dma_wait3A_197 : memref<128x64xf32, #tpu.memory_space<vmem>>)
        %dma_start3A_204 = arith.constant 3 : i32
        %dma_start3A_205 = arith.constant 0 : i32
        %dma_start3A_206 = arith.constant 0 : i32
        %dma_start3A_207 = tpu.memref_slice %arg9[%dma_start3A_204, %dma_start3A_205, %dma_start3A_206] : memref<4x128x64xf32, #tpu.memory_space<vmem>> -> memref<1x128x64xf32, #tpu.memory_space<vmem>>
        %dma_start3A_208 = tpu.memref_squeeze %dma_start3A_207 : memref<1x128x64xf32, #tpu.memory_space<vmem>> -> memref<128x64xf32, #tpu.memory_space<vmem>>
        %dma_start3A_209 = arith.constant 0 : i32
        %dma_start3A_210 = tpu.memref_slice %arg8[%add3A_192, %dma_start3A_209] : memref<32x128xi32, #tpu.memory_space<vmem>> -> memref<1x128xi32, #tpu.memory_space<vmem>>
        %dma_start3A_211 = tpu.memref_squeeze %dma_start3A_210 : memref<1x128xi32, #tpu.memory_space<vmem>> -> memref<128xi32, #tpu.memory_space<vmem>>
        %dma_start3A_212 = arith.constant 0 : i32
        %dma_start3A_213 = arith.constant 0 : i32
        %dma_start3A_214 = tpu.memref_slice %arg11[%dma_start3A_212, %dma_start3A_213] : memref<10240x64xf32, #tpu.memory_space<vmem_shared>> -> memref<10240x64xf32, #tpu.memory_space<vmem_shared>>
        tpu.enqueue_indirect_dma source(%dma_start3A_208 : memref<128x64xf32, #tpu.memory_space<vmem>>) target(%dma_start3A_214 : memref<10240x64xf32, #tpu.memory_space<vmem_shared>>) offsets(%dma_start3A_211 : memref<128xi32, #tpu.memory_space<vmem>>) semaphore(%arg19 : memref<!tpu.dma_semaphore, #tpu.memory_space<semaphore_mem>>) {add = true}
        %gt3A_215 = arith.constant 0 : i32
        %gt3A_216 = arith.cmpi sgt, %add3A_192, %gt3A_215 : i32
        %convert_element_type3A_217 = arith.extui %gt3A_216 : i1 to i32
        %cond3A_218 = arith.constant 0 : i32
        %cond3A_219 = arith.cmpi ne, %convert_element_type3A_217, %cond3A_218 : i32
        scf.if %cond3A_219 {
          %sub3A_229 = arith.constant 1 : i32
          %sub3A_230 = arith.subi %add3A_192, %sub3A_229 : i32
          %dma_wait3A_231 = arith.constant 2 : i32
          %dma_wait3A_232 = arith.constant 0 : i32
          %dma_wait3A_233 = arith.constant 0 : i32
          %dma_wait3A_234 = tpu.memref_slice %arg9[%dma_wait3A_231, %dma_wait3A_232, %dma_wait3A_233] : memref<4x128x64xf32, #tpu.memory_space<vmem>> -> memref<1x128x64xf32, #tpu.memory_space<vmem>>
          %dma_wait3A_235 = tpu.memref_squeeze %dma_wait3A_234 : memref<1x128x64xf32, #tpu.memory_space<vmem>> -> memref<128x64xf32, #tpu.memory_space<vmem>>
          %dma_wait3A_236 = arith.constant 0 : i32
          %dma_wait3A_237 = tpu.memref_slice %arg8[%sub3A_230, %dma_wait3A_236] : memref<32x128xi32, #tpu.memory_space<vmem>> -> memref<1x128xi32, #tpu.memory_space<vmem>>
          %dma_wait3A_238 = tpu.memref_squeeze %dma_wait3A_237 : memref<1x128xi32, #tpu.memory_space<vmem>> -> memref<128xi32, #tpu.memory_space<vmem>>
          %dma_wait3A_239 = arith.constant 0 : i32
          %dma_wait3A_240 = arith.constant 0 : i32
          %dma_wait3A_241 = tpu.memref_slice %arg11[%dma_wait3A_239, %dma_wait3A_240] : memref<10240x64xf32, #tpu.memory_space<vmem_shared>> -> memref<10240x64xf32, #tpu.memory_space<vmem_shared>>
          tpu.wait_indirect_dma semaphore(%arg18 : memref<!tpu.dma_semaphore, #tpu.memory_space<semaphore_mem>>) src(%dma_wait3A_235 : memref<128x64xf32, #tpu.memory_space<vmem>>) dst(%dma_wait3A_241 : memref<10240x64xf32, #tpu.memory_space<vmem_shared>>)
        } else {
        }
        %add3A_220 = arith.constant 4 : i32
        %add3A_221 = arith.addi %add3A_192, %add3A_220 : i32
        %sub3A_222 = arith.constant 1 : i32
        %sub3A_223 = arith.subi %add3A_221, %sub3A_222 : i32
        %lt3A_224 = arith.constant 32 : i32
        %lt3A_225 = arith.cmpi slt, %sub3A_223, %lt3A_224 : i32
        %convert_element_type3A_226 = arith.extui %lt3A_225 : i1 to i32
        %cond3A_227 = arith.constant 0 : i32
        %cond3A_228 = arith.cmpi ne, %convert_element_type3A_226, %cond3A_227 : i32
        scf.if %cond3A_228 {
          %add3A_229 = arith.constant 4 : i32
          %add3A_230 = arith.addi %add3A_192, %add3A_229 : i32
          %sub3A_231 = arith.constant 1 : i32
          %sub3A_232 = arith.subi %add3A_230, %sub3A_231 : i32
          %dma_start3A_233 = arith.constant 2 : i32
          %dma_start3A_234 = arith.constant 0 : i32
          %dma_start3A_235 = arith.constant 0 : i32
          %dma_start3A_236 = tpu.memref_slice %arg9[%dma_start3A_233, %dma_start3A_234, %dma_start3A_235] : memref<4x128x64xf32, #tpu.memory_space<vmem>> -> memref<1x128x64xf32, #tpu.memory_space<vmem>>
          %dma_start3A_237 = tpu.memref_squeeze %dma_start3A_236 : memref<1x128x64xf32, #tpu.memory_space<vmem>> -> memref<128x64xf32, #tpu.memory_space<vmem>>
          %dma_start3A_238 = arith.constant 0 : i32
          %dma_start3A_239 = tpu.memref_slice %arg7[%sub3A_232, %dma_start3A_238] : memref<32x128xi32, #tpu.memory_space<vmem>> -> memref<1x128xi32, #tpu.memory_space<vmem>>
          %dma_start3A_240 = tpu.memref_squeeze %dma_start3A_239 : memref<1x128xi32, #tpu.memory_space<vmem>> -> memref<128xi32, #tpu.memory_space<vmem>>
          %dma_start3A_241 = arith.constant 0 : i32
          %dma_start3A_242 = arith.constant 0 : i32
          %dma_start3A_243 = tpu.memref_slice %arg10[%dma_start3A_241, %dma_start3A_242] : memref<10000x64xf32, #tpu.memory_space<vmem_shared>> -> memref<10000x64xf32, #tpu.memory_space<vmem_shared>>
          tpu.enqueue_indirect_dma source(%dma_start3A_243 : memref<10000x64xf32, #tpu.memory_space<vmem_shared>>) target(%dma_start3A_237 : memref<128x64xf32, #tpu.memory_space<vmem>>) offsets(%dma_start3A_240 : memref<128xi32, #tpu.memory_space<vmem>>) semaphore(%arg14 : memref<!tpu.dma_semaphore, #tpu.memory_space<semaphore_mem>>)
        } else {
        }
      }
      %scan3A_62 = arith.constant 8 : i32
      %dma_wait3A = arith.constant 3 : i32
      %dma_wait3A_63 = arith.constant 31 : i32
      %dma_wait3A_64 = arith.constant 0 : i32
      %dma_wait3A_65 = arith.constant 0 : i32
      %dma_wait3A_66 = tpu.memref_slice %arg9[%dma_wait3A, %dma_wait3A_64, %dma_wait3A_65] : memref<4x128x64xf32, #tpu.memory_space<vmem>> -> memref<1x128x64xf32, #tpu.memory_space<vmem>>
      %dma_wait3A_67 = tpu.memref_squeeze %dma_wait3A_66 : memref<1x128x64xf32, #tpu.memory_space<vmem>> -> memref<128x64xf32, #tpu.memory_space<vmem>>
      %dma_wait3A_68 = arith.constant 0 : i32
      %dma_wait3A_69 = tpu.memref_slice %arg8[%dma_wait3A_63, %dma_wait3A_68] : memref<32x128xi32, #tpu.memory_space<vmem>> -> memref<1x128xi32, #tpu.memory_space<vmem>>
      %dma_wait3A_70 = tpu.memref_squeeze %dma_wait3A_69 : memref<1x128xi32, #tpu.memory_space<vmem>> -> memref<128xi32, #tpu.memory_space<vmem>>
      %dma_wait3A_71 = arith.constant 0 : i32
      %dma_wait3A_72 = arith.constant 0 : i32
      %dma_wait3A_73 = tpu.memref_slice %arg11[%dma_wait3A_71, %dma_wait3A_72] : memref<10240x64xf32, #tpu.memory_space<vmem_shared>> -> memref<10240x64xf32, #tpu.memory_space<vmem_shared>>
      tpu.wait_indirect_dma semaphore(%arg19 : memref<!tpu.dma_semaphore, #tpu.memory_space<semaphore_mem>>) src(%dma_wait3A_67 : memref<128x64xf32, #tpu.memory_space<vmem>>) dst(%dma_wait3A_73 : memref<10240x64xf32, #tpu.memory_space<vmem_shared>>)
    }
    %scan3A_11 = arith.constant 5 : i32
    %barrier3A_12 = arith.constant 0 : index
    tpu.barrier barrier_id(%barrier3A_12)
    %mul3A_13 = arith.constant 640 : i32
    %mul3A_14 = arith.muli %arg1, %mul3A_13 : i32
    %mul3A_15 = arith.constant 640 : i32
    %mul3A_16 = arith.muli %arg1, %mul3A_15 : i32
    "tpu.region"() ({
      %run_scoped3A = tpu.sem_alloc : memref<!tpu.dma_semaphore, #tpu.memory_space<semaphore_mem>>
      %dma_start3A = arith.constant 0 : i32
      %dma_start3A_17 = tpu.memref_slice %arg6[%arg0, %mul3A_16, %dma_start3A] : memref<2x10240x64xf32, #tpu.memory_space<hbm>> -> memref<1x640x64xf32, #tpu.memory_space<hbm>>
      %dma_start3A_18 = tpu.memref_squeeze %dma_start3A_17 : memref<1x640x64xf32, #tpu.memory_space<hbm>> -> memref<640x64xf32, #tpu.memory_space<hbm>>
      %dma_start3A_19 = arith.constant 0 : i32
      %dma_start3A_20 = tpu.memref_slice %arg11[%mul3A_14, %dma_start3A_19] : memref<10240x64xf32, #tpu.memory_space<vmem_shared>> -> memref<640x64xf32, #tpu.memory_space<vmem_shared>>
      tpu.enqueue_dma source(%dma_start3A_20 : memref<640x64xf32, #tpu.memory_space<vmem_shared>>) target(%dma_start3A_18 : memref<640x64xf32, #tpu.memory_space<hbm>>) target_semaphore(%run_scoped3A : memref<!tpu.dma_semaphore, #tpu.memory_space<semaphore_mem>>)
      %dma_wait3A = arith.constant 0 : i32
      %dma_wait3A_21 = tpu.memref_slice %arg6[%arg0, %mul3A_16, %dma_wait3A] : memref<2x10240x64xf32, #tpu.memory_space<hbm>> -> memref<1x640x64xf32, #tpu.memory_space<hbm>>
      %dma_wait3A_22 = tpu.memref_squeeze %dma_wait3A_21 : memref<1x640x64xf32, #tpu.memory_space<hbm>> -> memref<640x64xf32, #tpu.memory_space<hbm>>
      %dma_wait3A_23 = arith.constant 0 : i32
      %dma_wait3A_24 = tpu.memref_slice %arg11[%mul3A_14, %dma_wait3A_23] : memref<10240x64xf32, #tpu.memory_space<vmem_shared>> -> memref<640x64xf32, #tpu.memory_space<vmem_shared>>
      tpu.wait_dma2 semaphore(%run_scoped3A : memref<!tpu.dma_semaphore, #tpu.memory_space<semaphore_mem>>) src(%dma_wait3A_24 : memref<640x64xf32, #tpu.memory_space<vmem_shared>>) dst(%dma_wait3A_22 : memref<640x64xf32, #tpu.memory_space<hbm>>)
      tpu.yield
    }) : () -> ()
    return
  }
}

#map = affine_map<(d0, d1) -> (0, 0)>
#map1 = affine_map<(d0, d1) -> (0, 0, 0)>
module attributes {stable_mosaic.version = 14 : i64} {
  func.func @scat_kernel(%arg0: i32, %arg1: i32, %arg2: memref<10000x128xf32, #tpu.memory_space<hbm>>, %arg3: memref<16x160x128xi32, #tpu.memory_space<hbm>>, %arg4: memref<16x160x128xi32, #tpu.memory_space<hbm>>, %arg5: memref<640x64xf32, #tpu.memory_space<hbm>>, %arg6: memref<2x10240x64xf32, #tpu.memory_space<hbm>>, %arg7: memref<32x128xi32, #tpu.memory_space<vmem>>, %arg8: memref<32x128xi32, #tpu.memory_space<vmem>>, %arg9: memref<4x128x64xf32, #tpu.memory_space<vmem>>, %arg10: memref<10000x64xf32, #tpu.memory_space<vmem_shared>>, %arg11: memref<10240x64xf32, #tpu.memory_space<vmem_shared>>, %arg12: memref<!tpu.dma_semaphore, #tpu.memory_space<semaphore_mem>>, %arg13: memref<!tpu.dma_semaphore, #tpu.memory_space<semaphore_mem>>, %arg14: memref<!tpu.dma_semaphore, #tpu.memory_space<semaphore_mem>>, %arg15: memref<!tpu.dma_semaphore, #tpu.memory_space<semaphore_mem>>, %arg16: memref<!tpu.dma_semaphore, #tpu.memory_space<semaphore_mem>>, %arg17: memref<!tpu.dma_semaphore, #tpu.memory_space<semaphore_mem>>, %arg18: memref<!tpu.dma_semaphore, #tpu.memory_space<semaphore_mem>>, %arg19: memref<!tpu.dma_semaphore, #tpu.memory_space<semaphore_mem>>) attributes {dimension_semantics = [#tpu.dimension_semantics<core_parallel>, #tpu.dimension_semantics<subcore_parallel>], iteration_bounds = array<i64: 2, 16>, scalar_prefetch = 0 : i64, scratch_operands = 13 : i64, tpu.core_type = #tpu.core_type<sc_vector_subcore>, window_params = [{transform_indices = #map}, {transform_indices = #map1}, {transform_indices = #map1}, {transform_indices = #map}, {transform_indices = #map1}]} {
    %mul3A = arith.constant 640 : i32
    %mul3A_0 = arith.muli %arg1, %mul3A : i32
    "tpu.region"() ({
      %run_scoped3A = tpu.sem_alloc : memref<!tpu.dma_semaphore, #tpu.memory_space<semaphore_mem>>
      %dma_start3A = arith.constant 0 : i32
      %dma_start3A_17 = tpu.memref_slice %arg11[%mul3A_0, %dma_start3A] : memref<10240x64xf32, #tpu.memory_space<vmem_shared>> -> memref<640x64xf32, #tpu.memory_space<vmem_shared>>
      tpu.enqueue_dma source(%arg5 : memref<640x64xf32, #tpu.memory_space<hbm>>) target(%dma_start3A_17 : memref<640x64xf32, #tpu.memory_space<vmem_shared>>) target_semaphore(%run_scoped3A : memref<!tpu.dma_semaphore, #tpu.memory_space<semaphore_mem>>)
      %dma_wait3A = arith.constant 0 : i32
      %dma_wait3A_18 = tpu.memref_slice %arg11[%mul3A_0, %dma_wait3A] : memref<10240x64xf32, #tpu.memory_space<vmem_shared>> -> memref<640x64xf32, #tpu.memory_space<vmem_shared>>
      tpu.wait_dma2 semaphore(%run_scoped3A : memref<!tpu.dma_semaphore, #tpu.memory_space<semaphore_mem>>) src(%arg5 : memref<640x64xf32, #tpu.memory_space<hbm>>) dst(%dma_wait3A_18 : memref<640x64xf32, #tpu.memory_space<vmem_shared>>)
      tpu.yield
    }) : () -> ()
    %mul3A_1 = arith.constant 625 : i32
    %mul3A_2 = arith.muli %arg1, %mul3A_1 : i32
    %mul3A_3 = arith.constant 64 : i32
    %mul3A_4 = arith.muli %arg0, %mul3A_3 : i32
    %mul3A_5 = arith.constant 625 : i32
    %mul3A_6 = arith.muli %arg1, %mul3A_5 : i32
    "tpu.region"() ({
      %run_scoped3A = tpu.sem_alloc : memref<!tpu.dma_semaphore, #tpu.memory_space<semaphore_mem>>
      %dma_start3A = arith.constant 0 : i32
      %dma_start3A_17 = tpu.memref_slice %arg10[%mul3A_6, %dma_start3A] : memref<10000x64xf32, #tpu.memory_space<vmem_shared>> -> memref<625x64xf32, #tpu.memory_space<vmem_shared>>
      %dma_start3A_18 = tpu.memref_slice %arg2[%mul3A_2, %mul3A_4] : memref<10000x128xf32, #tpu.memory_space<hbm>> -> memref<625x64xf32, #tpu.memory_space<hbm>>
      tpu.enqueue_dma source(%dma_start3A_18 : memref<625x64xf32, #tpu.memory_space<hbm>>) target(%dma_start3A_17 : memref<625x64xf32, #tpu.memory_space<vmem_shared>>) target_semaphore(%run_scoped3A : memref<!tpu.dma_semaphore, #tpu.memory_space<semaphore_mem>>)
      %dma_wait3A = arith.constant 0 : i32
      %dma_wait3A_19 = tpu.memref_slice %arg10[%mul3A_6, %dma_wait3A] : memref<10000x64xf32, #tpu.memory_space<vmem_shared>> -> memref<625x64xf32, #tpu.memory_space<vmem_shared>>
      %dma_wait3A_20 = tpu.memref_slice %arg2[%mul3A_2, %mul3A_4] : memref<10000x128xf32, #tpu.memory_space<hbm>> -> memref<625x64xf32, #tpu.memory_space<hbm>>
      tpu.wait_dma2 semaphore(%run_scoped3A : memref<!tpu.dma_semaphore, #tpu.memory_space<semaphore_mem>>) src(%dma_wait3A_20 : memref<625x64xf32, #tpu.memory_space<hbm>>) dst(%dma_wait3A_19 : memref<625x64xf32, #tpu.memory_space<vmem_shared>>)
      tpu.yield
    }) : () -> ()
    %barrier3A = arith.constant 0 : index
    tpu.barrier barrier_id(%barrier3A)
    %scan3A = arith.constant 0 : i32
    %scan3A_7 = arith.constant 0 : i32
    %scan3A_8 = arith.constant 5 : i32
    %scan3A_9 = arith.addi %scan3A_7, %scan3A_8 : i32
    %scan3A_10 = arith.constant 1 : i32
    scf.for %scan3A_17 = %scan3A_7 to %scan3A_9 step %scan3A_10  : i32 {
      %mul3A_18 = arith.constant 32 : i32
      %mul3A_19 = arith.muli %scan3A_17, %mul3A_18 : i32
      "tpu.region"() ({
        %run_scoped3A = tpu.sem_alloc : memref<!tpu.dma_semaphore, #tpu.memory_space<semaphore_mem>>
        %dma_start3A_74 = arith.constant 0 : i32
        %dma_start3A_75 = tpu.memref_slice %arg3[%arg1, %mul3A_19, %dma_start3A_74] : memref<16x160x128xi32, #tpu.memory_space<hbm>> -> memref<1x32x128xi32, #tpu.memory_space<hbm>>
        %dma_start3A_76 = tpu.memref_squeeze %dma_start3A_75 : memref<1x32x128xi32, #tpu.memory_space<hbm>> -> memref<32x128xi32, #tpu.memory_space<hbm>>
        %dma_start3A_77 = arith.constant 0 : i32
        %dma_start3A_78 = tpu.memref_slice %arg3[%arg1, %mul3A_19, %dma_start3A_77] : memref<16x160x128xi32, #tpu.memory_space<hbm>> -> memref<1x32x128xi32, #tpu.memory_space<hbm>>
        %dma_start3A_79 = tpu.memref_squeeze %dma_start3A_78 : memref<1x32x128xi32, #tpu.memory_space<hbm>> -> memref<32x128xi32, #tpu.memory_space<hbm>>
        tpu.enqueue_dma source(%dma_start3A_79 : memref<32x128xi32, #tpu.memory_space<hbm>>) target(%arg7 : memref<32x128xi32, #tpu.memory_space<vmem>>) target_semaphore(%run_scoped3A : memref<!tpu.dma_semaphore, #tpu.memory_space<semaphore_mem>>)
        %dma_wait3A_80 = arith.constant 0 : i32
        %dma_wait3A_81 = tpu.memref_slice %arg3[%arg1, %mul3A_19, %dma_wait3A_80] : memref<16x160x128xi32, #tpu.memory_space<hbm>> -> memref<1x32x128xi32, #tpu.memory_space<hbm>>
        %dma_wait3A_82 = tpu.memref_squeeze %dma_wait3A_81 : memref<1x32x128xi32, #tpu.memory_space<hbm>> -> memref<32x128xi32, #tpu.memory_space<hbm>>
        %dma_wait3A_83 = arith.constant 0 : i32
        %dma_wait3A_84 = tpu.memref_slice %arg3[%arg1, %mul3A_19, %dma_wait3A_83] : memref<16x160x128xi32, #tpu.memory_space<hbm>> -> memref<1x32x128xi32, #tpu.memory_space<hbm>>
        %dma_wait3A_85 = tpu.memref_squeeze %dma_wait3A_84 : memref<1x32x128xi32, #tpu.memory_space<hbm>> -> memref<32x128xi32, #tpu.memory_space<hbm>>
        tpu.wait_dma2 semaphore(%run_scoped3A : memref<!tpu.dma_semaphore, #tpu.memory_space<semaphore_mem>>) src(%dma_wait3A_85 : memref<32x128xi32, #tpu.memory_space<hbm>>) dst(%arg7 : memref<32x128xi32, #tpu.memory_space<vmem>>)
        tpu.yield
      }) : () -> ()
      %mul3A_20 = arith.constant 32 : i32
      %mul3A_21 = arith.muli %scan3A_17, %mul3A_20 : i32
      "tpu.region"() ({
        %run_scoped3A = tpu.sem_alloc : memref<!tpu.dma_semaphore, #tpu.memory_space<semaphore_mem>>
        %dma_start3A_74 = arith.constant 0 : i32
        %dma_start3A_75 = tpu.memref_slice %arg4[%arg1, %mul3A_21, %dma_start3A_74] : memref<16x160x128xi32, #tpu.memory_space<hbm>> -> memref<1x32x128xi32, #tpu.memory_space<hbm>>
        %dma_start3A_76 = tpu.memref_squeeze %dma_start3A_75 : memref<1x32x128xi32, #tpu.memory_space<hbm>> -> memref<32x128xi32, #tpu.memory_space<hbm>>
        %dma_start3A_77 = arith.constant 0 : i32
        %dma_start3A_78 = tpu.memref_slice %arg4[%arg1, %mul3A_21, %dma_start3A_77] : memref<16x160x128xi32, #tpu.memory_space<hbm>> -> memref<1x32x128xi32, #tpu.memory_space<hbm>>
        %dma_start3A_79 = tpu.memref_squeeze %dma_start3A_78 : memref<1x32x128xi32, #tpu.memory_space<hbm>> -> memref<32x128xi32, #tpu.memory_space<hbm>>
        tpu.enqueue_dma source(%dma_start3A_79 : memref<32x128xi32, #tpu.memory_space<hbm>>) target(%arg8 : memref<32x128xi32, #tpu.memory_space<vmem>>) target_semaphore(%run_scoped3A : memref<!tpu.dma_semaphore, #tpu.memory_space<semaphore_mem>>)
        %dma_wait3A_80 = arith.constant 0 : i32
        %dma_wait3A_81 = tpu.memref_slice %arg4[%arg1, %mul3A_21, %dma_wait3A_80] : memref<16x160x128xi32, #tpu.memory_space<hbm>> -> memref<1x32x128xi32, #tpu.memory_space<hbm>>
        %dma_wait3A_82 = tpu.memref_squeeze %dma_wait3A_81 : memref<1x32x128xi32, #tpu.memory_space<hbm>> -> memref<32x128xi32, #tpu.memory_space<hbm>>
        %dma_wait3A_83 = arith.constant 0 : i32
        %dma_wait3A_84 = tpu.memref_slice %arg4[%arg1, %mul3A_21, %dma_wait3A_83] : memref<16x160x128xi32, #tpu.memory_space<hbm>> -> memref<1x32x128xi32, #tpu.memory_space<hbm>>
        %dma_wait3A_85 = tpu.memref_squeeze %dma_wait3A_84 : memref<1x32x128xi32, #tpu.memory_space<hbm>> -> memref<32x128xi32, #tpu.memory_space<hbm>>
        tpu.wait_dma2 semaphore(%run_scoped3A : memref<!tpu.dma_semaphore, #tpu.memory_space<semaphore_mem>>) src(%dma_wait3A_85 : memref<32x128xi32, #tpu.memory_space<hbm>>) dst(%arg8 : memref<32x128xi32, #tpu.memory_space<vmem>>)
        tpu.yield
      }) : () -> ()
      %dma_start3A = arith.constant 0 : i32
      %dma_start3A_22 = arith.constant 0 : i32
      %dma_start3A_23 = arith.constant 0 : i32
      %dma_start3A_24 = arith.constant 0 : i32
      %dma_start3A_25 = tpu.memref_slice %arg9[%dma_start3A_22, %dma_start3A_23, %dma_start3A_24] : memref<4x128x64xf32, #tpu.memory_space<vmem>> -> memref<1x128x64xf32, #tpu.memory_space<vmem>>
      %dma_start3A_26 = tpu.memref_squeeze %dma_start3A_25 : memref<1x128x64xf32, #tpu.memory_space<vmem>> -> memref<128x64xf32, #tpu.memory_space<vmem>>
      %dma_start3A_27 = arith.constant 0 : i32
      %dma_start3A_28 = tpu.memref_slice %arg7[%dma_start3A, %dma_start3A_27] : memref<32x128xi32, #tpu.memory_space<vmem>> -> memref<1x128xi32, #tpu.memory_space<vmem>>
      %dma_start3A_29 = tpu.memref_squeeze %dma_start3A_28 : memref<1x128xi32, #tpu.memory_space<vmem>> -> memref<128xi32, #tpu.memory_space<vmem>>
      %dma_start3A_30 = arith.constant 0 : i32
      %dma_start3A_31 = arith.constant 0 : i32
      %dma_start3A_32 = tpu.memref_slice %arg10[%dma_start3A_30, %dma_start3A_31] : memref<10000x64xf32, #tpu.memory_space<vmem_shared>> -> memref<10000x64xf32, #tpu.memory_space<vmem_shared>>
      tpu.enqueue_indirect_dma source(%dma_start3A_32 : memref<10000x64xf32, #tpu.memory_space<vmem_shared>>) target(%dma_start3A_26 : memref<128x64xf32, #tpu.memory_space<vmem>>) offsets(%dma_start3A_29 : memref<128xi32, #tpu.memory_space<vmem>>) semaphore(%arg12 : memref<!tpu.dma_semaphore, #tpu.memory_space<semaphore_mem>>)
      %dma_start3A_33 = arith.constant 1 : i32
      %dma_start3A_34 = arith.constant 1 : i32
      %dma_start3A_35 = arith.constant 0 : i32
      %dma_start3A_36 = arith.constant 0 : i32
      %dma_start3A_37 = tpu.memref_slice %arg9[%dma_start3A_34, %dma_start3A_35, %dma_start3A_36] : memref<4x128x64xf32, #tpu.memory_space<vmem>> -> memref<1x128x64xf32, #tpu.memory_space<vmem>>
      %dma_start3A_38 = tpu.memref_squeeze %dma_start3A_37 : memref<1x128x64xf32, #tpu.memory_space<vmem>> -> memref<128x64xf32, #tpu.memory_space<vmem>>
      %dma_start3A_39 = arith.constant 0 : i32
      %dma_start3A_40 = tpu.memref_slice %arg7[%dma_start3A_33, %dma_start3A_39] : memref<32x128xi32, #tpu.memory_space<vmem>> -> memref<1x128xi32, #tpu.memory_space<vmem>>
      %dma_start3A_41 = tpu.memref_squeeze %dma_start3A_40 : memref<1x128xi32, #tpu.memory_space<vmem>> -> memref<128xi32, #tpu.memory_space<vmem>>
      %dma_start3A_42 = arith.constant 0 : i32
      %dma_start3A_43 = arith.constant 0 : i32
      %dma_start3A_44 = tpu.memref_slice %arg10[%dma_start3A_42, %dma_start3A_43] : memref<10000x64xf32, #tpu.memory_space<vmem_shared>> -> memref<10000x64xf32, #tpu.memory_space<vmem_shared>>
      tpu.enqueue_indirect_dma source(%dma_start3A_44 : memref<10000x64xf32, #tpu.memory_space<vmem_shared>>) target(%dma_start3A_38 : memref<128x64xf32, #tpu.memory_space<vmem>>) offsets(%dma_start3A_41 : memref<128xi32, #tpu.memory_space<vmem>>) semaphore(%arg13 : memref<!tpu.dma_semaphore, #tpu.memory_space<semaphore_mem>>)
      %dma_start3A_45 = arith.constant 2 : i32
      %dma_start3A_46 = arith.constant 2 : i32
      %dma_start3A_47 = arith.constant 0 : i32
      %dma_start3A_48 = arith.constant 0 : i32
      %dma_start3A_49 = tpu.memref_slice %arg9[%dma_start3A_46, %dma_start3A_47, %dma_start3A_48] : memref<4x128x64xf32, #tpu.memory_space<vmem>> -> memref<1x128x64xf32, #tpu.memory_space<vmem>>
      %dma_start3A_50 = tpu.memref_squeeze %dma_start3A_49 : memref<1x128x64xf32, #tpu.memory_space<vmem>> -> memref<128x64xf32, #tpu.memory_space<vmem>>
      %dma_start3A_51 = arith.constant 0 : i32
      %dma_start3A_52 = tpu.memref_slice %arg7[%dma_start3A_45, %dma_start3A_51] : memref<32x128xi32, #tpu.memory_space<vmem>> -> memref<1x128xi32, #tpu.memory_space<vmem>>
      %dma_start3A_53 = tpu.memref_squeeze %dma_start3A_52 : memref<1x128xi32, #tpu.memory_space<vmem>> -> memref<128xi32, #tpu.memory_space<vmem>>
      %dma_start3A_54 = arith.constant 0 : i32
      %dma_start3A_55 = arith.constant 0 : i32
      %dma_start3A_56 = tpu.memref_slice %arg10[%dma_start3A_54, %dma_start3A_55] : memref<10000x64xf32, #tpu.memory_space<vmem_shared>> -> memref<10000x64xf32, #tpu.memory_space<vmem_shared>>
      tpu.enqueue_indirect_dma source(%dma_start3A_56 : memref<10000x64xf32, #tpu.memory_space<vmem_shared>>) target(%dma_start3A_50 : memref<128x64xf32, #tpu.memory_space<vmem>>) offsets(%dma_start3A_53 : memref<128xi32, #tpu.memory_space<vmem>>) semaphore(%arg14 : memref<!tpu.dma_semaphore, #tpu.memory_space<semaphore_mem>>)
      %scan3A_57 = arith.constant 0 : i32
      %scan3A_58 = arith.constant 0 : i32
      %scan3A_59 = arith.constant 8 : i32
      %scan3A_60 = arith.addi %scan3A_58, %scan3A_59 : i32
      %scan3A_61 = arith.constant 1 : i32
      scf.for %scan3A_74 = %scan3A_58 to %scan3A_60 step %scan3A_61  : i32 {
        %mul3A_75 = arith.constant 4 : i32
        %mul3A_76 = arith.muli %scan3A_74, %mul3A_75 : i32
        %add3A = arith.constant 0 : i32
        %add3A_77 = arith.addi %mul3A_76, %add3A : i32
        %dma_wait3A_78 = arith.constant 0 : i32
        %dma_wait3A_79 = arith.constant 0 : i32
        %dma_wait3A_80 = arith.constant 0 : i32
        %dma_wait3A_81 = tpu.memref_slice %arg9[%dma_wait3A_78, %dma_wait3A_79, %dma_wait3A_80] : memref<4x128x64xf32, #tpu.memory_space<vmem>> -> memref<1x128x64xf32, #tpu.memory_space<vmem>>
        %dma_wait3A_82 = tpu.memref_squeeze %dma_wait3A_81 : memref<1x128x64xf32, #tpu.memory_space<vmem>> -> memref<128x64xf32, #tpu.memory_space<vmem>>
        %dma_wait3A_83 = arith.constant 0 : i32
        %dma_wait3A_84 = tpu.memref_slice %arg7[%add3A_77, %dma_wait3A_83] : memref<32x128xi32, #tpu.memory_space<vmem>> -> memref<1x128xi32, #tpu.memory_space<vmem>>
        %dma_wait3A_85 = tpu.memref_squeeze %dma_wait3A_84 : memref<1x128xi32, #tpu.memory_space<vmem>> -> memref<128xi32, #tpu.memory_space<vmem>>
        %dma_wait3A_86 = arith.constant 0 : i32
        %dma_wait3A_87 = arith.constant 0 : i32
        %dma_wait3A_88 = tpu.memref_slice %arg10[%dma_wait3A_86, %dma_wait3A_87] : memref<10000x64xf32, #tpu.memory_space<vmem_shared>> -> memref<10000x64xf32, #tpu.memory_space<vmem_shared>>
        tpu.wait_indirect_dma semaphore(%arg12 : memref<!tpu.dma_semaphore, #tpu.memory_space<semaphore_mem>>) src(%dma_wait3A_88 : memref<10000x64xf32, #tpu.memory_space<vmem_shared>>) dst(%dma_wait3A_82 : memref<128x64xf32, #tpu.memory_space<vmem>>)
        %dma_start3A_89 = arith.constant 0 : i32
        %dma_start3A_90 = arith.constant 0 : i32
        %dma_start3A_91 = arith.constant 0 : i32
        %dma_start3A_92 = tpu.memref_slice %arg9[%dma_start3A_89, %dma_start3A_90, %dma_start3A_91] : memref<4x128x64xf32, #tpu.memory_space<vmem>> -> memref<1x128x64xf32, #tpu.memory_space<vmem>>
        %dma_start3A_93 = tpu.memref_squeeze %dma_start3A_92 : memref<1x128x64xf32, #tpu.memory_space<vmem>> -> memref<128x64xf32, #tpu.memory_space<vmem>>
        %dma_start3A_94 = arith.constant 0 : i32
        %dma_start3A_95 = tpu.memref_slice %arg8[%add3A_77, %dma_start3A_94] : memref<32x128xi32, #tpu.memory_space<vmem>> -> memref<1x128xi32, #tpu.memory_space<vmem>>
        %dma_start3A_96 = tpu.memref_squeeze %dma_start3A_95 : memref<1x128xi32, #tpu.memory_space<vmem>> -> memref<128xi32, #tpu.memory_space<vmem>>
        %dma_start3A_97 = arith.constant 0 : i32
        %dma_start3A_98 = arith.constant 0 : i32
        %dma_start3A_99 = tpu.memref_slice %arg11[%dma_start3A_97, %dma_start3A_98] : memref<10240x64xf32, #tpu.memory_space<vmem_shared>> -> memref<10240x64xf32, #tpu.memory_space<vmem_shared>>
        tpu.enqueue_indirect_dma source(%dma_start3A_93 : memref<128x64xf32, #tpu.memory_space<vmem>>) target(%dma_start3A_99 : memref<10240x64xf32, #tpu.memory_space<vmem_shared>>) offsets(%dma_start3A_96 : memref<128xi32, #tpu.memory_space<vmem>>) semaphore(%arg16 : memref<!tpu.dma_semaphore, #tpu.memory_space<semaphore_mem>>) {add = true}
        %gt3A = arith.constant 0 : i32
        %gt3A_100 = arith.cmpi sgt, %add3A_77, %gt3A : i32
        %convert_element_type3A = arith.extui %gt3A_100 : i1 to i32
        %cond3A = arith.constant 0 : i32
        %cond3A_101 = arith.cmpi ne, %convert_element_type3A, %cond3A : i32
        scf.if %cond3A_101 {
          %sub3A_229 = arith.constant 1 : i32
          %sub3A_230 = arith.subi %add3A_77, %sub3A_229 : i32
          %dma_wait3A_231 = arith.constant 3 : i32
          %dma_wait3A_232 = arith.constant 0 : i32
          %dma_wait3A_233 = arith.constant 0 : i32
          %dma_wait3A_234 = tpu.memref_slice %arg9[%dma_wait3A_231, %dma_wait3A_232, %dma_wait3A_233] : memref<4x128x64xf32, #tpu.memory_space<vmem>> -> memref<1x128x64xf32, #tpu.memory_space<vmem>>
          %dma_wait3A_235 = tpu.memref_squeeze %dma_wait3A_234 : memref<1x128x64xf32, #tpu.memory_space<vmem>> -> memref<128x64xf32, #tpu.memory_space<vmem>>
          %dma_wait3A_236 = arith.constant 0 : i32
          %dma_wait3A_237 = tpu.memref_slice %arg8[%sub3A_230, %dma_wait3A_236] : memref<32x128xi32, #tpu.memory_space<vmem>> -> memref<1x128xi32, #tpu.memory_space<vmem>>
          %dma_wait3A_238 = tpu.memref_squeeze %dma_wait3A_237 : memref<1x128xi32, #tpu.memory_space<vmem>> -> memref<128xi32, #tpu.memory_space<vmem>>
          %dma_wait3A_239 = arith.constant 0 : i32
          %dma_wait3A_240 = arith.constant 0 : i32
          %dma_wait3A_241 = tpu.memref_slice %arg11[%dma_wait3A_239, %dma_wait3A_240] : memref<10240x64xf32, #tpu.memory_space<vmem_shared>> -> memref<10240x64xf32, #tpu.memory_space<vmem_shared>>
          tpu.wait_indirect_dma semaphore(%arg19 : memref<!tpu.dma_semaphore, #tpu.memory_space<semaphore_mem>>) src(%dma_wait3A_235 : memref<128x64xf32, #tpu.memory_space<vmem>>) dst(%dma_wait3A_241 : memref<10240x64xf32, #tpu.memory_space<vmem_shared>>)
        } else {
        }
        %add3A_102 = arith.constant 4 : i32
        %add3A_103 = arith.addi %add3A_77, %add3A_102 : i32
        %sub3A = arith.constant 1 : i32
        %sub3A_104 = arith.subi %add3A_103, %sub3A : i32
        %lt3A = arith.constant 32 : i32
        %lt3A_105 = arith.cmpi slt, %sub3A_104, %lt3A : i32
        %convert_element_type3A_106 = arith.extui %lt3A_105 : i1 to i32
        %cond3A_107 = arith.constant 0 : i32
        %cond3A_108 = arith.cmpi ne, %convert_element_type3A_106, %cond3A_107 : i32
        scf.if %cond3A_108 {
          %add3A_229 = arith.constant 4 : i32
          %add3A_230 = arith.addi %add3A_77, %add3A_229 : i32
          %sub3A_231 = arith.constant 1 : i32
          %sub3A_232 = arith.subi %add3A_230, %sub3A_231 : i32
          %dma_start3A_233 = arith.constant 3 : i32
          %dma_start3A_234 = arith.constant 0 : i32
          %dma_start3A_235 = arith.constant 0 : i32
          %dma_start3A_236 = tpu.memref_slice %arg9[%dma_start3A_233, %dma_start3A_234, %dma_start3A_235] : memref<4x128x64xf32, #tpu.memory_space<vmem>> -> memref<1x128x64xf32, #tpu.memory_space<vmem>>
          %dma_start3A_237 = tpu.memref_squeeze %dma_start3A_236 : memref<1x128x64xf32, #tpu.memory_space<vmem>> -> memref<128x64xf32, #tpu.memory_space<vmem>>
          %dma_start3A_238 = arith.constant 0 : i32
          %dma_start3A_239 = tpu.memref_slice %arg7[%sub3A_232, %dma_start3A_238] : memref<32x128xi32, #tpu.memory_space<vmem>> -> memref<1x128xi32, #tpu.memory_space<vmem>>
          %dma_start3A_240 = tpu.memref_squeeze %dma_start3A_239 : memref<1x128xi32, #tpu.memory_space<vmem>> -> memref<128xi32, #tpu.memory_space<vmem>>
          %dma_start3A_241 = arith.constant 0 : i32
          %dma_start3A_242 = arith.constant 0 : i32
          %dma_start3A_243 = tpu.memref_slice %arg10[%dma_start3A_241, %dma_start3A_242] : memref<10000x64xf32, #tpu.memory_space<vmem_shared>> -> memref<10000x64xf32, #tpu.memory_space<vmem_shared>>
          tpu.enqueue_indirect_dma source(%dma_start3A_243 : memref<10000x64xf32, #tpu.memory_space<vmem_shared>>) target(%dma_start3A_237 : memref<128x64xf32, #tpu.memory_space<vmem>>) offsets(%dma_start3A_240 : memref<128xi32, #tpu.memory_space<vmem>>) semaphore(%arg15 : memref<!tpu.dma_semaphore, #tpu.memory_space<semaphore_mem>>)
        } else {
        }
        %mul3A_109 = arith.constant 4 : i32
        %mul3A_110 = arith.muli %scan3A_74, %mul3A_109 : i32
        %add3A_111 = arith.constant 1 : i32
        %add3A_112 = arith.addi %mul3A_110, %add3A_111 : i32
        %dma_wait3A_113 = arith.constant 1 : i32
        %dma_wait3A_114 = arith.constant 0 : i32
        %dma_wait3A_115 = arith.constant 0 : i32
        %dma_wait3A_116 = tpu.memref_slice %arg9[%dma_wait3A_113, %dma_wait3A_114, %dma_wait3A_115] : memref<4x128x64xf32, #tpu.memory_space<vmem>> -> memref<1x128x64xf32, #tpu.memory_space<vmem>>
        %dma_wait3A_117 = tpu.memref_squeeze %dma_wait3A_116 : memref<1x128x64xf32, #tpu.memory_space<vmem>> -> memref<128x64xf32, #tpu.memory_space<vmem>>
        %dma_wait3A_118 = arith.constant 0 : i32
        %dma_wait3A_119 = tpu.memref_slice %arg7[%add3A_112, %dma_wait3A_118] : memref<32x128xi32, #tpu.memory_space<vmem>> -> memref<1x128xi32, #tpu.memory_space<vmem>>
        %dma_wait3A_120 = tpu.memref_squeeze %dma_wait3A_119 : memref<1x128xi32, #tpu.memory_space<vmem>> -> memref<128xi32, #tpu.memory_space<vmem>>
        %dma_wait3A_121 = arith.constant 0 : i32
        %dma_wait3A_122 = arith.constant 0 : i32
        %dma_wait3A_123 = tpu.memref_slice %arg10[%dma_wait3A_121, %dma_wait3A_122] : memref<10000x64xf32, #tpu.memory_space<vmem_shared>> -> memref<10000x64xf32, #tpu.memory_space<vmem_shared>>
        tpu.wait_indirect_dma semaphore(%arg13 : memref<!tpu.dma_semaphore, #tpu.memory_space<semaphore_mem>>) src(%dma_wait3A_123 : memref<10000x64xf32, #tpu.memory_space<vmem_shared>>) dst(%dma_wait3A_117 : memref<128x64xf32, #tpu.memory_space<vmem>>)
        %dma_start3A_124 = arith.constant 1 : i32
        %dma_start3A_125 = arith.constant 0 : i32
        %dma_start3A_126 = arith.constant 0 : i32
        %dma_start3A_127 = tpu.memref_slice %arg9[%dma_start3A_124, %dma_start3A_125, %dma_start3A_126] : memref<4x128x64xf32, #tpu.memory_space<vmem>> -> memref<1x128x64xf32, #tpu.memory_space<vmem>>
        %dma_start3A_128 = tpu.memref_squeeze %dma_start3A_127 : memref<1x128x64xf32, #tpu.memory_space<vmem>> -> memref<128x64xf32, #tpu.memory_space<vmem>>
        %dma_start3A_129 = arith.constant 0 : i32
        %dma_start3A_130 = tpu.memref_slice %arg8[%add3A_112, %dma_start3A_129] : memref<32x128xi32, #tpu.memory_space<vmem>> -> memref<1x128xi32, #tpu.memory_space<vmem>>
        %dma_start3A_131 = tpu.memref_squeeze %dma_start3A_130 : memref<1x128xi32, #tpu.memory_space<vmem>> -> memref<128xi32, #tpu.memory_space<vmem>>
        %dma_start3A_132 = arith.constant 0 : i32
        %dma_start3A_133 = arith.constant 0 : i32
        %dma_start3A_134 = tpu.memref_slice %arg11[%dma_start3A_132, %dma_start3A_133] : memref<10240x64xf32, #tpu.memory_space<vmem_shared>> -> memref<10240x64xf32, #tpu.memory_space<vmem_shared>>
        tpu.enqueue_indirect_dma source(%dma_start3A_128 : memref<128x64xf32, #tpu.memory_space<vmem>>) target(%dma_start3A_134 : memref<10240x64xf32, #tpu.memory_space<vmem_shared>>) offsets(%dma_start3A_131 : memref<128xi32, #tpu.memory_space<vmem>>) semaphore(%arg17 : memref<!tpu.dma_semaphore, #tpu.memory_space<semaphore_mem>>) {add = true}
        %gt3A_135 = arith.constant 0 : i32
        %gt3A_136 = arith.cmpi sgt, %add3A_112, %gt3A_135 : i32
        %convert_element_type3A_137 = arith.extui %gt3A_136 : i1 to i32
        %cond3A_138 = arith.constant 0 : i32
        %cond3A_139 = arith.cmpi ne, %convert_element_type3A_137, %cond3A_138 : i32
        scf.if %cond3A_139 {
          %sub3A_229 = arith.constant 1 : i32
          %sub3A_230 = arith.subi %add3A_112, %sub3A_229 : i32
          %dma_wait3A_231 = arith.constant 0 : i32
          %dma_wait3A_232 = arith.constant 0 : i32
          %dma_wait3A_233 = arith.constant 0 : i32
          %dma_wait3A_234 = tpu.memref_slice %arg9[%dma_wait3A_231, %dma_wait3A_232, %dma_wait3A_233] : memref<4x128x64xf32, #tpu.memory_space<vmem>> -> memref<1x128x64xf32, #tpu.memory_space<vmem>>
          %dma_wait3A_235 = tpu.memref_squeeze %dma_wait3A_234 : memref<1x128x64xf32, #tpu.memory_space<vmem>> -> memref<128x64xf32, #tpu.memory_space<vmem>>
          %dma_wait3A_236 = arith.constant 0 : i32
          %dma_wait3A_237 = tpu.memref_slice %arg8[%sub3A_230, %dma_wait3A_236] : memref<32x128xi32, #tpu.memory_space<vmem>> -> memref<1x128xi32, #tpu.memory_space<vmem>>
          %dma_wait3A_238 = tpu.memref_squeeze %dma_wait3A_237 : memref<1x128xi32, #tpu.memory_space<vmem>> -> memref<128xi32, #tpu.memory_space<vmem>>
          %dma_wait3A_239 = arith.constant 0 : i32
          %dma_wait3A_240 = arith.constant 0 : i32
          %dma_wait3A_241 = tpu.memref_slice %arg11[%dma_wait3A_239, %dma_wait3A_240] : memref<10240x64xf32, #tpu.memory_space<vmem_shared>> -> memref<10240x64xf32, #tpu.memory_space<vmem_shared>>
          tpu.wait_indirect_dma semaphore(%arg16 : memref<!tpu.dma_semaphore, #tpu.memory_space<semaphore_mem>>) src(%dma_wait3A_235 : memref<128x64xf32, #tpu.memory_space<vmem>>) dst(%dma_wait3A_241 : memref<10240x64xf32, #tpu.memory_space<vmem_shared>>)
        } else {
        }
        %add3A_140 = arith.constant 4 : i32
        %add3A_141 = arith.addi %add3A_112, %add3A_140 : i32
        %sub3A_142 = arith.constant 1 : i32
        %sub3A_143 = arith.subi %add3A_141, %sub3A_142 : i32
        %lt3A_144 = arith.constant 32 : i32
        %lt3A_145 = arith.cmpi slt, %sub3A_143, %lt3A_144 : i32
        %convert_element_type3A_146 = arith.extui %lt3A_145 : i1 to i32
        %cond3A_147 = arith.constant 0 : i32
        %cond3A_148 = arith.cmpi ne, %convert_element_type3A_146, %cond3A_147 : i32
        scf.if %cond3A_148 {
          %add3A_229 = arith.constant 4 : i32
          %add3A_230 = arith.addi %add3A_112, %add3A_229 : i32
          %sub3A_231 = arith.constant 1 : i32
          %sub3A_232 = arith.subi %add3A_230, %sub3A_231 : i32
          %dma_start3A_233 = arith.constant 0 : i32
          %dma_start3A_234 = arith.constant 0 : i32
          %dma_start3A_235 = arith.constant 0 : i32
          %dma_start3A_236 = tpu.memref_slice %arg9[%dma_start3A_233, %dma_start3A_234, %dma_start3A_235] : memref<4x128x64xf32, #tpu.memory_space<vmem>> -> memref<1x128x64xf32, #tpu.memory_space<vmem>>
          %dma_start3A_237 = tpu.memref_squeeze %dma_start3A_236 : memref<1x128x64xf32, #tpu.memory_space<vmem>> -> memref<128x64xf32, #tpu.memory_space<vmem>>
          %dma_start3A_238 = arith.constant 0 : i32
          %dma_start3A_239 = tpu.memref_slice %arg7[%sub3A_232, %dma_start3A_238] : memref<32x128xi32, #tpu.memory_space<vmem>> -> memref<1x128xi32, #tpu.memory_space<vmem>>
          %dma_start3A_240 = tpu.memref_squeeze %dma_start3A_239 : memref<1x128xi32, #tpu.memory_space<vmem>> -> memref<128xi32, #tpu.memory_space<vmem>>
          %dma_start3A_241 = arith.constant 0 : i32
          %dma_start3A_242 = arith.constant 0 : i32
          %dma_start3A_243 = tpu.memref_slice %arg10[%dma_start3A_241, %dma_start3A_242] : memref<10000x64xf32, #tpu.memory_space<vmem_shared>> -> memref<10000x64xf32, #tpu.memory_space<vmem_shared>>
          tpu.enqueue_indirect_dma source(%dma_start3A_243 : memref<10000x64xf32, #tpu.memory_space<vmem_shared>>) target(%dma_start3A_237 : memref<128x64xf32, #tpu.memory_space<vmem>>) offsets(%dma_start3A_240 : memref<128xi32, #tpu.memory_space<vmem>>) semaphore(%arg12 : memref<!tpu.dma_semaphore, #tpu.memory_space<semaphore_mem>>)
        } else {
        }
        %mul3A_149 = arith.constant 4 : i32
        %mul3A_150 = arith.muli %scan3A_74, %mul3A_149 : i32
        %add3A_151 = arith.constant 2 : i32
        %add3A_152 = arith.addi %mul3A_150, %add3A_151 : i32
        %dma_wait3A_153 = arith.constant 2 : i32
        %dma_wait3A_154 = arith.constant 0 : i32
        %dma_wait3A_155 = arith.constant 0 : i32
        %dma_wait3A_156 = tpu.memref_slice %arg9[%dma_wait3A_153, %dma_wait3A_154, %dma_wait3A_155] : memref<4x128x64xf32, #tpu.memory_space<vmem>> -> memref<1x128x64xf32, #tpu.memory_space<vmem>>
        %dma_wait3A_157 = tpu.memref_squeeze %dma_wait3A_156 : memref<1x128x64xf32, #tpu.memory_space<vmem>> -> memref<128x64xf32, #tpu.memory_space<vmem>>
        %dma_wait3A_158 = arith.constant 0 : i32
        %dma_wait3A_159 = tpu.memref_slice %arg7[%add3A_152, %dma_wait3A_158] : memref<32x128xi32, #tpu.memory_space<vmem>> -> memref<1x128xi32, #tpu.memory_space<vmem>>
        %dma_wait3A_160 = tpu.memref_squeeze %dma_wait3A_159 : memref<1x128xi32, #tpu.memory_space<vmem>> -> memref<128xi32, #tpu.memory_space<vmem>>
        %dma_wait3A_161 = arith.constant 0 : i32
        %dma_wait3A_162 = arith.constant 0 : i32
        %dma_wait3A_163 = tpu.memref_slice %arg10[%dma_wait3A_161, %dma_wait3A_162] : memref<10000x64xf32, #tpu.memory_space<vmem_shared>> -> memref<10000x64xf32, #tpu.memory_space<vmem_shared>>
        tpu.wait_indirect_dma semaphore(%arg14 : memref<!tpu.dma_semaphore, #tpu.memory_space<semaphore_mem>>) src(%dma_wait3A_163 : memref<10000x64xf32, #tpu.memory_space<vmem_shared>>) dst(%dma_wait3A_157 : memref<128x64xf32, #tpu.memory_space<vmem>>)
        %dma_start3A_164 = arith.constant 2 : i32
        %dma_start3A_165 = arith.constant 0 : i32
        %dma_start3A_166 = arith.constant 0 : i32
        %dma_start3A_167 = tpu.memref_slice %arg9[%dma_start3A_164, %dma_start3A_165, %dma_start3A_166] : memref<4x128x64xf32, #tpu.memory_space<vmem>> -> memref<1x128x64xf32, #tpu.memory_space<vmem>>
        %dma_start3A_168 = tpu.memref_squeeze %dma_start3A_167 : memref<1x128x64xf32, #tpu.memory_space<vmem>> -> memref<128x64xf32, #tpu.memory_space<vmem>>
        %dma_start3A_169 = arith.constant 0 : i32
        %dma_start3A_170 = tpu.memref_slice %arg8[%add3A_152, %dma_start3A_169] : memref<32x128xi32, #tpu.memory_space<vmem>> -> memref<1x128xi32, #tpu.memory_space<vmem>>
        %dma_start3A_171 = tpu.memref_squeeze %dma_start3A_170 : memref<1x128xi32, #tpu.memory_space<vmem>> -> memref<128xi32, #tpu.memory_space<vmem>>
        %dma_start3A_172 = arith.constant 0 : i32
        %dma_start3A_173 = arith.constant 0 : i32
        %dma_start3A_174 = tpu.memref_slice %arg11[%dma_start3A_172, %dma_start3A_173] : memref<10240x64xf32, #tpu.memory_space<vmem_shared>> -> memref<10240x64xf32, #tpu.memory_space<vmem_shared>>
        tpu.enqueue_indirect_dma source(%dma_start3A_168 : memref<128x64xf32, #tpu.memory_space<vmem>>) target(%dma_start3A_174 : memref<10240x64xf32, #tpu.memory_space<vmem_shared>>) offsets(%dma_start3A_171 : memref<128xi32, #tpu.memory_space<vmem>>) semaphore(%arg18 : memref<!tpu.dma_semaphore, #tpu.memory_space<semaphore_mem>>) {add = true}
        %gt3A_175 = arith.constant 0 : i32
        %gt3A_176 = arith.cmpi sgt, %add3A_152, %gt3A_175 : i32
        %convert_element_type3A_177 = arith.extui %gt3A_176 : i1 to i32
        %cond3A_178 = arith.constant 0 : i32
        %cond3A_179 = arith.cmpi ne, %convert_element_type3A_177, %cond3A_178 : i32
        scf.if %cond3A_179 {
          %sub3A_229 = arith.constant 1 : i32
          %sub3A_230 = arith.subi %add3A_152, %sub3A_229 : i32
          %dma_wait3A_231 = arith.constant 1 : i32
          %dma_wait3A_232 = arith.constant 0 : i32
          %dma_wait3A_233 = arith.constant 0 : i32
          %dma_wait3A_234 = tpu.memref_slice %arg9[%dma_wait3A_231, %dma_wait3A_232, %dma_wait3A_233] : memref<4x128x64xf32, #tpu.memory_space<vmem>> -> memref<1x128x64xf32, #tpu.memory_space<vmem>>
          %dma_wait3A_235 = tpu.memref_squeeze %dma_wait3A_234 : memref<1x128x64xf32, #tpu.memory_space<vmem>> -> memref<128x64xf32, #tpu.memory_space<vmem>>
          %dma_wait3A_236 = arith.constant 0 : i32
          %dma_wait3A_237 = tpu.memref_slice %arg8[%sub3A_230, %dma_wait3A_236] : memref<32x128xi32, #tpu.memory_space<vmem>> -> memref<1x128xi32, #tpu.memory_space<vmem>>
          %dma_wait3A_238 = tpu.memref_squeeze %dma_wait3A_237 : memref<1x128xi32, #tpu.memory_space<vmem>> -> memref<128xi32, #tpu.memory_space<vmem>>
          %dma_wait3A_239 = arith.constant 0 : i32
          %dma_wait3A_240 = arith.constant 0 : i32
          %dma_wait3A_241 = tpu.memref_slice %arg11[%dma_wait3A_239, %dma_wait3A_240] : memref<10240x64xf32, #tpu.memory_space<vmem_shared>> -> memref<10240x64xf32, #tpu.memory_space<vmem_shared>>
          tpu.wait_indirect_dma semaphore(%arg17 : memref<!tpu.dma_semaphore, #tpu.memory_space<semaphore_mem>>) src(%dma_wait3A_235 : memref<128x64xf32, #tpu.memory_space<vmem>>) dst(%dma_wait3A_241 : memref<10240x64xf32, #tpu.memory_space<vmem_shared>>)
        } else {
        }
        %add3A_180 = arith.constant 4 : i32
        %add3A_181 = arith.addi %add3A_152, %add3A_180 : i32
        %sub3A_182 = arith.constant 1 : i32
        %sub3A_183 = arith.subi %add3A_181, %sub3A_182 : i32
        %lt3A_184 = arith.constant 32 : i32
        %lt3A_185 = arith.cmpi slt, %sub3A_183, %lt3A_184 : i32
        %convert_element_type3A_186 = arith.extui %lt3A_185 : i1 to i32
        %cond3A_187 = arith.constant 0 : i32
        %cond3A_188 = arith.cmpi ne, %convert_element_type3A_186, %cond3A_187 : i32
        scf.if %cond3A_188 {
          %add3A_229 = arith.constant 4 : i32
          %add3A_230 = arith.addi %add3A_152, %add3A_229 : i32
          %sub3A_231 = arith.constant 1 : i32
          %sub3A_232 = arith.subi %add3A_230, %sub3A_231 : i32
          %dma_start3A_233 = arith.constant 1 : i32
          %dma_start3A_234 = arith.constant 0 : i32
          %dma_start3A_235 = arith.constant 0 : i32
          %dma_start3A_236 = tpu.memref_slice %arg9[%dma_start3A_233, %dma_start3A_234, %dma_start3A_235] : memref<4x128x64xf32, #tpu.memory_space<vmem>> -> memref<1x128x64xf32, #tpu.memory_space<vmem>>
          %dma_start3A_237 = tpu.memref_squeeze %dma_start3A_236 : memref<1x128x64xf32, #tpu.memory_space<vmem>> -> memref<128x64xf32, #tpu.memory_space<vmem>>
          %dma_start3A_238 = arith.constant 0 : i32
          %dma_start3A_239 = tpu.memref_slice %arg7[%sub3A_232, %dma_start3A_238] : memref<32x128xi32, #tpu.memory_space<vmem>> -> memref<1x128xi32, #tpu.memory_space<vmem>>
          %dma_start3A_240 = tpu.memref_squeeze %dma_start3A_239 : memref<1x128xi32, #tpu.memory_space<vmem>> -> memref<128xi32, #tpu.memory_space<vmem>>
          %dma_start3A_241 = arith.constant 0 : i32
          %dma_start3A_242 = arith.constant 0 : i32
          %dma_start3A_243 = tpu.memref_slice %arg10[%dma_start3A_241, %dma_start3A_242] : memref<10000x64xf32, #tpu.memory_space<vmem_shared>> -> memref<10000x64xf32, #tpu.memory_space<vmem_shared>>
          tpu.enqueue_indirect_dma source(%dma_start3A_243 : memref<10000x64xf32, #tpu.memory_space<vmem_shared>>) target(%dma_start3A_237 : memref<128x64xf32, #tpu.memory_space<vmem>>) offsets(%dma_start3A_240 : memref<128xi32, #tpu.memory_space<vmem>>) semaphore(%arg13 : memref<!tpu.dma_semaphore, #tpu.memory_space<semaphore_mem>>)
        } else {
        }
        %mul3A_189 = arith.constant 4 : i32
        %mul3A_190 = arith.muli %scan3A_74, %mul3A_189 : i32
        %add3A_191 = arith.constant 3 : i32
        %add3A_192 = arith.addi %mul3A_190, %add3A_191 : i32
        %dma_wait3A_193 = arith.constant 3 : i32
        %dma_wait3A_194 = arith.constant 0 : i32
        %dma_wait3A_195 = arith.constant 0 : i32
        %dma_wait3A_196 = tpu.memref_slice %arg9[%dma_wait3A_193, %dma_wait3A_194, %dma_wait3A_195] : memref<4x128x64xf32, #tpu.memory_space<vmem>> -> memref<1x128x64xf32, #tpu.memory_space<vmem>>
        %dma_wait3A_197 = tpu.memref_squeeze %dma_wait3A_196 : memref<1x128x64xf32, #tpu.memory_space<vmem>> -> memref<128x64xf32, #tpu.memory_space<vmem>>
        %dma_wait3A_198 = arith.constant 0 : i32
        %dma_wait3A_199 = tpu.memref_slice %arg7[%add3A_192, %dma_wait3A_198] : memref<32x128xi32, #tpu.memory_space<vmem>> -> memref<1x128xi32, #tpu.memory_space<vmem>>
        %dma_wait3A_200 = tpu.memref_squeeze %dma_wait3A_199 : memref<1x128xi32, #tpu.memory_space<vmem>> -> memref<128xi32, #tpu.memory_space<vmem>>
        %dma_wait3A_201 = arith.constant 0 : i32
        %dma_wait3A_202 = arith.constant 0 : i32
        %dma_wait3A_203 = tpu.memref_slice %arg10[%dma_wait3A_201, %dma_wait3A_202] : memref<10000x64xf32, #tpu.memory_space<vmem_shared>> -> memref<10000x64xf32, #tpu.memory_space<vmem_shared>>
        tpu.wait_indirect_dma semaphore(%arg15 : memref<!tpu.dma_semaphore, #tpu.memory_space<semaphore_mem>>) src(%dma_wait3A_203 : memref<10000x64xf32, #tpu.memory_space<vmem_shared>>) dst(%dma_wait3A_197 : memref<128x64xf32, #tpu.memory_space<vmem>>)
        %dma_start3A_204 = arith.constant 3 : i32
        %dma_start3A_205 = arith.constant 0 : i32
        %dma_start3A_206 = arith.constant 0 : i32
        %dma_start3A_207 = tpu.memref_slice %arg9[%dma_start3A_204, %dma_start3A_205, %dma_start3A_206] : memref<4x128x64xf32, #tpu.memory_space<vmem>> -> memref<1x128x64xf32, #tpu.memory_space<vmem>>
        %dma_start3A_208 = tpu.memref_squeeze %dma_start3A_207 : memref<1x128x64xf32, #tpu.memory_space<vmem>> -> memref<128x64xf32, #tpu.memory_space<vmem>>
        %dma_start3A_209 = arith.constant 0 : i32
        %dma_start3A_210 = tpu.memref_slice %arg8[%add3A_192, %dma_start3A_209] : memref<32x128xi32, #tpu.memory_space<vmem>> -> memref<1x128xi32, #tpu.memory_space<vmem>>
        %dma_start3A_211 = tpu.memref_squeeze %dma_start3A_210 : memref<1x128xi32, #tpu.memory_space<vmem>> -> memref<128xi32, #tpu.memory_space<vmem>>
        %dma_start3A_212 = arith.constant 0 : i32
        %dma_start3A_213 = arith.constant 0 : i32
        %dma_start3A_214 = tpu.memref_slice %arg11[%dma_start3A_212, %dma_start3A_213] : memref<10240x64xf32, #tpu.memory_space<vmem_shared>> -> memref<10240x64xf32, #tpu.memory_space<vmem_shared>>
        tpu.enqueue_indirect_dma source(%dma_start3A_208 : memref<128x64xf32, #tpu.memory_space<vmem>>) target(%dma_start3A_214 : memref<10240x64xf32, #tpu.memory_space<vmem_shared>>) offsets(%dma_start3A_211 : memref<128xi32, #tpu.memory_space<vmem>>) semaphore(%arg19 : memref<!tpu.dma_semaphore, #tpu.memory_space<semaphore_mem>>) {add = true}
        %gt3A_215 = arith.constant 0 : i32
        %gt3A_216 = arith.cmpi sgt, %add3A_192, %gt3A_215 : i32
        %convert_element_type3A_217 = arith.extui %gt3A_216 : i1 to i32
        %cond3A_218 = arith.constant 0 : i32
        %cond3A_219 = arith.cmpi ne, %convert_element_type3A_217, %cond3A_218 : i32
        scf.if %cond3A_219 {
          %sub3A_229 = arith.constant 1 : i32
          %sub3A_230 = arith.subi %add3A_192, %sub3A_229 : i32
          %dma_wait3A_231 = arith.constant 2 : i32
          %dma_wait3A_232 = arith.constant 0 : i32
          %dma_wait3A_233 = arith.constant 0 : i32
          %dma_wait3A_234 = tpu.memref_slice %arg9[%dma_wait3A_231, %dma_wait3A_232, %dma_wait3A_233] : memref<4x128x64xf32, #tpu.memory_space<vmem>> -> memref<1x128x64xf32, #tpu.memory_space<vmem>>
          %dma_wait3A_235 = tpu.memref_squeeze %dma_wait3A_234 : memref<1x128x64xf32, #tpu.memory_space<vmem>> -> memref<128x64xf32, #tpu.memory_space<vmem>>
          %dma_wait3A_236 = arith.constant 0 : i32
          %dma_wait3A_237 = tpu.memref_slice %arg8[%sub3A_230, %dma_wait3A_236] : memref<32x128xi32, #tpu.memory_space<vmem>> -> memref<1x128xi32, #tpu.memory_space<vmem>>
          %dma_wait3A_238 = tpu.memref_squeeze %dma_wait3A_237 : memref<1x128xi32, #tpu.memory_space<vmem>> -> memref<128xi32, #tpu.memory_space<vmem>>
          %dma_wait3A_239 = arith.constant 0 : i32
          %dma_wait3A_240 = arith.constant 0 : i32
          %dma_wait3A_241 = tpu.memref_slice %arg11[%dma_wait3A_239, %dma_wait3A_240] : memref<10240x64xf32, #tpu.memory_space<vmem_shared>> -> memref<10240x64xf32, #tpu.memory_space<vmem_shared>>
          tpu.wait_indirect_dma semaphore(%arg18 : memref<!tpu.dma_semaphore, #tpu.memory_space<semaphore_mem>>) src(%dma_wait3A_235 : memref<128x64xf32, #tpu.memory_space<vmem>>) dst(%dma_wait3A_241 : memref<10240x64xf32, #tpu.memory_space<vmem_shared>>)
        } else {
        }
        %add3A_220 = arith.constant 4 : i32
        %add3A_221 = arith.addi %add3A_192, %add3A_220 : i32
        %sub3A_222 = arith.constant 1 : i32
        %sub3A_223 = arith.subi %add3A_221, %sub3A_222 : i32
        %lt3A_224 = arith.constant 32 : i32
        %lt3A_225 = arith.cmpi slt, %sub3A_223, %lt3A_224 : i32
        %convert_element_type3A_226 = arith.extui %lt3A_225 : i1 to i32
        %cond3A_227 = arith.constant 0 : i32
        %cond3A_228 = arith.cmpi ne, %convert_element_type3A_226, %cond3A_227 : i32
        scf.if %cond3A_228 {
          %add3A_229 = arith.constant 4 : i32
          %add3A_230 = arith.addi %add3A_192, %add3A_229 : i32
          %sub3A_231 = arith.constant 1 : i32
          %sub3A_232 = arith.subi %add3A_230, %sub3A_231 : i32
          %dma_start3A_233 = arith.constant 2 : i32
          %dma_start3A_234 = arith.constant 0 : i32
          %dma_start3A_235 = arith.constant 0 : i32
          %dma_start3A_236 = tpu.memref_slice %arg9[%dma_start3A_233, %dma_start3A_234, %dma_start3A_235] : memref<4x128x64xf32, #tpu.memory_space<vmem>> -> memref<1x128x64xf32, #tpu.memory_space<vmem>>
          %dma_start3A_237 = tpu.memref_squeeze %dma_start3A_236 : memref<1x128x64xf32, #tpu.memory_space<vmem>> -> memref<128x64xf32, #tpu.memory_space<vmem>>
          %dma_start3A_238 = arith.constant 0 : i32
          %dma_start3A_239 = tpu.memref_slice %arg7[%sub3A_232, %dma_start3A_238] : memref<32x128xi32, #tpu.memory_space<vmem>> -> memref<1x128xi32, #tpu.memory_space<vmem>>
          %dma_start3A_240 = tpu.memref_squeeze %dma_start3A_239 : memref<1x128xi32, #tpu.memory_space<vmem>> -> memref<128xi32, #tpu.memory_space<vmem>>
          %dma_start3A_241 = arith.constant 0 : i32
          %dma_start3A_242 = arith.constant 0 : i32
          %dma_start3A_243 = tpu.memref_slice %arg10[%dma_start3A_241, %dma_start3A_242] : memref<10000x64xf32, #tpu.memory_space<vmem_shared>> -> memref<10000x64xf32, #tpu.memory_space<vmem_shared>>
          tpu.enqueue_indirect_dma source(%dma_start3A_243 : memref<10000x64xf32, #tpu.memory_space<vmem_shared>>) target(%dma_start3A_237 : memref<128x64xf32, #tpu.memory_space<vmem>>) offsets(%dma_start3A_240 : memref<128xi32, #tpu.memory_space<vmem>>) semaphore(%arg14 : memref<!tpu.dma_semaphore, #tpu.memory_space<semaphore_mem>>)
        } else {
        }
      }
      %scan3A_62 = arith.constant 8 : i32
      %dma_wait3A = arith.constant 3 : i32
      %dma_wait3A_63 = arith.constant 31 : i32
      %dma_wait3A_64 = arith.constant 0 : i32
      %dma_wait3A_65 = arith.constant 0 : i32
      %dma_wait3A_66 = tpu.memref_slice %arg9[%dma_wait3A, %dma_wait3A_64, %dma_wait3A_65] : memref<4x128x64xf32, #tpu.memory_space<vmem>> -> memref<1x128x64xf32, #tpu.memory_space<vmem>>
      %dma_wait3A_67 = tpu.memref_squeeze %dma_wait3A_66 : memref<1x128x64xf32, #tpu.memory_space<vmem>> -> memref<128x64xf32, #tpu.memory_space<vmem>>
      %dma_wait3A_68 = arith.constant 0 : i32
      %dma_wait3A_69 = tpu.memref_slice %arg8[%dma_wait3A_63, %dma_wait3A_68] : memref<32x128xi32, #tpu.memory_space<vmem>> -> memref<1x128xi32, #tpu.memory_space<vmem>>
      %dma_wait3A_70 = tpu.memref_squeeze %dma_wait3A_69 : memref<1x128xi32, #tpu.memory_space<vmem>> -> memref<128xi32, #tpu.memory_space<vmem>>
      %dma_wait3A_71 = arith.constant 0 : i32
      %dma_wait3A_72 = arith.constant 0 : i32
      %dma_wait3A_73 = tpu.memref_slice %arg11[%dma_wait3A_71, %dma_wait3A_72] : memref<10240x64xf32, #tpu.memory_space<vmem_shared>> -> memref<10240x64xf32, #tpu.memory_space<vmem_shared>>
      tpu.wait_indirect_dma semaphore(%arg19 : memref<!tpu.dma_semaphore, #tpu.memory_space<semaphore_mem>>) src(%dma_wait3A_67 : memref<128x64xf32, #tpu.memory_space<vmem>>) dst(%dma_wait3A_73 : memref<10240x64xf32, #tpu.memory_space<vmem_shared>>)
    }
    %scan3A_11 = arith.constant 5 : i32
    %barrier3A_12 = arith.constant 0 : index
    tpu.barrier barrier_id(%barrier3A_12)
    %mul3A_13 = arith.constant 640 : i32
    %mul3A_14 = arith.muli %arg1, %mul3A_13 : i32
    %mul3A_15 = arith.constant 640 : i32
    %mul3A_16 = arith.muli %arg1, %mul3A_15 : i32
    "tpu.region"() ({
      %run_scoped3A = tpu.sem_alloc : memref<!tpu.dma_semaphore, #tpu.memory_space<semaphore_mem>>
      %dma_start3A = arith.constant 0 : i32
      %dma_start3A_17 = tpu.memref_slice %arg6[%arg0, %mul3A_16, %dma_start3A] : memref<2x10240x64xf32, #tpu.memory_space<hbm>> -> memref<1x640x64xf32, #tpu.memory_space<hbm>>
      %dma_start3A_18 = tpu.memref_squeeze %dma_start3A_17 : memref<1x640x64xf32, #tpu.memory_space<hbm>> -> memref<640x64xf32, #tpu.memory_space<hbm>>
      %dma_start3A_19 = arith.constant 0 : i32
      %dma_start3A_20 = tpu.memref_slice %arg11[%mul3A_14, %dma_start3A_19] : memref<10240x64xf32, #tpu.memory_space<vmem_shared>> -> memref<640x64xf32, #tpu.memory_space<vmem_shared>>
      tpu.enqueue_dma source(%dma_start3A_20 : memref<640x64xf32, #tpu.memory_space<vmem_shared>>) target(%dma_start3A_18 : memref<640x64xf32, #tpu.memory_space<hbm>>) target_semaphore(%run_scoped3A : memref<!tpu.dma_semaphore, #tpu.memory_space<semaphore_mem>>)
      %dma_wait3A = arith.constant 0 : i32
      %dma_wait3A_21 = tpu.memref_slice %arg6[%arg0, %mul3A_16, %dma_wait3A] : memref<2x10240x64xf32, #tpu.memory_space<hbm>> -> memref<1x640x64xf32, #tpu.memory_space<hbm>>
      %dma_wait3A_22 = tpu.memref_squeeze %dma_wait3A_21 : memref<1x640x64xf32, #tpu.memory_space<hbm>> -> memref<640x64xf32, #tpu.memory_space<hbm>>
      %dma_wait3A_23 = arith.constant 0 : i32
      %dma_wait3A_24 = tpu.memref_slice %arg11[%mul3A_14, %dma_wait3A_23] : memref<10240x64xf32, #tpu.memory_space<vmem_shared>> -> memref<640x64xf32, #tpu.memory_space<vmem_shared>>
      tpu.wait_dma2 semaphore(%run_scoped3A : memref<!tpu.dma_semaphore, #tpu.memory_space<semaphore_mem>>) src(%dma_wait3A_24 : memref<640x64xf32, #tpu.memory_space<vmem_shared>>) dst(%dma_wait3A_22 : memref<640x64xf32, #tpu.memory_space<hbm>>)
      tpu.yield
    }) : () -> ()
    return
  }
}

module attributes {stable_mosaic.version = 14 : i64} {
  func.func @body(%arg0: i32, %arg1: memref<2000x128xf32, #tpu.memory_space<vmem>>, %arg2: memref<128x128xf32, #tpu.memory_space<vmem>>, %arg3: memref<2000x128xf32, #tpu.memory_space<vmem>>) attributes {dimension_semantics = [#tpu.dimension_semantics<arbitrary>], iteration_bounds = array<i64: 5>, scalar_prefetch = 0 : i64, scratch_operands = 0 : i64, tpu.core_type = #tpu.core_type<tc>, window_params = [{transform_indices = @transform_0, window_bounds = array<i64: 2000, 128>}, {pipeline_mode = #tpu.pipeline_mode<synchronous>, transform_indices = @transform_1, window_bounds = array<i64: 128, 128>}, {transform_indices = @transform_2, window_bounds = array<i64: 2000, 128>}]} {
    %get3A = arith.constant 0 : index
    %get3A_0 = arith.constant 0 : index
    %get3A_1 = vector.load %arg1[%get3A, %get3A_0] : memref<2000x128xf32, #tpu.memory_space<vmem>>, vector<2000x128xf32>
    %get3A_2 = arith.constant 0 : index
    %get3A_3 = arith.constant 0 : index
    %get3A_4 = vector.load %arg2[%get3A_2, %get3A_3] : memref<128x128xf32, #tpu.memory_space<vmem>>, vector<128x128xf32>
    %dot_general3A = arith.constant dense<0.000000e+00> : vector<2000x128xf32>
    %dot_general3A_5 = tpu.matmul %get3A_1, %get3A_4, %dot_general3A {dimension_numbers = #tpu.dot_dimension_numbers<[1], [0], [0], [1], [0, 0, 1, 1], [], []>, transpose_lhs_hint = false} : vector<2000x128xf32>, vector<128x128xf32>, vector<2000x128xf32> -> vector<2000x128xf32>
    %swap3A = arith.constant 0 : index
    %swap3A_6 = arith.constant 0 : index
    %swap3A_7 = vector.load %arg3[%swap3A, %swap3A_6] : memref<2000x128xf32, #tpu.memory_space<vmem>>, vector<2000x128xf32>
    tpu.vector_store %arg3[%swap3A, %swap3A_6], %dot_general3A_5 {strides = array<i32>} : memref<2000x128xf32, #tpu.memory_space<vmem>>, vector<2000x128xf32>,
    return
  }
  func.func @transform_0(%arg0: i32) -> (i32, i32) {
    %c0_i32 = arith.constant 0 : i32
    %c0_i32_0 = arith.constant 0 : i32
    return %arg0, %c0_i32 : i32, i32
  }
  func.func @transform_1(%arg0: i32) -> (i32, i32) {
    %c0_i32 = arith.constant 0 : i32
    %c0_i32_0 = arith.constant 0 : i32
    %c0_i32_1 = arith.constant 0 : i32
    return %c0_i32, %c0_i32_0 : i32, i32
  }
  func.func @transform_2(%arg0: i32) -> (i32, i32) {
    %c0_i32 = arith.constant 0 : i32
    %c0_i32_0 = arith.constant 0 : i32
    return %arg0, %c0_i32 : i32, i32
  }
}

module attributes {stable_mosaic.version = 14 : i64} {
  func.func @body(%arg0: i32, %arg1: memref<2000x128xf32, #tpu.memory_space<vmem>>, %arg2: memref<2x2000x1xf32, #tpu.memory_space<vmem>>, %arg3: memref<2000x128xf32, #tpu.memory_space<vmem>>, %arg4: memref<2000x1xf32, #tpu.memory_space<vmem>>) attributes {dimension_semantics = [#tpu.dimension_semantics<arbitrary>], iteration_bounds = array<i64: 5>, scalar_prefetch = 0 : i64, scratch_operands = 0 : i64, tpu.core_type = #tpu.core_type<tc>, window_params = [{transform_indices = @transform_0, window_bounds = array<i64: 2000, 128>}, {transform_indices = @transform_1, window_bounds = array<i64: 2, 2000, 1>}, {transform_indices = @transform_2, window_bounds = array<i64: 2000, 128>}, {transform_indices = @transform_3, window_bounds = array<i64: 2000, 1>}]} {
    %get3A = arith.constant 0 : index
    %get3A_0 = arith.constant 0 : index
    %get3A_1 = arith.constant 0 : index
    %get3A_2 = vector.load %arg2[%get3A, %get3A_0, %get3A_1] : memref<2x2000x1xf32, #tpu.memory_space<vmem>>, vector<1x2000x1xf32>
    %get3A_3 = vector.shape_cast %get3A_2 : vector<1x2000x1xf32> to vector<2000x1xf32>
    %get3A_4 = arith.constant 1 : index
    %get3A_5 = arith.constant 0 : index
    %get3A_6 = arith.constant 0 : index
    %get3A_7 = vector.load %arg2[%get3A_4, %get3A_5, %get3A_6] : memref<2x2000x1xf32, #tpu.memory_space<vmem>>, vector<1x2000x1xf32>
    %get3A_8 = vector.shape_cast %get3A_7 : vector<1x2000x1xf32> to vector<2000x1xf32>
    %add3A = arith.addf %get3A_3, %get3A_8 : vector<2000x1xf32>
    %add3A_9 = arith.constant 1.000000e+00 : f32
    %add3A_10 = vector.broadcast %add3A_9 : f32 to vector<2000x1xf32>
    %add3A_11 = arith.addf %add3A, %add3A_10 : vector<2000x1xf32>
    %rsqrt3A = math.rsqrt %add3A_11 : vector<2000x1xf32>
    %swap3A = arith.constant 0 : index
    %swap3A_12 = arith.constant 0 : index
    %swap3A_13 = vector.load %arg4[%swap3A, %swap3A_12] : memref<2000x1xf32, #tpu.memory_space<vmem>>, vector<2000x1xf32>
    tpu.vector_store %arg4[%swap3A, %swap3A_12], %rsqrt3A {strides = array<i32>} : memref<2000x1xf32, #tpu.memory_space<vmem>>, vector<2000x1xf32>,
    %get3A_14 = arith.constant 0 : index
    %get3A_15 = arith.constant 0 : index
    %get3A_16 = vector.load %arg1[%get3A_14, %get3A_15] : memref<2000x128xf32, #tpu.memory_space<vmem>>, vector<2000x128xf32>
    %mul3A = vector.broadcast %rsqrt3A : vector<2000x1xf32> to vector<2000x128xf32>
    %mul3A_17 = arith.mulf %get3A_16, %mul3A : vector<2000x128xf32>
    %swap3A_18 = arith.constant 0 : index
    %swap3A_19 = arith.constant 0 : index
    %swap3A_20 = vector.load %arg3[%swap3A_18, %swap3A_19] : memref<2000x128xf32, #tpu.memory_space<vmem>>, vector<2000x128xf32>
    tpu.vector_store %arg3[%swap3A_18, %swap3A_19], %mul3A_17 {strides = array<i32>} : memref<2000x128xf32, #tpu.memory_space<vmem>>, vector<2000x128xf32>,
    return
  }
  func.func @transform_0(%arg0: i32) -> (i32, i32) {
    %c0_i32 = arith.constant 0 : i32
    %c0_i32_0 = arith.constant 0 : i32
    return %arg0, %c0_i32 : i32, i32
  }
  func.func @transform_1(%arg0: i32) -> (i32, i32, i32) {
    %c0_i32 = arith.constant 0 : i32
    %c0_i32_0 = arith.constant 0 : i32
    %c0_i32_1 = arith.constant 0 : i32
    return %c0_i32, %arg0, %c0_i32_0 : i32, i32, i32
  }
  func.func @transform_2(%arg0: i32) -> (i32, i32) {
    %c0_i32 = arith.constant 0 : i32
    %c0_i32_0 = arith.constant 0 : i32
    return %arg0, %c0_i32 : i32, i32
  }
  func.func @transform_3(%arg0: i32) -> (i32, i32) {
    %c0_i32 = arith.constant 0 : i32
    %c0_i32_0 = arith.constant 0 : i32
    return %arg0, %c0_i32 : i32, i32
  }
}

module attributes {stable_mosaic.version = 14 : i64} {
  func.func @body(%arg0: i32, %arg1: i32, %arg2: memref<2x2000x64xf32, #tpu.memory_space<vmem>>, %arg3: memref<2000x128xf32, #tpu.memory_space<vmem>>, %arg4: memref<1x128xf32, #tpu.memory_space<vmem>>, %arg5: memref<2000x1xf32, #tpu.memory_space<vmem>>, %arg6: memref<128x128xf32, #tpu.memory_space<vmem>>, %arg7: memref<2000x128xf32, #tpu.memory_space<vmem>>, %arg8: memref<10000x128xf32, #tpu.memory_space<vmem>>, %arg9: memref<1x128xf32, #tpu.memory_space<vmem>>, %arg10: memref<1x128xf32, #tpu.memory_space<vmem>>) attributes {dimension_semantics = [#tpu.dimension_semantics<arbitrary>, #tpu.dimension_semantics<arbitrary>], iteration_bounds = array<i64: 2, 5>, scalar_prefetch = 0 : i64, scratch_operands = 3 : i64, tpu.core_type = #tpu.core_type<tc>, window_params = [{transform_indices = @transform_0, window_bounds = array<i64: 2, 2000, 64>}, {transform_indices = @transform_1, window_bounds = array<i64: 2000, 128>}, {pipeline_mode = #tpu.pipeline_mode<synchronous>, transform_indices = @transform_2, window_bounds = array<i64: 1, 128>}, {transform_indices = @transform_3, window_bounds = array<i64: 2000, 1>}, {pipeline_mode = #tpu.pipeline_mode<synchronous>, transform_indices = @transform_4, window_bounds = array<i64: 128, 128>}, {transform_indices = @transform_5, window_bounds = array<i64: 2000, 128>}]} {
    %get3A = arith.constant 0 : index
    %get3A_0 = arith.constant 0 : index
    %get3A_1 = vector.load %arg5[%get3A, %get3A_0] : memref<2000x1xf32, #tpu.memory_space<vmem>>, vector<2000x1xf32>
    %eq3A = arith.constant 0 : i32
    %eq3A_2 = arith.cmpi eq, %arg0, %eq3A : i32
    %convert_element_type3A = arith.extui %eq3A_2 : i1 to i32
    %cond3A = arith.constant 0 : i32
    %cond3A_3 = arith.cmpi ne, %convert_element_type3A, %cond3A : i32
    scf.if %cond3A_3 {
      %get3A_9 = arith.constant 0 : index
      %get3A_10 = arith.constant 0 : index
      %get3A_11 = arith.constant 0 : index
      %get3A_12 = vector.load %arg2[%get3A_9, %get3A_10, %get3A_11] : memref<2x2000x64xf32, #tpu.memory_space<vmem>>, vector<1x2000x64xf32>
      %get3A_13 = vector.shape_cast %get3A_12 : vector<1x2000x64xf32> to vector<2000x64xf32>
      %get3A_14 = arith.constant 1 : index
      %get3A_15 = arith.constant 0 : index
      %get3A_16 = arith.constant 0 : index
      %get3A_17 = vector.load %arg2[%get3A_14, %get3A_15, %get3A_16] : memref<2x2000x64xf32, #tpu.memory_space<vmem>>, vector<1x2000x64xf32>
      %get3A_18 = vector.shape_cast %get3A_17 : vector<1x2000x64xf32> to vector<2000x64xf32>
      %concatenate3A = tpu.concatenate %get3A_13, %get3A_18 in 1 : vector<2000x64xf32>, vector<2000x64xf32> -> vector<2000x128xf32>
      %get3A_19 = arith.constant 0 : index
      %get3A_20 = arith.constant 0 : index
      %get3A_21 = vector.load %arg3[%get3A_19, %get3A_20] : memref<2000x128xf32, #tpu.memory_space<vmem>>, vector<2000x128xf32>
      %add3A = arith.addf %concatenate3A, %get3A_21 : vector<2000x128xf32>
      %mul3A = vector.broadcast %get3A_1 : vector<2000x1xf32> to vector<2000x128xf32>
      %mul3A_22 = arith.mulf %mul3A, %add3A : vector<2000x128xf32>
      %get3A_23 = arith.constant 0 : index
      %get3A_24 = arith.constant 0 : index
      %get3A_25 = vector.load %arg4[%get3A_23, %get3A_24] : memref<1x128xf32, #tpu.memory_space<vmem>>, vector<1x128xf32>
      %add3A_26 = vector.broadcast %get3A_25 : vector<1x128xf32> to vector<2000x128xf32>
      %add3A_27 = arith.addf %mul3A_22, %add3A_26 : vector<2000x128xf32>
      %mul3A_28 = arith.constant 2000 : i32
      %mul3A_29 = arith.muli %arg1, %mul3A_28 : i32
      %swap3A = arith.index_cast %mul3A_29 : i32 to index
      %swap3A_30 = arith.constant 0 : index
      %swap3A_31 = vector.load %arg8[%swap3A, %swap3A_30] : memref<10000x128xf32, #tpu.memory_space<vmem>>, vector<2000x128xf32>
      tpu.vector_store %arg8[%swap3A, %swap3A_30], %add3A_27 {strides = array<i32>} : memref<10000x128xf32, #tpu.memory_space<vmem>>, vector<2000x128xf32>,
      %eq3A_32 = arith.constant 0 : i32
      %eq3A_33 = arith.cmpi eq, %arg1, %eq3A_32 : i32
      %convert_element_type3A_34 = arith.extui %eq3A_33 : i1 to i32
      %cond3A_35 = arith.constant 0 : i32
      %cond3A_36 = arith.cmpi ne, %convert_element_type3A_34, %cond3A_35 : i32
      scf.if %cond3A_36 {
        %broadcast_in_dim3A_56 = arith.constant 0.000000e+00 : f32
        %broadcast_in_dim3A_57 = vector.broadcast %broadcast_in_dim3A_56 : f32 to vector<1x128xf32>
        %swap3A_58 = arith.constant 0 : index
        %swap3A_59 = arith.constant 0 : index
        %swap3A_60 = vector.load %arg9[%swap3A_58, %swap3A_59] : memref<1x128xf32, #tpu.memory_space<vmem>>, vector<1x128xf32>
        tpu.vector_store %arg9[%swap3A_58, %swap3A_59], %broadcast_in_dim3A_57 {strides = array<i32>} : memref<1x128xf32, #tpu.memory_space<vmem>>, vector<1x128xf32>,
        %broadcast_in_dim3A_61 = arith.constant 0.000000e+00 : f32
        %broadcast_in_dim3A_62 = vector.broadcast %broadcast_in_dim3A_61 : f32 to vector<1x128xf32>
        %swap3A_63 = arith.constant 0 : index
        %swap3A_64 = arith.constant 0 : index
        %swap3A_65 = vector.load %arg10[%swap3A_63, %swap3A_64] : memref<1x128xf32, #tpu.memory_space<vmem>>, vector<1x128xf32>
        tpu.vector_store %arg10[%swap3A_63, %swap3A_64], %broadcast_in_dim3A_62 {strides = array<i32>} : memref<1x128xf32, #tpu.memory_space<vmem>>, vector<1x128xf32>,
      } else {
      }
      %get3A_37 = arith.constant 0 : index
      %get3A_38 = arith.constant 0 : index
      %get3A_39 = vector.load %arg9[%get3A_37, %get3A_38] : memref<1x128xf32, #tpu.memory_space<vmem>>, vector<1x128xf32>
      %reduce_sum3A = arith.constant dense<0.000000e+00> : vector<128xf32>
      %reduce_sum3A_40 = vector.multi_reduction <add>, %add3A_27, %reduce_sum3A [0] : vector<2000x128xf32> to vector<128xf32>
      %broadcast_in_dim3A = vector.shape_cast %reduce_sum3A_40 : vector<128xf32> to vector<1x128xf32>
      %add3A_41 = arith.addf %get3A_39, %broadcast_in_dim3A : vector<1x128xf32>
      %swap3A_42 = arith.constant 0 : index
      %swap3A_43 = arith.constant 0 : index
      %swap3A_44 = vector.load %arg9[%swap3A_42, %swap3A_43] : memref<1x128xf32, #tpu.memory_space<vmem>>, vector<1x128xf32>
      tpu.vector_store %arg9[%swap3A_42, %swap3A_43], %add3A_41 {strides = array<i32>} : memref<1x128xf32, #tpu.memory_space<vmem>>, vector<1x128xf32>,
      %get3A_45 = arith.constant 0 : index
      %get3A_46 = arith.constant 0 : index
      %get3A_47 = vector.load %arg10[%get3A_45, %get3A_46] : memref<1x128xf32, #tpu.memory_space<vmem>>, vector<1x128xf32>
      %mul3A_48 = arith.mulf %add3A_27, %add3A_27 : vector<2000x128xf32>
      %reduce_sum3A_49 = arith.constant dense<0.000000e+00> : vector<128xf32>
      %reduce_sum3A_50 = vector.multi_reduction <add>, %mul3A_48, %reduce_sum3A_49 [0] : vector<2000x128xf32> to vector<128xf32>
      %broadcast_in_dim3A_51 = vector.shape_cast %reduce_sum3A_50 : vector<128xf32> to vector<1x128xf32>
      %add3A_52 = arith.addf %get3A_47, %broadcast_in_dim3A_51 : vector<1x128xf32>
      %swap3A_53 = arith.constant 0 : index
      %swap3A_54 = arith.constant 0 : index
      %swap3A_55 = vector.load %arg10[%swap3A_53, %swap3A_54] : memref<1x128xf32, #tpu.memory_space<vmem>>, vector<1x128xf32>
      tpu.vector_store %arg10[%swap3A_53, %swap3A_54], %add3A_52 {strides = array<i32>} : memref<1x128xf32, #tpu.memory_space<vmem>>, vector<1x128xf32>,
    } else {
    }
    %eq3A_4 = arith.constant 1 : i32
    %eq3A_5 = arith.cmpi eq, %arg0, %eq3A_4 : i32
    %convert_element_type3A_6 = arith.extui %eq3A_5 : i1 to i32
    %cond3A_7 = arith.constant 0 : i32
    %cond3A_8 = arith.cmpi ne, %convert_element_type3A_6, %cond3A_7 : i32
    scf.if %cond3A_8 {
      %get3A_9 = arith.constant 0 : index
      %get3A_10 = arith.constant 0 : index
      %get3A_11 = vector.load %arg9[%get3A_9, %get3A_10] : memref<1x128xf32, #tpu.memory_space<vmem>>, vector<1x128xf32>
      %div3A = arith.constant 1.000000e+04 : f32
      %div3A_12 = vector.broadcast %div3A : f32 to vector<1x128xf32>
      %div3A_13 = arith.divf %get3A_11, %div3A_12 : vector<1x128xf32>
      %get3A_14 = arith.constant 0 : index
      %get3A_15 = arith.constant 0 : index
      %get3A_16 = vector.load %arg10[%get3A_14, %get3A_15] : memref<1x128xf32, #tpu.memory_space<vmem>>, vector<1x128xf32>
      %reduce_sum3A = vector.shape_cast %get3A_16 : vector<1x128xf32> to vector<1x1x128xf32>
      %reduce_sum3A_17 = arith.constant dense<0.000000e+00> : vector<1xf32>
      %reduce_sum3A_18 = vector.multi_reduction <add>, %reduce_sum3A, %reduce_sum3A_17 [1, 2] : vector<1x1x128xf32> to vector<1xf32>
      %reduce_sum3A_19 = vector.shape_cast %reduce_sum3A_18 : vector<1xf32> to vector<1x1x1xf32>
      %reduce_sum3A_20 = vector.extract %reduce_sum3A_19[0, 0, 0] : f32 from vector<1x1x1xf32>
      %mul3A = arith.mulf %div3A_13, %div3A_13 : vector<1x128xf32>
      %reduce_sum3A_21 = vector.shape_cast %mul3A : vector<1x128xf32> to vector<1x1x128xf32>
      %reduce_sum3A_22 = arith.constant dense<0.000000e+00> : vector<1xf32>
      %reduce_sum3A_23 = vector.multi_reduction <add>, %reduce_sum3A_21, %reduce_sum3A_22 [1, 2] : vector<1x1x128xf32> to vector<1xf32>
      %reduce_sum3A_24 = vector.shape_cast %reduce_sum3A_23 : vector<1xf32> to vector<1x1x1xf32>
      %reduce_sum3A_25 = vector.extract %reduce_sum3A_24[0, 0, 0] : f32 from vector<1x1x1xf32>
      %mul3A_26 = arith.constant 1.000000e+04 : f32
      %mul3A_27 = arith.mulf %mul3A_26, %reduce_sum3A_25 : f32
      %sub3A = arith.subf %reduce_sum3A_20, %mul3A_27 : f32
      %div3A_28 = arith.constant 1.000000e+04 : f32
      %div3A_29 = arith.divf %sub3A, %div3A_28 : f32
      %add3A = arith.constant 9.99999997E-7 : f32
      %add3A_30 = arith.addf %add3A, %div3A_29 : f32
      %rsqrt3A = math.rsqrt %add3A_30 : f32
      %mul3A_31 = arith.constant 2000 : i32
      %mul3A_32 = arith.muli %arg1, %mul3A_31 : i32
      %get3A_33 = arith.index_cast %mul3A_32 : i32 to index
      %get3A_34 = arith.constant 0 : index
      %get3A_35 = vector.load %arg8[%get3A_33, %get3A_34] : memref<10000x128xf32, #tpu.memory_space<vmem>>, vector<2000x128xf32>
      %sub3A_36 = vector.broadcast %div3A_13 : vector<1x128xf32> to vector<2000x128xf32>
      %sub3A_37 = arith.subf %get3A_35, %sub3A_36 : vector<2000x128xf32>
      %mul3A_38 = vector.broadcast %rsqrt3A : f32 to vector<2000x128xf32>
      %mul3A_39 = arith.mulf %sub3A_37, %mul3A_38 : vector<2000x128xf32>
      %max3A = arith.constant 0.000000e+00 : f32
      %max3A_40 = vector.broadcast %max3A : f32 to vector<2000x128xf32>
      %max3A_41 = arith.maximumf %mul3A_39, %max3A_40 : vector<2000x128xf32>
      %get3A_42 = arith.constant 0 : index
      %get3A_43 = arith.constant 0 : index
      %get3A_44 = vector.load %arg6[%get3A_42, %get3A_43] : memref<128x128xf32, #tpu.memory_space<vmem>>, vector<128x128xf32>
      %dot_general3A = arith.constant dense<0.000000e+00> : vector<2000x128xf32>
      %dot_general3A_45 = tpu.matmul %max3A_41, %get3A_44, %dot_general3A {dimension_numbers = #tpu.dot_dimension_numbers<[1], [0], [0], [1], [0, 0, 1, 1], [], []>, transpose_lhs_hint = false} : vector<2000x128xf32>, vector<128x128xf32>, vector<2000x128xf32> -> vector<2000x128xf32>
      %mul3A_46 = vector.broadcast %get3A_1 : vector<2000x1xf32> to vector<2000x128xf32>
      %mul3A_47 = arith.mulf %dot_general3A_45, %mul3A_46 : vector<2000x128xf32>
      %swap3A = arith.constant 0 : index
      %swap3A_48 = arith.constant 0 : index
      %swap3A_49 = vector.load %arg7[%swap3A, %swap3A_48] : memref<2000x128xf32, #tpu.memory_space<vmem>>, vector<2000x128xf32>
      tpu.vector_store %arg7[%swap3A, %swap3A_48], %mul3A_47 {strides = array<i32>} : memref<2000x128xf32, #tpu.memory_space<vmem>>, vector<2000x128xf32>,
    } else {
    }
    return
  }
  func.func @transform_0(%arg0: i32, %arg1: i32) -> (i32, i32, i32) {
    %eq3A = arith.constant 0 : i32
    %eq3A_0 = arith.cmpi eq, %arg0, %eq3A : i32
    %jit3A = arith.constant 4 : i32
    %select_n3A = arith.select %eq3A_0, %arg1, %jit3A : i32
    %c0_i32 = arith.constant 0 : i32
    %c0_i32_1 = arith.constant 0 : i32
    %c0_i32_2 = arith.constant 0 : i32
    return %c0_i32, %select_n3A, %c0_i32_1 : i32, i32, i32
  }
  func.func @transform_1(%arg0: i32, %arg1: i32) -> (i32, i32) {
    %eq3A = arith.constant 0 : i32
    %eq3A_0 = arith.cmpi eq, %arg0, %eq3A : i32
    %jit3A = arith.constant 4 : i32
    %select_n3A = arith.select %eq3A_0, %arg1, %jit3A : i32
    %c0_i32 = arith.constant 0 : i32
    %c0_i32_1 = arith.constant 0 : i32
    return %select_n3A, %c0_i32 : i32, i32
  }
  func.func @transform_2(%arg0: i32, %arg1: i32) -> (i32, i32) {
    %c0_i32 = arith.constant 0 : i32
    %c0_i32_0 = arith.constant 0 : i32
    %c0_i32_1 = arith.constant 0 : i32
    return %c0_i32, %c0_i32_0 : i32, i32
  }
  func.func @transform_3(%arg0: i32, %arg1: i32) -> (i32, i32) {
    %c0_i32 = arith.constant 0 : i32
    %c0_i32_0 = arith.constant 0 : i32
    return %arg1, %c0_i32 : i32, i32
  }
  func.func @transform_4(%arg0: i32, %arg1: i32) -> (i32, i32) {
    %c0_i32 = arith.constant 0 : i32
    %c0_i32_0 = arith.constant 0 : i32
    %c0_i32_1 = arith.constant 0 : i32
    return %c0_i32, %c0_i32_0 : i32, i32
  }
  func.func @transform_5(%arg0: i32, %arg1: i32) -> (i32, i32) {
    %c0_i32 = arith.constant 0 : i32
    %c0_i32_0 = arith.constant 0 : i32
    return %arg1, %c0_i32 : i32, i32
  }
}

module attributes {stable_mosaic.version = 14 : i64} {
  func.func @body(%arg0: i32, %arg1: i32, %arg2: memref<2x2000x64xf32, #tpu.memory_space<vmem>>, %arg3: memref<2000x128xf32, #tpu.memory_space<vmem>>, %arg4: memref<1x128xf32, #tpu.memory_space<vmem>>, %arg5: memref<2000x1xf32, #tpu.memory_space<vmem>>, %arg6: memref<128x64xf32, #tpu.memory_space<vmem>>, %arg7: memref<2000x64xf32, #tpu.memory_space<vmem>>, %arg8: memref<10000x128xf32, #tpu.memory_space<vmem>>, %arg9: memref<1x128xf32, #tpu.memory_space<vmem>>, %arg10: memref<1x128xf32, #tpu.memory_space<vmem>>) attributes {dimension_semantics = [#tpu.dimension_semantics<arbitrary>, #tpu.dimension_semantics<arbitrary>], iteration_bounds = array<i64: 2, 5>, scalar_prefetch = 0 : i64, scratch_operands = 3 : i64, tpu.core_type = #tpu.core_type<tc>, window_params = [{transform_indices = @transform_0, window_bounds = array<i64: 2, 2000, 64>}, {transform_indices = @transform_1, window_bounds = array<i64: 2000, 128>}, {pipeline_mode = #tpu.pipeline_mode<synchronous>, transform_indices = @transform_2, window_bounds = array<i64: 1, 128>}, {transform_indices = @transform_3, window_bounds = array<i64: 2000, 1>}, {pipeline_mode = #tpu.pipeline_mode<synchronous>, transform_indices = @transform_4, window_bounds = array<i64: 128, 64>}, {transform_indices = @transform_5, window_bounds = array<i64: 2000, 64>}]} {
    %get3A = arith.constant 0 : index
    %get3A_0 = arith.constant 0 : index
    %get3A_1 = vector.load %arg5[%get3A, %get3A_0] : memref<2000x1xf32, #tpu.memory_space<vmem>>, vector<2000x1xf32>
    %eq3A = arith.constant 0 : i32
    %eq3A_2 = arith.cmpi eq, %arg0, %eq3A : i32
    %convert_element_type3A = arith.extui %eq3A_2 : i1 to i32
    %cond3A = arith.constant 0 : i32
    %cond3A_3 = arith.cmpi ne, %convert_element_type3A, %cond3A : i32
    scf.if %cond3A_3 {
      %get3A_9 = arith.constant 0 : index
      %get3A_10 = arith.constant 0 : index
      %get3A_11 = arith.constant 0 : index
      %get3A_12 = vector.load %arg2[%get3A_9, %get3A_10, %get3A_11] : memref<2x2000x64xf32, #tpu.memory_space<vmem>>, vector<1x2000x64xf32>
      %get3A_13 = vector.shape_cast %get3A_12 : vector<1x2000x64xf32> to vector<2000x64xf32>
      %get3A_14 = arith.constant 1 : index
      %get3A_15 = arith.constant 0 : index
      %get3A_16 = arith.constant 0 : index
      %get3A_17 = vector.load %arg2[%get3A_14, %get3A_15, %get3A_16] : memref<2x2000x64xf32, #tpu.memory_space<vmem>>, vector<1x2000x64xf32>
      %get3A_18 = vector.shape_cast %get3A_17 : vector<1x2000x64xf32> to vector<2000x64xf32>
      %concatenate3A = tpu.concatenate %get3A_13, %get3A_18 in 1 : vector<2000x64xf32>, vector<2000x64xf32> -> vector<2000x128xf32>
      %get3A_19 = arith.constant 0 : index
      %get3A_20 = arith.constant 0 : index
      %get3A_21 = vector.load %arg3[%get3A_19, %get3A_20] : memref<2000x128xf32, #tpu.memory_space<vmem>>, vector<2000x128xf32>
      %add3A = arith.addf %concatenate3A, %get3A_21 : vector<2000x128xf32>
      %mul3A = vector.broadcast %get3A_1 : vector<2000x1xf32> to vector<2000x128xf32>
      %mul3A_22 = arith.mulf %mul3A, %add3A : vector<2000x128xf32>
      %get3A_23 = arith.constant 0 : index
      %get3A_24 = arith.constant 0 : index
      %get3A_25 = vector.load %arg4[%get3A_23, %get3A_24] : memref<1x128xf32, #tpu.memory_space<vmem>>, vector<1x128xf32>
      %add3A_26 = vector.broadcast %get3A_25 : vector<1x128xf32> to vector<2000x128xf32>
      %add3A_27 = arith.addf %mul3A_22, %add3A_26 : vector<2000x128xf32>
      %mul3A_28 = arith.constant 2000 : i32
      %mul3A_29 = arith.muli %arg1, %mul3A_28 : i32
      %swap3A = arith.index_cast %mul3A_29 : i32 to index
      %swap3A_30 = arith.constant 0 : index
      %swap3A_31 = vector.load %arg8[%swap3A, %swap3A_30] : memref<10000x128xf32, #tpu.memory_space<vmem>>, vector<2000x128xf32>
      tpu.vector_store %arg8[%swap3A, %swap3A_30], %add3A_27 {strides = array<i32>} : memref<10000x128xf32, #tpu.memory_space<vmem>>, vector<2000x128xf32>,
      %eq3A_32 = arith.constant 0 : i32
      %eq3A_33 = arith.cmpi eq, %arg1, %eq3A_32 : i32
      %convert_element_type3A_34 = arith.extui %eq3A_33 : i1 to i32
      %cond3A_35 = arith.constant 0 : i32
      %cond3A_36 = arith.cmpi ne, %convert_element_type3A_34, %cond3A_35 : i32
      scf.if %cond3A_36 {
        %broadcast_in_dim3A_56 = arith.constant 0.000000e+00 : f32
        %broadcast_in_dim3A_57 = vector.broadcast %broadcast_in_dim3A_56 : f32 to vector<1x128xf32>
        %swap3A_58 = arith.constant 0 : index
        %swap3A_59 = arith.constant 0 : index
        %swap3A_60 = vector.load %arg9[%swap3A_58, %swap3A_59] : memref<1x128xf32, #tpu.memory_space<vmem>>, vector<1x128xf32>
        tpu.vector_store %arg9[%swap3A_58, %swap3A_59], %broadcast_in_dim3A_57 {strides = array<i32>} : memref<1x128xf32, #tpu.memory_space<vmem>>, vector<1x128xf32>,
        %broadcast_in_dim3A_61 = arith.constant 0.000000e+00 : f32
        %broadcast_in_dim3A_62 = vector.broadcast %broadcast_in_dim3A_61 : f32 to vector<1x128xf32>
        %swap3A_63 = arith.constant 0 : index
        %swap3A_64 = arith.constant 0 : index
        %swap3A_65 = vector.load %arg10[%swap3A_63, %swap3A_64] : memref<1x128xf32, #tpu.memory_space<vmem>>, vector<1x128xf32>
        tpu.vector_store %arg10[%swap3A_63, %swap3A_64], %broadcast_in_dim3A_62 {strides = array<i32>} : memref<1x128xf32, #tpu.memory_space<vmem>>, vector<1x128xf32>,
      } else {
      }
      %get3A_37 = arith.constant 0 : index
      %get3A_38 = arith.constant 0 : index
      %get3A_39 = vector.load %arg9[%get3A_37, %get3A_38] : memref<1x128xf32, #tpu.memory_space<vmem>>, vector<1x128xf32>
      %reduce_sum3A = arith.constant dense<0.000000e+00> : vector<128xf32>
      %reduce_sum3A_40 = vector.multi_reduction <add>, %add3A_27, %reduce_sum3A [0] : vector<2000x128xf32> to vector<128xf32>
      %broadcast_in_dim3A = vector.shape_cast %reduce_sum3A_40 : vector<128xf32> to vector<1x128xf32>
      %add3A_41 = arith.addf %get3A_39, %broadcast_in_dim3A : vector<1x128xf32>
      %swap3A_42 = arith.constant 0 : index
      %swap3A_43 = arith.constant 0 : index
      %swap3A_44 = vector.load %arg9[%swap3A_42, %swap3A_43] : memref<1x128xf32, #tpu.memory_space<vmem>>, vector<1x128xf32>
      tpu.vector_store %arg9[%swap3A_42, %swap3A_43], %add3A_41 {strides = array<i32>} : memref<1x128xf32, #tpu.memory_space<vmem>>, vector<1x128xf32>,
      %get3A_45 = arith.constant 0 : index
      %get3A_46 = arith.constant 0 : index
      %get3A_47 = vector.load %arg10[%get3A_45, %get3A_46] : memref<1x128xf32, #tpu.memory_space<vmem>>, vector<1x128xf32>
      %mul3A_48 = arith.mulf %add3A_27, %add3A_27 : vector<2000x128xf32>
      %reduce_sum3A_49 = arith.constant dense<0.000000e+00> : vector<128xf32>
      %reduce_sum3A_50 = vector.multi_reduction <add>, %mul3A_48, %reduce_sum3A_49 [0] : vector<2000x128xf32> to vector<128xf32>
      %broadcast_in_dim3A_51 = vector.shape_cast %reduce_sum3A_50 : vector<128xf32> to vector<1x128xf32>
      %add3A_52 = arith.addf %get3A_47, %broadcast_in_dim3A_51 : vector<1x128xf32>
      %swap3A_53 = arith.constant 0 : index
      %swap3A_54 = arith.constant 0 : index
      %swap3A_55 = vector.load %arg10[%swap3A_53, %swap3A_54] : memref<1x128xf32, #tpu.memory_space<vmem>>, vector<1x128xf32>
      tpu.vector_store %arg10[%swap3A_53, %swap3A_54], %add3A_52 {strides = array<i32>} : memref<1x128xf32, #tpu.memory_space<vmem>>, vector<1x128xf32>,
    } else {
    }
    %eq3A_4 = arith.constant 1 : i32
    %eq3A_5 = arith.cmpi eq, %arg0, %eq3A_4 : i32
    %convert_element_type3A_6 = arith.extui %eq3A_5 : i1 to i32
    %cond3A_7 = arith.constant 0 : i32
    %cond3A_8 = arith.cmpi ne, %convert_element_type3A_6, %cond3A_7 : i32
    scf.if %cond3A_8 {
      %get3A_9 = arith.constant 0 : index
      %get3A_10 = arith.constant 0 : index
      %get3A_11 = vector.load %arg9[%get3A_9, %get3A_10] : memref<1x128xf32, #tpu.memory_space<vmem>>, vector<1x128xf32>
      %div3A = arith.constant 1.000000e+04 : f32
      %div3A_12 = vector.broadcast %div3A : f32 to vector<1x128xf32>
      %div3A_13 = arith.divf %get3A_11, %div3A_12 : vector<1x128xf32>
      %get3A_14 = arith.constant 0 : index
      %get3A_15 = arith.constant 0 : index
      %get3A_16 = vector.load %arg10[%get3A_14, %get3A_15] : memref<1x128xf32, #tpu.memory_space<vmem>>, vector<1x128xf32>
      %reduce_sum3A = vector.shape_cast %get3A_16 : vector<1x128xf32> to vector<1x1x128xf32>
      %reduce_sum3A_17 = arith.constant dense<0.000000e+00> : vector<1xf32>
      %reduce_sum3A_18 = vector.multi_reduction <add>, %reduce_sum3A, %reduce_sum3A_17 [1, 2] : vector<1x1x128xf32> to vector<1xf32>
      %reduce_sum3A_19 = vector.shape_cast %reduce_sum3A_18 : vector<1xf32> to vector<1x1x1xf32>
      %reduce_sum3A_20 = vector.extract %reduce_sum3A_19[0, 0, 0] : f32 from vector<1x1x1xf32>
      %mul3A = arith.mulf %div3A_13, %div3A_13 : vector<1x128xf32>
      %reduce_sum3A_21 = vector.shape_cast %mul3A : vector<1x128xf32> to vector<1x1x128xf32>
      %reduce_sum3A_22 = arith.constant dense<0.000000e+00> : vector<1xf32>
      %reduce_sum3A_23 = vector.multi_reduction <add>, %reduce_sum3A_21, %reduce_sum3A_22 [1, 2] : vector<1x1x128xf32> to vector<1xf32>
      %reduce_sum3A_24 = vector.shape_cast %reduce_sum3A_23 : vector<1xf32> to vector<1x1x1xf32>
      %reduce_sum3A_25 = vector.extract %reduce_sum3A_24[0, 0, 0] : f32 from vector<1x1x1xf32>
      %mul3A_26 = arith.constant 1.000000e+04 : f32
      %mul3A_27 = arith.mulf %mul3A_26, %reduce_sum3A_25 : f32
      %sub3A = arith.subf %reduce_sum3A_20, %mul3A_27 : f32
      %div3A_28 = arith.constant 1.000000e+04 : f32
      %div3A_29 = arith.divf %sub3A, %div3A_28 : f32
      %add3A = arith.constant 9.99999997E-7 : f32
      %add3A_30 = arith.addf %add3A, %div3A_29 : f32
      %rsqrt3A = math.rsqrt %add3A_30 : f32
      %mul3A_31 = arith.constant 2000 : i32
      %mul3A_32 = arith.muli %arg1, %mul3A_31 : i32
      %get3A_33 = arith.index_cast %mul3A_32 : i32 to index
      %get3A_34 = arith.constant 0 : index
      %get3A_35 = vector.load %arg8[%get3A_33, %get3A_34] : memref<10000x128xf32, #tpu.memory_space<vmem>>, vector<2000x128xf32>
      %sub3A_36 = vector.broadcast %div3A_13 : vector<1x128xf32> to vector<2000x128xf32>
      %sub3A_37 = arith.subf %get3A_35, %sub3A_36 : vector<2000x128xf32>
      %mul3A_38 = vector.broadcast %rsqrt3A : f32 to vector<2000x128xf32>
      %mul3A_39 = arith.mulf %sub3A_37, %mul3A_38 : vector<2000x128xf32>
      %max3A = arith.constant 0.000000e+00 : f32
      %max3A_40 = vector.broadcast %max3A : f32 to vector<2000x128xf32>
      %max3A_41 = arith.maximumf %mul3A_39, %max3A_40 : vector<2000x128xf32>
      %get3A_42 = arith.constant 0 : index
      %get3A_43 = arith.constant 0 : index
      %get3A_44 = vector.load %arg6[%get3A_42, %get3A_43] : memref<128x64xf32, #tpu.memory_space<vmem>>, vector<128x64xf32>
      %dot_general3A = arith.constant dense<0.000000e+00> : vector<2000x64xf32>
      %dot_general3A_45 = tpu.matmul %max3A_41, %get3A_44, %dot_general3A {dimension_numbers = #tpu.dot_dimension_numbers<[1], [0], [0], [1], [0, 0, 1, 1], [], []>, transpose_lhs_hint = false} : vector<2000x128xf32>, vector<128x64xf32>, vector<2000x64xf32> -> vector<2000x64xf32>
      %mul3A_46 = vector.broadcast %get3A_1 : vector<2000x1xf32> to vector<2000x64xf32>
      %mul3A_47 = arith.mulf %dot_general3A_45, %mul3A_46 : vector<2000x64xf32>
      %swap3A = arith.constant 0 : index
      %swap3A_48 = arith.constant 0 : index
      %swap3A_49 = vector.load %arg7[%swap3A, %swap3A_48] : memref<2000x64xf32, #tpu.memory_space<vmem>>, vector<2000x64xf32>
      tpu.vector_store %arg7[%swap3A, %swap3A_48], %mul3A_47 {strides = array<i32>} : memref<2000x64xf32, #tpu.memory_space<vmem>>, vector<2000x64xf32>,
    } else {
    }
    return
  }
  func.func @transform_0(%arg0: i32, %arg1: i32) -> (i32, i32, i32) {
    %eq3A = arith.constant 0 : i32
    %eq3A_0 = arith.cmpi eq, %arg0, %eq3A : i32
    %jit3A = arith.constant 4 : i32
    %select_n3A = arith.select %eq3A_0, %arg1, %jit3A : i32
    %c0_i32 = arith.constant 0 : i32
    %c0_i32_1 = arith.constant 0 : i32
    %c0_i32_2 = arith.constant 0 : i32
    return %c0_i32, %select_n3A, %c0_i32_1 : i32, i32, i32
  }
  func.func @transform_1(%arg0: i32, %arg1: i32) -> (i32, i32) {
    %eq3A = arith.constant 0 : i32
    %eq3A_0 = arith.cmpi eq, %arg0, %eq3A : i32
    %jit3A = arith.constant 4 : i32
    %select_n3A = arith.select %eq3A_0, %arg1, %jit3A : i32
    %c0_i32 = arith.constant 0 : i32
    %c0_i32_1 = arith.constant 0 : i32
    return %select_n3A, %c0_i32 : i32, i32
  }
  func.func @transform_2(%arg0: i32, %arg1: i32) -> (i32, i32) {
    %c0_i32 = arith.constant 0 : i32
    %c0_i32_0 = arith.constant 0 : i32
    %c0_i32_1 = arith.constant 0 : i32
    return %c0_i32, %c0_i32_0 : i32, i32
  }
  func.func @transform_3(%arg0: i32, %arg1: i32) -> (i32, i32) {
    %c0_i32 = arith.constant 0 : i32
    %c0_i32_0 = arith.constant 0 : i32
    return %arg1, %c0_i32 : i32, i32
  }
  func.func @transform_4(%arg0: i32, %arg1: i32) -> (i32, i32) {
    %c0_i32 = arith.constant 0 : i32
    %c0_i32_0 = arith.constant 0 : i32
    %c0_i32_1 = arith.constant 0 : i32
    return %c0_i32, %c0_i32_0 : i32, i32
  }
  func.func @transform_5(%arg0: i32, %arg1: i32) -> (i32, i32) {
    %c0_i32 = arith.constant 0 : i32
    %c0_i32_0 = arith.constant 0 : i32
    return %arg1, %c0_i32 : i32, i32
  }
}

module attributes {stable_mosaic.version = 14 : i64} {
  func.func @body(%arg0: i32, %arg1: memref<2x2000x32xf32, #tpu.memory_space<vmem>>, %arg2: memref<2000x64xf32, #tpu.memory_space<vmem>>, %arg3: memref<1x64xf32, #tpu.memory_space<vmem>>, %arg4: memref<2000x1xf32, #tpu.memory_space<vmem>>, %arg5: memref<2000x64xf32, #tpu.memory_space<vmem>>) attributes {dimension_semantics = [#tpu.dimension_semantics<arbitrary>], iteration_bounds = array<i64: 5>, scalar_prefetch = 0 : i64, scratch_operands = 0 : i64, tpu.core_type = #tpu.core_type<tc>, window_params = [{transform_indices = @transform_0, window_bounds = array<i64: 2, 2000, 32>}, {transform_indices = @transform_1, window_bounds = array<i64: 2000, 64>}, {pipeline_mode = #tpu.pipeline_mode<synchronous>, transform_indices = @transform_2, window_bounds = array<i64: 1, 64>}, {transform_indices = @transform_3, window_bounds = array<i64: 2000, 1>}, {transform_indices = @transform_4, window_bounds = array<i64: 2000, 64>}]} {
    %get3A = arith.constant 0 : index
    %get3A_0 = arith.constant 0 : index
    %get3A_1 = arith.constant 0 : index
    %get3A_2 = vector.load %arg1[%get3A, %get3A_0, %get3A_1] : memref<2x2000x32xf32, #tpu.memory_space<vmem>>, vector<1x2000x32xf32>
    %get3A_3 = vector.shape_cast %get3A_2 : vector<1x2000x32xf32> to vector<2000x32xf32>
    %get3A_4 = arith.constant 1 : index
    %get3A_5 = arith.constant 0 : index
    %get3A_6 = arith.constant 0 : index
    %get3A_7 = vector.load %arg1[%get3A_4, %get3A_5, %get3A_6] : memref<2x2000x32xf32, #tpu.memory_space<vmem>>, vector<1x2000x32xf32>
    %get3A_8 = vector.shape_cast %get3A_7 : vector<1x2000x32xf32> to vector<2000x32xf32>
    %concatenate3A = tpu.concatenate %get3A_3, %get3A_8 in 1 : vector<2000x32xf32>, vector<2000x32xf32> -> vector<2000x64xf32>
    %get3A_9 = arith.constant 0 : index
    %get3A_10 = arith.constant 0 : index
    %get3A_11 = vector.load %arg4[%get3A_9, %get3A_10] : memref<2000x1xf32, #tpu.memory_space<vmem>>, vector<2000x1xf32>
    %get3A_12 = arith.constant 0 : index
    %get3A_13 = arith.constant 0 : index
    %get3A_14 = vector.load %arg2[%get3A_12, %get3A_13] : memref<2000x64xf32, #tpu.memory_space<vmem>>, vector<2000x64xf32>
    %add3A = arith.addf %concatenate3A, %get3A_14 : vector<2000x64xf32>
    %mul3A = vector.broadcast %get3A_11 : vector<2000x1xf32> to vector<2000x64xf32>
    %mul3A_15 = arith.mulf %mul3A, %add3A : vector<2000x64xf32>
    %get3A_16 = arith.constant 0 : index
    %get3A_17 = arith.constant 0 : index
    %get3A_18 = vector.load %arg3[%get3A_16, %get3A_17] : memref<1x64xf32, #tpu.memory_space<vmem>>, vector<1x64xf32>
    %add3A_19 = vector.broadcast %get3A_18 : vector<1x64xf32> to vector<2000x64xf32>
    %add3A_20 = arith.addf %mul3A_15, %add3A_19 : vector<2000x64xf32>
    %swap3A = arith.constant 0 : index
    %swap3A_21 = arith.constant 0 : index
    %swap3A_22 = vector.load %arg5[%swap3A, %swap3A_21] : memref<2000x64xf32, #tpu.memory_space<vmem>>, vector<2000x64xf32>
    tpu.vector_store %arg5[%swap3A, %swap3A_21], %add3A_20 {strides = array<i32>} : memref<2000x64xf32, #tpu.memory_space<vmem>>, vector<2000x64xf32>,
    return
  }
  func.func @transform_0(%arg0: i32) -> (i32, i32, i32) {
    %c0_i32 = arith.constant 0 : i32
    %c0_i32_0 = arith.constant 0 : i32
    %c0_i32_1 = arith.constant 0 : i32
    return %c0_i32, %arg0, %c0_i32_0 : i32, i32, i32
  }
  func.func @transform_1(%arg0: i32) -> (i32, i32) {
    %c0_i32 = arith.constant 0 : i32
    %c0_i32_0 = arith.constant 0 : i32
    return %arg0, %c0_i32 : i32, i32
  }
  func.func @transform_2(%arg0: i32) -> (i32, i32) {
    %c0_i32 = arith.constant 0 : i32
    %c0_i32_0 = arith.constant 0 : i32
    %c0_i32_1 = arith.constant 0 : i32
    return %c0_i32, %c0_i32_0 : i32, i32
  }
  func.func @transform_3(%arg0: i32) -> (i32, i32) {
    %c0_i32 = arith.constant 0 : i32
    %c0_i32_0 = arith.constant 0 : i32
    return %arg0, %c0_i32 : i32, i32
  }
  func.func @transform_4(%arg0: i32) -> (i32, i32) {
    %c0_i32 = arith.constant 0 : i32
    %c0_i32_0 = arith.constant 0 : i32
    return %arg0, %c0_i32 : i32, i32
  }
}

</mosaic_0001>

<sc_bundles>
// kernel: kernel.11.cloned.1.call-start
scs
__scs_entry_jumppad:
0x0: {  	(pc) =	sbr.rel $0x88, $3  }
0x1: {  	(tag) =	ssettag $0x0;
	lr =	simm.s32 $0x1  }
0x2: {  	[smem:$0x3F99] =	sst lr;
	_ =	strace $0xD0000000  }
0x3: {  	_ = 	snop  }
0x4: {  	_ = 	snop  }
0x5: {  	_ = 	snop  }
0x6: {  	_ = 	snop  }
0x7: {  	_ = 	snop  }
__scs_overlays_trampoline_lowered:
0x8: {  	[smem:$0x3FA8] =	sst s0  }
0x9: {  	[smem:$0x3FA9] =	sst s1  }
0xa: {  	[smem:$0x3FAA] =	sst s2  }
0xb: {  	[smem:$0x3FAB] =	sst s3  }
0xc: {  	[smem:$0x3FAC] =	sst s4  }
0xd: {  	[smem:$0x3FAD] =	sst s5  }
0xe: {  	[smem:$0x3FAE] =	sst s6  }
0xf: {  	[smem:$0x3FAF] =	sst s7  }
0x10: {  	[smem:$0x3FB0] =	sst s8  }
0x11: {  	[smem:$0x3FB1] =	sst s9;
	s0 =	simm.s32 @!p0 $0x0  }
0x12: {  	s1 =	sld [smem:$0x3F97];
	s0 =	simm.s32 @p0 $0x1  }
0x13: {  	[smem:$0x3FB2] =	sst s0;
	s0 =	simm.s32 @!p1 $0x0  }
0x14: {  	s2 =	sld [smem:$0x3F96];
	s0 =	simm.s32 @p1 $0x1  }
0x15: {  	[smem:$0x3FB3] =	sst s0;
	s0 =	simm.s32 @!p2 $0x0  }
0x16: {  	s3 =	sld [smem:$0x3FDB];
	s0 =	simm.s32 @p2 $0x1  }
0x17: {  	s4 =	simm.s32 $0x1BF5;
	[smem:$0x3FB5] =	sst s0  }
0x18: {  	s0 =	sld [smem:$0x3F98];
	_ =	swait.ge [sflag:s4], $0x0  }
0x19: {  	s7 =	sld [smem:$0x3F99]  }
0x1a: {  	s8 =	sadd.s32 $0xFFFFE003, lr  }
0x1b: {  	s9 =	sadd.s32 $0xFFFFFEF7, lr;
	s5 =	simm.s32 $0xFFFFFFFF;
	p2 =	slt.u32 s8, $0xFFFFF086  }
0x1c: {  	p1 =	slt.u32 s9, $0xF7A;
	s5 =	simm.s32 @!p2 $0x0  }
0x1d: {  	s5 =	simm.s32 @p1 $0x1;
	p0 =	seq.s32 s7, s2  }
0x1e: {  	s7 =	smul.u32 @!p0 $0xF7A, s2;
	p2 =	seq.s32 @!p0 s5, $0x0  }
0x1f: {  	s9 =	smul.u32 $0xF7A, s1;
	s8 =	simm.s32 @!p0 $0x1BF5;
	p2 =	por !p2, p0  }
0x20: {  	[sflag:s8] =	ssyncset.s32 @!p0 $0xFFFFF086;
	s6 =	sadd.s32 @!p0 s3, s7;
	s7 =	simm.s32 @!p0 $0x108  }
0x21: {  	s3 =	sadd.s32 s3, s9;
	s6 =	sadd.s32 @!p0 $0x88, s6;
	s7 =	simm.s32 @p2 $0x1082  }
0x22: {  	[simem:s7], [sflag:s8] =	dma.local @!p0 [hbm:s6], $0xF7A  }
0x23: {  	s9 =	sor.u32 $0xD0000000, s2;
	s6 =	simm.s32 $0x108;
	_ =	swait.ge @!p0 [sflag:s8], $0x0  }
0x24: {  	s3 =	sadd.s32 $0x88, s3;
	s6 =	simm.s32 @!p1 $0x1082;
	[sflag:s4] =	ssyncset.s32 $0xFFFFF086  }
0x25: {  	[simem:s6], [sflag:s4] =	dma.local [hbm:s3], $0xF7A  }
0x26: {  	[smem:$0x3F99] =	sst s1;
	(tag) =	ssettag s2;
	_ =	strace s9  }
0x27: {  	s1 =	sld [smem:$0x3FA9]  }
0x28: {  	s2 =	sld [smem:$0x3FAA]  }
0x29: {  	s4 =	sld [smem:$0x3FAC]  }
0x2a: {  	p0 =	seq.s32 s5, $0x0;
	s5 =	sld [smem:$0x3FAD]  }
0x2b: {  	s6 =	sld [smem:$0x3FAE]  }
0x2c: {  	s7 =	sld [smem:$0x3FAF]  }
0x2d: {  	s3 =	simm.s32 $0x108;
	s8 =	sld [smem:$0x3FB0]  }
0x2e: {  	s3 =	simm.s32 @!p0 $0x1082;
	s9 =	sld [smem:$0x3FB1]  }
0x2f: {  	lr =	sadd.s32 s0, s3;
	s0 =	sld [smem:$0x3FA8]  }
0x30: {  	s3 =	sld [smem:$0x3FAB]  }
0x31: {  	[smem:$0x3FB4] =	sst s10  }
0x32: {  	s10 =	sld [smem:$0x3FB2];
	_ =	sdelay $0x3  }
0x33: {  	p0 =	seq.s32 s10, $0x1;
	s10 =	sld [smem:$0x3FB4];
	_ =	sdelay $0x3  }
0x34: {  	[smem:$0x3FB4] =	sst s10  }
0x35: {  	s10 =	sld [smem:$0x3FB3];
	_ =	sdelay $0x3  }
0x36: {  	p1 =	seq.s32 s10, $0x1;
	s10 =	sld [smem:$0x3FB4];
	_ =	sdelay $0x3  }
0x37: {  	[smem:$0x3FB4] =	sst s10  }
0x38: {  	s10 =	sld [smem:$0x3FB5]  }
0x39: {  	_ = 	snop;
	(pc) =	sbr.ind lr, $3  }
0x3a: {  	_ = 	snop  }
0x3b: {  	_ = 	snop  }
0x3c: {  	p2 =	seq.s32 s10, $0x1;
	s10 =	sld [smem:$0x3FB4]  }
0x3d: {  	_ =	shalt  }
0x3e: {  	_ =	shalt  }
0x3f: {  	_ =	shalt  }
0x40: {  	_ =	shalt  }
0x41: {  	_ =	shalt  }
0x42: {  	_ =	shalt  }
0x43: {  	_ =	shalt  }
0x44: {  	_ =	shalt  }
0x45: {  	_ =	shalt  }
0x46: {  	_ =	shalt  }
0x47: {  	_ =	shalt  }
0x48: {  	_ =	shalt  }
0x49: {  	_ =	shalt  }
0x4a: {  	_ =	shalt  }
0x4b: {  	_ =	shalt  }
0x4c: {  	_ =	shalt  }
0x4d: {  	_ =	shalt  }
0x4e: {  	_ =	shalt  }
0x4f: {  	_ =	shalt  }
0x50: {  	_ =	shalt  }
0x51: {  	_ =	shalt  }
0x52: {  	_ =	shalt  }
0x53: {  	_ =	shalt  }
0x54: {  	_ =	shalt  }
0x55: {  	_ =	shalt  }
0x56: {  	_ =	shalt  }
0x57: {  	_ =	shalt  }
0x58: {  	_ =	shalt  }
0x59: {  	_ =	shalt  }
0x5a: {  	_ =	shalt  }
0x5b: {  	_ =	shalt  }
0x5c: {  	_ =	shalt  }
0x5d: {  	_ =	shalt  }
0x5e: {  	_ =	shalt  }
0x5f: {  	_ =	shalt  }
0x60: {  	_ =	shalt  }
0x61: {  	_ =	shalt  }
0x62: {  	_ =	shalt  }
0x63: {  	_ =	shalt  }
0x64: {  	_ =	shalt  }
0x65: {  	_ =	shalt  }
0x66: {  	_ =	shalt  }
0x67: {  	_ =	shalt  }
0x68: {  	_ =	shalt  }
0x69: {  	_ =	shalt  }
0x6a: {  	_ =	shalt  }
0x6b: {  	_ =	shalt  }
0x6c: {  	_ =	shalt  }
0x6d: {  	_ =	shalt  }
0x6e: {  	_ =	shalt  }
0x6f: {  	_ =	shalt  }
0x70: {  	_ =	shalt  }
0x71: {  	_ =	shalt  }
0x72: {  	_ =	shalt  }
0x73: {  	_ =	shalt  }
0x74: {  	_ =	shalt  }
0x75: {  	_ =	shalt  }
0x76: {  	_ =	shalt  }
0x77: {  	_ =	shalt  }
0x78: {  	_ =	shalt  }
0x79: {  	_ =	shalt  }
0x7a: {  	_ =	shalt  }
0x7b: {  	_ =	shalt  }
0x7c: {  	_ =	shalt  }
0x7d: {  	_ =	shalt  }
0x7e: {  	_ =	shalt  }
0x7f: {  	_ =	shalt  }
0x80: {  	_ =	shalt  }
0x81: {  	_ =	shalt  }
0x82: {  	_ =	shalt  }
0x83: {  	_ =	shalt  }
0x84: {  	_ =	shalt  }
0x85: {  	_ =	shalt  }
0x86: {  	_ =	shalt  }
0x87: {  	_ =	shalt  }
.Lfunc_end0:
.L_simem_size_0:
called_computation_lowered:
.L_overlay_start_0:
0x88: {  	s2 =	sld [smem:$0x3FD9]  }
0x89: {  	s3 =	sld [smem:$0x3FFE];
	_ =	sdelay $0x1  }
0x8a: {  	s1 =	srdreg.scid  }
0x8b: {  	s0 =	sand.u32 $0x1, s1  }
0x8c: {  	s17 =	sshll.u32 s0, $0xA;
	s2 =	sadd.s32 s3, s2  }
0x8d: {  	s2 =	sadd.s32 s2, s17  }
0x8e: {  	[smem:$0x3FC0] =	sst s2  }
0x8f: {  	_ = 	snop  }
0x90: {  	s2 =	sld [smem:$0x3FD0];
	(tm) =	ssettm $0x1  }
0x91: {  	s18 =	sld [smem:$0x3FFB];
	_ =	sdelay $0x3  }
0x92: {  	_ =	strace s18  }
0x93: {  	s3 =	sld [smem:$0x3FFC];
	_ =	sdelay $0x3  }
0x94: {  	_ =	strace s3  }
0x95: {  	s3 =	sld [smem:$0x3FFD];
	_ =	sdelay $0x3  }
0x96: {  	_ =	strace s3  }
0x97: {  	_ =	strace $0x8FFFFFFF  }
0x98: {  	s19 =	sld [smem:$0x3FDB];
	_ =	sdelay $0x1  }
0x99: {  	s4 =	simm.s32 $_scs_section_size  }
0x9a: {  	s5 =	simm.s32 $_size__tile_overlayer_lowered;
	s6 =	simm.s32 $_tile_overlayer_lowered  }
0x9b: {  	s22 =	simm.s32 $0x1BFF;
	s21 =	sshll.u32 s6, $0x1;
	s3 =	sadd.s32 s4, s19  }
0x9c: {  	s7 =	simm.s32 $0x0;
	s20 =	sshll.u32 s5, $0x1;
	s5 =	sadd.s32 s21, s3  }
0x9d: {  	[timem:s7], [sflag:s22] =	dma.local [hbm:s5], s20  }
0x9e: {  	_ =	swait.ge [sflag:s22], s20  }
0x9f: {  	s4 =	ssub.s32 $0x0, s20;
	[sflag:s22] =	ssyncset.done $0x0  }
0xa0: {  	[sflag:s22] =	ssyncadd.s32 s4;
	_ =	sdelay $0x1  }
0xa1: {  	s23 =	simm.s32 $0x1B8B  }
0xa2: {  	_ =	swait.ge [sflag:s23], $0x1  }
0xa3: {  	[sflag:s23] =	ssyncset.done $0x0  }
0xa4: {  	s25 =	simm.s32 $0x1B8E;
	s24 =	sld [smem:$0x3FFE];
	[sflag:s23] =	ssyncadd.s32 $0xFFFFFFFF  }
0xa5: {  	s26 =	simm.s32 $execute0_lowered;
	[smem:$0x3FD2] =	sst s25  }
0xa6: {  	s5 =	sshll.u32 s26, $0x1;
	_ =	strace $0x80000046;
	[dreg:$0x1] =	wrdreg $0xFFFFFFFF  }
0xa7: {  	s28 =	simm.s32 $_size_execute0_lowered;
	s3 =	sadd.s32 s3, s5;
	[dreg:$0x0] =	wrdreg $0x0  }
0xa8: {  	s5 =	sshll.u32 s28, $0x1;
	[dreg:$0x2] =	wrdreg s3  }
0xa9: {  	[dreg:$0x3] =	wrdreg s5  }
0xaa: {  	[dreg:$0x4] =	wrdreg $0xC0  }
0xab: {  	_ =	task [dreg:s7], $0x5FFFF  }
0xac: {  	[dreg:$0x1] =	wrdreg $0xFFFFFFFF  }
0xad: {  	[dreg:$0x0] =	wrdreg $0x60  }
0xae: {  	[dreg:$0x2] =	wrdreg s24  }
0xaf: {  	[dreg:$0x3] =	wrdreg s2  }
0xb0: {  	[dreg:$0x4] =	wrdreg $0x28800  }
0xb1: {  	[dreg:$0x5] =	wrdreg $0x9  }
0xb2: {  	_ =	task.clear_ibuf [dreg:s7], $0x6FFFF;
	_ =	strace $0x90000046  }
0xb3: {  	s29 =	simm.s32 $0x9;
	_ =	strace $0x80000048  }
0xb4: {  	_ =	swait.ge [sflag:s29], $0x1  }
0xb5: {  	[sflag:s29] =	ssyncadd.s32 $0xFFFFFFFF  }
0xb6: {  	_ =	strace $0x90000048  }
0xb7: {  	_ =	sfence  }
0xb8: {  	s30 =	sld [smem:$0x0];
	_ =	sdelay $0x2  }
0xb9: {  	s31 =	sshll.u32 s1, $0xD;
	s1 =	sshrl.u32 s1, $0x2  }
0xba: {  	s3 =	sand.u32 $0x4000, s31;
	s1 =	sadd.s32 s1, s30  }
0xbb: {  	s0 =	sor.u32 s3, s0;
	s1 =	sshll.u32 s1, $0x11  }
0xbc: {  	s0 =	sor.u32 s1, s0  }
0xbd: {  	s0 =	sadd.s32 $0x8F2B, s0  }
0xbe: {  	[sflag:s0] =	ssyncadd.remote.s32 $0x1  }
0xbf: {  	_ =	sfence.sel $0xFFFF  }
0xc0: {  	[dreg:$0x0] =	wrdreg $0xFFFFFFFF;
	(pc) =	sbr.abs _section_cstart, $3  }
0xc1: {  	[dreg:$0x1] =	wrdreg $0xFFFFFFFF  }
0xc2: {  	_ =	task.clear_ibuf [dreg:s7], $0x2FFFF;
	_ =	strace $0x9FFFFFFF  }
0xc3: {  	(tm) =	ssettm $0x7FFFFFFF  }
tec
execute0_lowered:
.L_overlay_start_1:
0x0: {  	(tag) =	ssettag $0x1  }
0x1: {  	s4 =	rddreg [dreg:$0x0]  }
0x2: {  	s1 =	srdreg.scid;
	s7 =	rddreg [dreg:$0x1]  }
0x3: {  	s0 =	stileid.u32;
	s2 =	rddreg [dreg:$0x2]  }
0x4: {  	s3 =	simm.s32 $0x0;
	s12 =	simm.s32 $0x2800;
	s13 =	simm.s32 $0x20  }
0x5: {  	s14 =	simm.s32 $0x10;
	s15 =	simm.s32 $0x0;
	s6 =	smul.u32 $0x5000, s0  }
0x6: {  	s5 =	sand.u32 $0x1, s1;
	s1 =	rddreg [dreg:$0x3];
	s9 =	smul.u32 $0xA00, s0  }
0x7: {  	[smem:$0x7FF] =	sst s3;
	s11 =	smul.u32 $0x500, s0;
	s30 =	sshll.u32 s0, $0x6  }
0x8: {  	s8 =	smul.u32 $0x2800, s5;
	_ =	strace $0x80000047;
	s29 =	ssub.s32 $0x2, s5  }
0x9: {  	s5 =	sshll.u32 s5, $0x7;
	s10 =	sshrl.u32 s29, $0x1;
	s9 =	sshrl.u32 s9, $0x2  }
0xa: {  	s11 =	sor.u32 s5, s11;
	s5 =	sor.u32 $0x1C01, s30;
	s6 =	sadd.s32 s8, s6  }
0xb: {  	s8 =	ssub.s32 s29, s10;
	s9 =	sadd.s32 s9, s2;
	s31 =	sshrl.u32 s11, $0x3  }
0xc: {  	s10 =	simm.s32 $0x1;
	s11 =	simm.s32 $0x80;
	s6 =	sshrl.u32 s6, $0x3  }
0xd: {  	s7 =	sadd.s32 s7, s31;
	s8 =	smax.u32 s8, $0x1;
	s6 =	sadd.s32 s6, s4  }
0xe: {  	v0 =	vimm.f32 $1.000000000e+00;
	s9 =	sshrl.u32 s9, $0x3;
	s4 =	sadd.s32 $0xC000, s4;
	s6 =	sadd.s32 $0x2000, s6  }
.LBB2_1:
0xf: {  	[tilespmem:$0x2800] =	vst v0  }
0x10: {  	[tilespmem:$0x2810] =	vst v0  }
0x11: {  	[tilespmem:$0x2820] =	vst v0  }
0x12: {  	[tilespmem:$0x2830] =	vst v0  }
0x13: {  	[tilespmem:$0x2840] =	vst v0  }
0x14: {  	[tilespmem:$0x2850] =	vst v0  }
0x15: {  	[tilespmem:$0x2860] =	vst v0  }
0x16: {  	[tilespmem:$0x2870] =	vst v0  }
0x17: {  	[spmem:s9], [sflag:s5] =	dma.local [hbm:s4], $0x50  }
0x18: {  	_ =	swait.ge [sflag:s10], $0x50  }
0x19: {  	[sflag:s10] =	ssyncset.done $0x0  }
0x1a: {  	[sflag:s10] =	ssyncadd.s32 $0xFFFFFFB0  }
0x1b: {  	[bflag:$0x0] =	sbarrier.arrive $0xFFFF  }
0x1c: {  	[tilespmem:s3], [sflag:$0x1] =	stream.linear.gather [hbm4b:s6+s3], $0x2800, $0x38;
	[tilespmem:$0x2B00] =	vst v63  }
0x1d: {  	_ =	swait.ge [sflag:s10], $0x2800  }
0x1e: {  	[sflag:s10] =	ssyncset.done $0x0  }
0x1f: {  	s16 =	simm.s32 $0x0;
	[sflag:s10] =	ssyncadd.s32 $0xFFFFD800  }
0x20: {  	[spmem:s2] =	stream.indirect.scatter.add.f32 [tilespmem:s12], [sflag:$0x1], $0x1, s16, s11, $0xb8;
	[tilespmem:$0x2B00] =	vst v63  }
0x21: {  	_ =	swait.ge [sflag:s10], $0x80  }
0x22: {  	s16 =	simm.s32 $0x200;
	[sflag:s10] =	ssyncset.done $0x0  }
.LBB2_2:
0x23: {  	s17 =	sshra.s32 s16, $0x2;
	[sflag:s10] =	ssyncadd.s32 $0xFFFFFF80;
	p0 =	sne.s32 s16, $0x9E00  }
0x24: {  	[spmem:s2] =	stream.indirect.scatter.add.f32 [tilespmem:s12], [sflag:$0x1], $0x1, s17, s11, $0xb8;
	[tilespmem:$0x2B00] =	vst v63  }
.Ltmp0:
0x25: {  	_ = 	snop;
	(pc) =	sbr.rel @p0 .LBB2_2-.Ltmp0, $4  }
0x26: {  	_ = 	snop  }
0x27: {  	s16 =	sadd.s32 $0x200, s16  }
0x28: {  	_ =	swait.ge [sflag:s10], $0x80  }
0x29: {  	[sflag:s10] =	ssyncset.done $0x0  }
0x2a: {  	s15 =	sadd.s32 $0x1, s15  }
0x2b: {  	[sflag:s10] =	ssyncadd.s32 $0xFFFFFF80;
	p0 =	sne.s32 s15, s8  }
.Ltmp1:
0x2c: {  	[bflag:$0x0] =	sbarrier.arrive $0xFFFF;
	(pc) =	sbr.rel @p0 .LBB2_1-.Ltmp1, $4  }
0x2d: {  	[hbm:s7@s13], [sflag:s5] =	dma.strided [spmem:s9@s14], $0x50, s10, $0x10   }
0x2e: {  	_ =	swait.ge [sflag:s10], $0x50  }
0x2f: {  	[sflag:s10] =	ssyncset.done $0x0  }
0x30: {  	[sflag:s10] =	ssyncadd.s32 $0xFFFFFFB0  }
0x31: {  	_ =	sfence.sel $0x180000  }
0x32: {  	[bflag:$0x0] =	sbarrier.arrive $0xFFFF  }
0x33: {  	p0 =	sne.s32 s0, $0x0;
	_ =	strace $0x90000047  }
0x34: {  	s0 =	sadd.s32 @!p0 $0x100000, s1;
	[bflag:$0x2] =	sbarrier.arrive $0xFFFF  }
0x35: {  	[sflag:s0] =	ssyncadd.tile.s32 @!p0 $0x1;
	_ =	shalt  }
.Lfunc_end2:
_tile_overlayer_lowered:
.L_overlay_start_2:
0x36: {  	(tag) =	ssettag $0x2  }
0x37: {  	s0 =	rddreg [dreg:$0x0];
	s2 =	stileid.u32  }
0x38: {  	s1 =	rddreg [dreg:$0x1];
	p0 =	sne.s32 s2, $0x0  }
0x39: {  	s3 =	rddreg [dreg:$0x2];
	[bflag:$0x3] =	sbarrier.arrive $0xFFFF;
	s2 =	simm.s32 @!p0 $0x1C01  }
0x3a: {  	[timem:s3], [sflag:s2] =	dma.local @!p0 [hbm:s0], s1  }
0x3b: {  	s0 =	simm.s32 @!p0 $0x1  }
0x3c: {  	_ =	swait.ge @!p0 [sflag:s0], s1  }
0x3d: {  	s1 =	ssub.s32 @!p0 $0x0, s1;
	[sflag:s0] =	ssyncset.done @!p0 $0x0  }
0x3e: {  	[sflag:s0] =	ssyncadd.s32 @!p0 s1  }
0x3f: {  	[bflag:$0x3] =	sbarrier.arrive $0xFFFF  }
0x40: {  	_ =	shalt  }

// kernel: kernel.14.cloned.1.call-start
scs
__scs_entry_jumppad:
0x0: {  	(pc) =	sbr.rel $0x88, $3  }
0x1: {  	(tag) =	ssettag $0x0;
	lr =	simm.s32 $0x1  }
0x2: {  	[smem:$0x3F99] =	sst lr;
	_ =	strace $0xD0000000  }
0x3: {  	_ = 	snop  }
0x4: {  	_ = 	snop  }
0x5: {  	_ = 	snop  }
0x6: {  	_ = 	snop  }
0x7: {  	_ = 	snop  }
__scs_overlays_trampoline_lowered:
0x8: {  	[smem:$0x3FA8] =	sst s0  }
0x9: {  	[smem:$0x3FA9] =	sst s1  }
0xa: {  	[smem:$0x3FAA] =	sst s2  }
0xb: {  	[smem:$0x3FAB] =	sst s3  }
0xc: {  	[smem:$0x3FAC] =	sst s4  }
0xd: {  	[smem:$0x3FAD] =	sst s5  }
0xe: {  	[smem:$0x3FAE] =	sst s6  }
0xf: {  	[smem:$0x3FAF] =	sst s7  }
0x10: {  	[smem:$0x3FB0] =	sst s8  }
0x11: {  	[smem:$0x3FB1] =	sst s9;
	s0 =	simm.s32 @!p0 $0x0  }
0x12: {  	s1 =	sld [smem:$0x3F97];
	s0 =	simm.s32 @p0 $0x1  }
0x13: {  	[smem:$0x3FB2] =	sst s0;
	s0 =	simm.s32 @!p1 $0x0  }
0x14: {  	s2 =	sld [smem:$0x3F96];
	s0 =	simm.s32 @p1 $0x1  }
0x15: {  	[smem:$0x3FB3] =	sst s0;
	s0 =	simm.s32 @!p2 $0x0  }
0x16: {  	s3 =	sld [smem:$0x3FDB];
	s0 =	simm.s32 @p2 $0x1  }
0x17: {  	s4 =	simm.s32 $0x1BF5;
	[smem:$0x3FB5] =	sst s0  }
0x18: {  	s0 =	sld [smem:$0x3F98];
	_ =	swait.ge [sflag:s4], $0x0  }
0x19: {  	s7 =	sld [smem:$0x3F99]  }
0x1a: {  	s8 =	sadd.s32 $0xFFFFE003, lr  }
0x1b: {  	s9 =	sadd.s32 $0xFFFFFEF7, lr;
	s5 =	simm.s32 $0xFFFFFFFF;
	p2 =	slt.u32 s8, $0xFFFFF086  }
0x1c: {  	p1 =	slt.u32 s9, $0xF7A;
	s5 =	simm.s32 @!p2 $0x0  }
0x1d: {  	s5 =	simm.s32 @p1 $0x1;
	p0 =	seq.s32 s7, s2  }
0x1e: {  	s7 =	smul.u32 @!p0 $0xF7A, s2;
	p2 =	seq.s32 @!p0 s5, $0x0  }
0x1f: {  	s9 =	smul.u32 $0xF7A, s1;
	s8 =	simm.s32 @!p0 $0x1BF5;
	p2 =	por !p2, p0  }
0x20: {  	[sflag:s8] =	ssyncset.s32 @!p0 $0xFFFFF086;
	s6 =	sadd.s32 @!p0 s3, s7;
	s7 =	simm.s32 @!p0 $0x108  }
0x21: {  	s3 =	sadd.s32 s3, s9;
	s6 =	sadd.s32 @!p0 $0x88, s6;
	s7 =	simm.s32 @p2 $0x1082  }
0x22: {  	[simem:s7], [sflag:s8] =	dma.local @!p0 [hbm:s6], $0xF7A  }
0x23: {  	s9 =	sor.u32 $0xD0000000, s2;
	s6 =	simm.s32 $0x108;
	_ =	swait.ge @!p0 [sflag:s8], $0x0  }
0x24: {  	s3 =	sadd.s32 $0x88, s3;
	s6 =	simm.s32 @!p1 $0x1082;
	[sflag:s4] =	ssyncset.s32 $0xFFFFF086  }
0x25: {  	[simem:s6], [sflag:s4] =	dma.local [hbm:s3], $0xF7A  }
0x26: {  	[smem:$0x3F99] =	sst s1;
	(tag) =	ssettag s2;
	_ =	strace s9  }
0x27: {  	s1 =	sld [smem:$0x3FA9]  }
0x28: {  	s2 =	sld [smem:$0x3FAA]  }
0x29: {  	s4 =	sld [smem:$0x3FAC]  }
0x2a: {  	p0 =	seq.s32 s5, $0x0;
	s5 =	sld [smem:$0x3FAD]  }
0x2b: {  	s6 =	sld [smem:$0x3FAE]  }
0x2c: {  	s7 =	sld [smem:$0x3FAF]  }
0x2d: {  	s3 =	simm.s32 $0x108;
	s8 =	sld [smem:$0x3FB0]  }
0x2e: {  	s3 =	simm.s32 @!p0 $0x1082;
	s9 =	sld [smem:$0x3FB1]  }
0x2f: {  	lr =	sadd.s32 s0, s3;
	s0 =	sld [smem:$0x3FA8]  }
0x30: {  	s3 =	sld [smem:$0x3FAB]  }
0x31: {  	[smem:$0x3FB4] =	sst s10  }
0x32: {  	s10 =	sld [smem:$0x3FB2];
	_ =	sdelay $0x3  }
0x33: {  	p0 =	seq.s32 s10, $0x1;
	s10 =	sld [smem:$0x3FB4];
	_ =	sdelay $0x3  }
0x34: {  	[smem:$0x3FB4] =	sst s10  }
0x35: {  	s10 =	sld [smem:$0x3FB3];
	_ =	sdelay $0x3  }
0x36: {  	p1 =	seq.s32 s10, $0x1;
	s10 =	sld [smem:$0x3FB4];
	_ =	sdelay $0x3  }
0x37: {  	[smem:$0x3FB4] =	sst s10  }
0x38: {  	s10 =	sld [smem:$0x3FB5]  }
0x39: {  	_ = 	snop;
	(pc) =	sbr.ind lr, $3  }
0x3a: {  	_ = 	snop  }
0x3b: {  	_ = 	snop  }
0x3c: {  	p2 =	seq.s32 s10, $0x1;
	s10 =	sld [smem:$0x3FB4]  }
0x3d: {  	_ =	shalt  }
0x3e: {  	_ =	shalt  }
0x3f: {  	_ =	shalt  }
0x40: {  	_ =	shalt  }
0x41: {  	_ =	shalt  }
0x42: {  	_ =	shalt  }
0x43: {  	_ =	shalt  }
0x44: {  	_ =	shalt  }
0x45: {  	_ =	shalt  }
0x46: {  	_ =	shalt  }
0x47: {  	_ =	shalt  }
0x48: {  	_ =	shalt  }
0x49: {  	_ =	shalt  }
0x4a: {  	_ =	shalt  }
0x4b: {  	_ =	shalt  }
0x4c: {  	_ =	shalt  }
0x4d: {  	_ =	shalt  }
0x4e: {  	_ =	shalt  }
0x4f: {  	_ =	shalt  }
0x50: {  	_ =	shalt  }
0x51: {  	_ =	shalt  }
0x52: {  	_ =	shalt  }
0x53: {  	_ =	shalt  }
0x54: {  	_ =	shalt  }
0x55: {  	_ =	shalt  }
0x56: {  	_ =	shalt  }
0x57: {  	_ =	shalt  }
0x58: {  	_ =	shalt  }
0x59: {  	_ =	shalt  }
0x5a: {  	_ =	shalt  }
0x5b: {  	_ =	shalt  }
0x5c: {  	_ =	shalt  }
0x5d: {  	_ =	shalt  }
0x5e: {  	_ =	shalt  }
0x5f: {  	_ =	shalt  }
0x60: {  	_ =	shalt  }
0x61: {  	_ =	shalt  }
0x62: {  	_ =	shalt  }
0x63: {  	_ =	shalt  }
0x64: {  	_ =	shalt  }
0x65: {  	_ =	shalt  }
0x66: {  	_ =	shalt  }
0x67: {  	_ =	shalt  }
0x68: {  	_ =	shalt  }
0x69: {  	_ =	shalt  }
0x6a: {  	_ =	shalt  }
0x6b: {  	_ =	shalt  }
0x6c: {  	_ =	shalt  }
0x6d: {  	_ =	shalt  }
0x6e: {  	_ =	shalt  }
0x6f: {  	_ =	shalt  }
0x70: {  	_ =	shalt  }
0x71: {  	_ =	shalt  }
0x72: {  	_ =	shalt  }
0x73: {  	_ =	shalt  }
0x74: {  	_ =	shalt  }
0x75: {  	_ =	shalt  }
0x76: {  	_ =	shalt  }
0x77: {  	_ =	shalt  }
0x78: {  	_ =	shalt  }
0x79: {  	_ =	shalt  }
0x7a: {  	_ =	shalt  }
0x7b: {  	_ =	shalt  }
0x7c: {  	_ =	shalt  }
0x7d: {  	_ =	shalt  }
0x7e: {  	_ =	shalt  }
0x7f: {  	_ =	shalt  }
0x80: {  	_ =	shalt  }
0x81: {  	_ =	shalt  }
0x82: {  	_ =	shalt  }
0x83: {  	_ =	shalt  }
0x84: {  	_ =	shalt  }
0x85: {  	_ =	shalt  }
0x86: {  	_ =	shalt  }
0x87: {  	_ =	shalt  }
.Lfunc_end0:
.L_simem_size_0:
called_computation.1_lowered:
.L_overlay_start_0:
0x88: {  	s2 =	sld [smem:$0x3FD9]  }
0x89: {  	s3 =	sld [smem:$0x3FFE];
	_ =	sdelay $0x1  }
0x8a: {  	s1 =	srdreg.scid  }
0x8b: {  	s0 =	sand.u32 $0x1, s1  }
0x8c: {  	s17 =	sshll.u32 s0, $0xA;
	s2 =	sadd.s32 s3, s2  }
0x8d: {  	s2 =	sadd.s32 s2, s17  }
0x8e: {  	[smem:$0x3FC0] =	sst s2  }
0x8f: {  	_ = 	snop  }
0x90: {  	s2 =	sld [smem:$0x3FD0];
	(tm) =	ssettm $0x1  }
0x91: {  	s18 =	sld [smem:$0x3FFB];
	_ =	sdelay $0x3  }
0x92: {  	_ =	strace s18  }
0x93: {  	s3 =	sld [smem:$0x3FFC];
	_ =	sdelay $0x3  }
0x94: {  	_ =	strace s3  }
0x95: {  	s3 =	sld [smem:$0x3FFD];
	_ =	sdelay $0x3  }
0x96: {  	_ =	strace s3  }
0x97: {  	_ =	strace $0x8FFFFFFF  }
0x98: {  	s19 =	sld [smem:$0x3FDB];
	_ =	sdelay $0x1  }
0x99: {  	s4 =	simm.s32 $_scs_section_size  }
0x9a: {  	s5 =	simm.s32 $_size__tile_overlayer_lowered;
	s6 =	simm.s32 $_tile_overlayer_lowered  }
0x9b: {  	s22 =	simm.s32 $0x1BFF;
	s21 =	sshll.u32 s6, $0x1;
	s3 =	sadd.s32 s4, s19  }
0x9c: {  	s7 =	simm.s32 $0x0;
	s20 =	sshll.u32 s5, $0x1;
	s5 =	sadd.s32 s21, s3  }
0x9d: {  	[timem:s7], [sflag:s22] =	dma.local [hbm:s5], s20  }
0x9e: {  	_ =	swait.ge [sflag:s22], s20  }
0x9f: {  	s4 =	ssub.s32 $0x0, s20;
	[sflag:s22] =	ssyncset.done $0x0  }
0xa0: {  	[sflag:s22] =	ssyncadd.s32 s4;
	_ =	sdelay $0x1  }
0xa1: {  	s23 =	simm.s32 $0x1B8B  }
0xa2: {  	_ =	swait.ge [sflag:s23], $0x1  }
0xa3: {  	[sflag:s23] =	ssyncset.done $0x0  }
0xa4: {  	s25 =	simm.s32 $0x1B8E;
	s24 =	sld [smem:$0x3FFE];
	[sflag:s23] =	ssyncadd.s32 $0xFFFFFFFF  }
0xa5: {  	s26 =	simm.s32 $execute0_lowered;
	[smem:$0x3FD2] =	sst s25  }
0xa6: {  	s5 =	sshll.u32 s26, $0x1;
	_ =	strace $0x80000049;
	[dreg:$0x1] =	wrdreg $0xFFFFFFFF  }
0xa7: {  	s28 =	simm.s32 $_size_execute0_lowered;
	s3 =	sadd.s32 s3, s5;
	[dreg:$0x0] =	wrdreg $0x0  }
0xa8: {  	s5 =	sshll.u32 s28, $0x1;
	[dreg:$0x2] =	wrdreg s3  }
0xa9: {  	[dreg:$0x3] =	wrdreg s5  }
0xaa: {  	[dreg:$0x4] =	wrdreg $0xC0  }
0xab: {  	_ =	task [dreg:s7], $0x5FFFF  }
0xac: {  	[dreg:$0x1] =	wrdreg $0xFFFFFFFF  }
0xad: {  	[dreg:$0x0] =	wrdreg $0x60  }
0xae: {  	[dreg:$0x2] =	wrdreg s24  }
0xaf: {  	[dreg:$0x3] =	wrdreg s2  }
0xb0: {  	[dreg:$0x4] =	wrdreg $0x13C400  }
0xb1: {  	[dreg:$0x5] =	wrdreg $0xA0000  }
0xb2: {  	[dreg:$0x6] =	wrdreg $0x9  }
0xb3: {  	_ =	task.clear_ibuf [dreg:s7], $0x7FFFF;
	_ =	strace $0x90000049  }
0xb4: {  	s29 =	simm.s32 $0x9;
	_ =	strace $0x8000004B  }
0xb5: {  	_ =	swait.ge [sflag:s29], $0x1  }
0xb6: {  	[sflag:s29] =	ssyncadd.s32 $0xFFFFFFFF  }
0xb7: {  	_ =	strace $0x9000004B  }
0xb8: {  	_ =	sfence  }
0xb9: {  	s30 =	sld [smem:$0x0];
	_ =	sdelay $0x2  }
0xba: {  	s31 =	sshll.u32 s1, $0xD;
	s1 =	sshrl.u32 s1, $0x2  }
0xbb: {  	s3 =	sand.u32 $0x4000, s31;
	s1 =	sadd.s32 s1, s30  }
0xbc: {  	s0 =	sor.u32 s3, s0;
	s1 =	sshll.u32 s1, $0x11  }
0xbd: {  	s0 =	sor.u32 s1, s0  }
0xbe: {  	s0 =	sadd.s32 $0x8F2B, s0  }
0xbf: {  	[sflag:s0] =	ssyncadd.remote.s32 $0x1  }
0xc0: {  	_ =	sfence.sel $0xFFFF  }
0xc1: {  	[dreg:$0x0] =	wrdreg $0xFFFFFFFF;
	(pc) =	sbr.abs _section_cstart, $3  }
0xc2: {  	[dreg:$0x1] =	wrdreg $0xFFFFFFFF  }
0xc3: {  	_ =	task.clear_ibuf [dreg:s7], $0x2FFFF;
	_ =	strace $0x9FFFFFFF  }
0xc4: {  	(tm) =	ssettm $0x7FFFFFFF  }
0xc5: {  	_ =	shalt  }
tec
execute0_lowered:
.L_overlay_start_1:
0x0: {  	(tag) =	ssettag $0x1  }
0x1: {  	s0 =	rddreg [dreg:$0x0]  }
0x2: {  	s3 =	rddreg [dreg:$0x2]  }
0x3: {  	s4 =	rddreg [dreg:$0x3]  }
0x4: {  	s1 =	srdreg.scid;
	s10 =	stileid.u32  }
0x5: {  	s13 =	simm.s32 $0x0;
	s14 =	simm.s32 $0x9;
	s16 =	simm.s32 $0x1  }
0x6: {  	s17 =	simm.s32 $0x8;
	s19 =	simm.s32 $0x1000;
	s20 =	simm.s32 $0x80  }
0x7: {  	s21 =	simm.s32 $0x2000;
	s22 =	simm.s32 $0x4000;
	s28 =	simm.s32 $0x2  }
0x8: {  	s30 =	simm.s32 $0x5;
	s18 =	simm.s32 $0x280;
	s11 =	simm.s32 $0x1180  }
0x9: {  	s12 =	simm.s32 $0x7;
	s15 =	simm.s32 $0x300;
	s2 =	smul.u32 $0x13880, s10  }
0xa: {  	s1 =	sand.u32 $0x1, s1;
	s8 =	smul.u32 $0xA000, s10;
	[smem:$0x7FF] =	sst s13  }
0xb: {  	s6 =	sadd.s32 $0xC200, s0;
	s9 =	smul.u32 $0x27100, s10;
	s7 =	sadd.s32 $0x2000, s0  }
0xc: {  	s25 =	sshll.u32 s10, $0x6;
	s10 =	smul.u32 $0x5000, s10;
	s5 =	sshll.u32 s1, $0x6  }
0xd: {  	s23 =	smul.u32 $0xA0000, s1;
	_ =	strace $0x8000004A;
	s1 =	ssub.s32 $0x2, s1  }
0xe: {  	s2 =	sor.u32 s5, s2;
	s24 =	sshrl.u32 s1, $0x1;
	s9 =	sshrl.u32 s9, $0x2  }
0xf: {  	s2 =	sshrl.u32 s2, $0x3;
	s5 =	sadd.s32 s8, s23;
	s1 =	ssub.s32 s1, s24  }
0x10: {  	s8 =	sadd.s32 s8, s3;
	s23 =	sor.u32 $0x1C09, s25;
	s26 =	sadd.s32 s9, s4  }
0x11: {  	s24 =	simm.s32 $0x6000;
	s9 =	simm.s32 $0x4;
	s2 =	sadd.s32 s2, s0  }
0x12: {  	s5 =	sshrl.u32 s5, $0x3;
	s29 =	smax.u32 s1, $0x1;
	[dreg:$0x6] =	wrdreg s23  }
.Ltmp0:
0x13: {  	s31 =	sshrl.u32 s26, $0x3;
	[dreg:$0x9] =	wrdreg s29;
	(pc) =	sbr.rel .LBB2_1-.Ltmp0, $4  }
0x14: {  	s8 =	sshrl.u32 s8, $0x3;
	s26 =	simm.s32 $0x8000;
	[dreg:$0xb] =	wrdreg s31  }
0x15: {  	s0 =	sadd.s32 s5, s0;
	s2 =	sadd.s32 $0x16200, s2;
	[dreg:$0xa] =	wrdreg s8  }
0x16: {  	s1 =	simm.s32 $0x1100;
	[dreg:$0x7] =	wrdreg s2;
	s0 =	sadd.s32 $0x3D400, s0  }
0x17: {  	s2 =	simm.s32 $0x6;
	[dreg:$0x8] =	wrdreg s0;
	s0 =	simm.s32 $0x3  }
.LBB2_6:
0x18: {  	[bflag:$0x0] =	sbarrier.arrive $0xFFFF  }
0x19: {  	s23 =	rddreg [dreg:$0x6]  }
0x1a: {  	s5 =	rddreg [dreg:$0x8]  }
0x1b: {  	s8 =	rddreg [dreg:$0xa]  }
0x1c: {  	[hbm:s5], [sflag:s23] =	dma.local [spmem:s8], $0x1400  }
0x1d: {  	_ =	swait.ge [sflag:s14], $0x1400  }
0x1e: {  	s13 =	rddreg [dreg:$0x5]  }
0x1f: {  	s31 =	rddreg [dreg:$0x9];
	s13 =	sadd.s32 $0x1, s13  }
0x20: {  	p0 =	sne.s32 s13, s31  }
.Ltmp1:
0x21: {  	_ = 	snop;
	(pc) =	sbr.rel @!p0 .LBB2_7-.Ltmp1, $3  }
0x22: {  	_ =	sdelay $0x1  }
0x23: {  	[sflag:s14] =	ssyncset.done $0x0  }
0x24: {  	[sflag:s14] =	ssyncadd.s32 $0xFFFFEC00  }
.LBB2_1:
0x25: {  	[dreg:$0x5] =	wrdreg s13  }
0x26: {  	s5 =	rddreg [dreg:$0x1]  }
0x27: {  	[spmem:s8], [sflag:s23] =	dma.local [hbm:s5], $0x1400  }
0x28: {  	_ =	swait.ge [sflag:s14], $0x1400  }
0x29: {  	[sflag:s14] =	ssyncset.done $0x0;
	s25 =	rddreg [dreg:$0x7]  }
0x2a: {  	s31 =	simm.s32 $0x10;
	s29 =	rddreg [dreg:$0xb];
	[sflag:s14] =	ssyncadd.s32 $0xFFFFEC00  }
0x2b: {  	[spmem:s29@s17], [sflag:s23] =	dma.strided [hbm:s25@s31], $0x1388, s16, $0x8   }
.Ltmp2:
0x2c: {  	_ =	swait.ge [sflag:s14], $0x1388;
	(pc) =	sbr.rel .LBB2_2-.Ltmp2, $4  }
0x2d: {  	[sflag:s14] =	ssyncset.done $0x0  }
0x2e: {  	[sflag:s14] =	ssyncadd.s32 $0xFFFFEC78  }
0x2f: {  	[bflag:$0x0] =	sbarrier.arrive $0xFFFF  }
0x30: {  	s13 =	simm.s32 $0x0  }
.LBB2_5:
0x31: {  	s13 =	sadd.s32 $0x1, s13  }
0x32: {  	p0 =	sne.s32 s13, $0x5  }
.Ltmp3:
0x33: {  	_ = 	snop;
	(pc) =	sbr.rel @!p0 .LBB2_6-.Ltmp3, $4  }
0x34: {  	_ = 	snop  }
0x35: {  	_ =	swait.ge [sflag:s17], $0x2000  }
0x36: {  	[sflag:s17] =	ssyncset.done $0x0  }
0x37: {  	[sflag:s17] =	ssyncadd.s32 $0xFFFFE000  }
.LBB2_2:
0x38: {  	s5 =	sshll.u32 s13, $0xC  }
0x39: {  	s5 =	sadd.s32 s10, s5  }
0x3a: {  	s5 =	sshrl.u32 s5, $0x3  }
0x3b: {  	s8 =	simm.s32 $0x0;
	s23 =	sadd.s32 s6, s5  }
0x3c: {  	[tilespmem:s8], [sflag:$0x9] =	stream.linear.gather [hbm4b:s23+s8], $0x1000, $0x38;
	[tilespmem:$0x1DC40] =	vst v63  }
0x3d: {  	_ =	swait.ge [sflag:s14], $0x1000  }
0x3e: {  	[sflag:s14] =	ssyncset.done $0x0  }
0x3f: {  	s5 =	sadd.s32 s7, s5;
	[sflag:s14] =	ssyncadd.s32 $0xFFFFF000  }
0x40: {  	[tilespmem:s19], [sflag:$0x9] =	stream.linear.gather [hbm4b:s5+s8], $0x1000, $0x38;
	[tilespmem:$0x1DC40] =	vst v63  }
0x41: {  	_ =	swait.ge [sflag:s14], $0x1000  }
0x42: {  	[sflag:s14] =	ssyncset.done $0x0  }
0x43: {  	[sflag:s14] =	ssyncadd.s32 $0xFFFFF000  }
0x44: {  	[tilespmem:s21], [sflag:$0x1] =	stream.indirect.gather [spmem:s4], $0x40, s8, s20, $0xb8;
	[tilespmem:$0x1DC40] =	vst v63  }
0x45: {  	_ = 	snop  }
0x46: {  	[tilespmem:s22], [sflag:$0x2] =	stream.indirect.gather [spmem:s4], $0x40, s20, s20, $0xb8;
	[tilespmem:$0x1DC40] =	vst v63  }
0x47: {  	s23 =	simm.s32 $0x100  }
0x48: {  	[tilespmem:s24], [sflag:$0x3] =	stream.indirect.gather [spmem:s4], $0x40, s23, s20, $0xb8;
	[tilespmem:$0x1DC40] =	vst v63  }
0x49: {  	_ =	swait.ge [sflag:s16], $0x2000  }
0x4a: {  	[sflag:s16] =	ssyncset.done $0x0  }
0x4b: {  	[sflag:s16] =	ssyncadd.s32 $0xFFFFE000  }
0x4c: {  	[spmem:s3] =	stream.indirect.scatter.add.f32 [tilespmem:s21], [sflag:$0x5], $0x40, s19, s20, $0xb8;
	[tilespmem:$0x1DC40] =	vst v63  }
0x4d: {  	s25 =	simm.s32 $0x180  }
0x4e: {  	[tilespmem:s26], [sflag:$0x4] =	stream.indirect.gather [spmem:s4], $0x40, s25, s20, $0xb8;
	[tilespmem:$0x1DC40] =	vst v63  }
0x4f: {  	_ =	swait.ge [sflag:s28], $0x2000  }
0x50: {  	[sflag:s28] =	ssyncset.done $0x0  }
0x51: {  	s29 =	simm.s32 $0x1080;
	[sflag:s28] =	ssyncadd.s32 $0xFFFFE000  }
0x52: {  	[spmem:s3] =	stream.indirect.scatter.add.f32 [tilespmem:s22], [sflag:$0x6], $0x40, s29, s20, $0xb8;
	[tilespmem:$0x1DC40] =	vst v63  }
0x53: {  	_ =	swait.ge [sflag:s30], $0x2000  }
0x54: {  	[sflag:s30] =	ssyncset.done $0x0  }
0x55: {  	s31 =	simm.s32 $0x200;
	[sflag:s30] =	ssyncadd.s32 $0xFFFFE000  }
0x56: {  	[tilespmem:s21], [sflag:$0x1] =	stream.indirect.gather [spmem:s4], $0x40, s31, s20, $0xb8;
	[tilespmem:$0x1DC40] =	vst v63  }
0x57: {  	_ =	swait.ge [sflag:s0], $0x2000  }
0x58: {  	[sflag:s0] =	ssyncset.done $0x0  }
0x59: {  	[sflag:s0] =	ssyncadd.s32 $0xFFFFE000  }
0x5a: {  	[spmem:s3] =	stream.indirect.scatter.add.f32 [tilespmem:s24], [sflag:$0x7], $0x40, s1, s20, $0xb8;
	[tilespmem:$0x1DC40] =	vst v63  }
0x5b: {  	_ =	swait.ge [sflag:s2], $0x2000  }
0x5c: {  	[sflag:s2] =	ssyncset.done $0x0  }
0x5d: {  	[sflag:s2] =	ssyncadd.s32 $0xFFFFE000  }
0x5e: {  	[tilespmem:s22], [sflag:$0x2] =	stream.indirect.gather [spmem:s4], $0x40, s18, s20, $0xb8;
	[tilespmem:$0x1DC40] =	vst v63  }
0x5f: {  	_ =	swait.ge [sflag:s9], $0x2000  }
0x60: {  	[sflag:s9] =	ssyncset.done $0x0  }
0x61: {  	[sflag:s9] =	ssyncadd.s32 $0xFFFFE000  }
0x62: {  	[spmem:s3] =	stream.indirect.scatter.add.f32 [tilespmem:s26], [sflag:$0x8], $0x40, s11, s20, $0xb8;
	[tilespmem:$0x1DC40] =	vst v63  }
0x63: {  	_ =	swait.ge [sflag:s12], $0x2000  }
0x64: {  	[sflag:s12] =	ssyncset.done $0x0  }
0x65: {  	[sflag:s12] =	ssyncadd.s32 $0xFFFFE000  }
0x66: {  	[tilespmem:s24], [sflag:$0x3] =	stream.indirect.gather [spmem:s4], $0x40, s15, s20, $0xb8;
	[tilespmem:$0x1DC40] =	vst v63  }
.LBB2_3:
0x67: {  	_ =	swait.ge [sflag:s16], $0x2000  }
0x68: {  	s5 =	sshra.s32 s8, $0x2;
	[sflag:s16] =	ssyncset.done $0x0  }
0x69: {  	s23 =	sadd.s32 $0x1200, s5;
	[sflag:s16] =	ssyncadd.s32 $0xFFFFE000  }
0x6a: {  	[spmem:s3] =	stream.indirect.scatter.add.f32 [tilespmem:s21], [sflag:$0x5], $0x40, s23, s20, $0xb8;
	[tilespmem:$0x1DC40] =	vst v63  }
0x6b: {  	_ =	swait.ge [sflag:s17], $0x2000  }
0x6c: {  	[sflag:s17] =	ssyncset.done $0x0  }
0x6d: {  	s25 =	sadd.s32 $0x380, s5;
	[sflag:s17] =	ssyncadd.s32 $0xFFFFE000  }
0x6e: {  	[tilespmem:s26], [sflag:$0x4] =	stream.indirect.gather [spmem:s4], $0x40, s25, s20, $0xb8;
	[tilespmem:$0x1DC40] =	vst v63  }
0x6f: {  	_ =	swait.ge [sflag:s28], $0x2000  }
0x70: {  	[sflag:s28] =	ssyncset.done $0x0  }
0x71: {  	s29 =	sadd.s32 $0x1280, s5;
	[sflag:s28] =	ssyncadd.s32 $0xFFFFE000  }
0x72: {  	[spmem:s3] =	stream.indirect.scatter.add.f32 [tilespmem:s22], [sflag:$0x6], $0x40, s29, s20, $0xb8;
	[tilespmem:$0x1DC40] =	vst v63  }
0x73: {  	_ =	swait.ge [sflag:s30], $0x2000  }
0x74: {  	p0 =	seq.s32 s8, $0x3000;
	[sflag:s30] =	ssyncset.done $0x0  }
0x75: {  	s23 =	simm.s32 @p0 $0x3;
	[sflag:s30] =	ssyncadd.s32 $0xFFFFE000  }
0x76: {  	_ =	swait.ge @p0 [sflag:s23], $0x2000  }
0x77: {  	[sflag:s23] =	ssyncset.done @p0 $0x0  }
0x78: {  	[sflag:s23] =	ssyncadd.s32 @p0 $0xFFFFE000;
	s23 =	sshra.s32 @p0 s8, $0x2  }
0x79: {  	s25 =	simm.s32 @p0 $0x80;
	s29 =	simm.s32 @p0 $0x6000;
	s23 =	sadd.s32 @p0 $0x1300, s23  }
0x7a: {  	[spmem:s3] =	stream.indirect.scatter.add.f32 @p0 [tilespmem:s29], [sflag:$0x7], $0x40, s23, s25, $0xb8;
	[tilespmem:$0x1DC40] =	vst v63  }
0x7b: {  	s23 =	simm.s32 @p0 $0x6  }
0x7c: {  	_ =	swait.ge @p0 [sflag:s23], $0x2000  }
0x7d: {  	[sflag:s23] =	ssyncset.done @p0 $0x0  }
0x7e: {  	[sflag:s23] =	ssyncadd.s32 @p0 $0xFFFFE000;
	s23 =	sshra.s32 @!p0 s8, $0x2  }
0x7f: {  	s31 =	simm.s32 @!p0 $0x2000;
	s29 =	simm.s32 @!p0 $0x80;
	s25 =	sadd.s32 @!p0 $0x400, s23  }
0x80: {  	[tilespmem:s31], [sflag:$0x1] =	stream.indirect.gather @!p0 [spmem:s4], $0x40, s25, s29, $0xb8;
	[tilespmem:$0x1DC40] =	vst v63  }
0x81: {  	s25 =	simm.s32 @!p0 $0x3  }
0x82: {  	_ =	swait.ge @!p0 [sflag:s25], $0x2000  }
0x83: {  	[sflag:s25] =	ssyncset.done @!p0 $0x0  }
0x84: {  	s31 =	simm.s32 @!p0 $0x6000;
	[sflag:s25] =	ssyncadd.s32 @!p0 $0xFFFFE000;
	s25 =	sadd.s32 @!p0 $0x1300, s23  }
0x85: {  	[spmem:s3] =	stream.indirect.scatter.add.f32 @!p0 [tilespmem:s31], [sflag:$0x7], $0x40, s25, s29, $0xb8;
	[tilespmem:$0x1DC40] =	vst v63  }
0x86: {  	s25 =	simm.s32 @!p0 $0x6  }
0x87: {  	_ =	swait.ge @!p0 [sflag:s25], $0x2000  }
0x88: {  	[sflag:s25] =	ssyncset.done @!p0 $0x0  }
0x89: {  	s23 =	sadd.s32 @!p0 $0x480, s23;
	[sflag:s25] =	ssyncadd.s32 @!p0 $0xFFFFE000;
	s25 =	simm.s32 @!p0 $0x4000  }
0x8a: {  	[tilespmem:s25], [sflag:$0x2] =	stream.indirect.gather @!p0 [spmem:s4], $0x40, s23, s29, $0xb8;
	[tilespmem:$0x1DC40] =	vst v63  }
0x8b: {  	_ =	swait.ge [sflag:s9], $0x2000  }
0x8c: {  	[sflag:s9] =	ssyncset.done $0x0  }
.Ltmp4:
0x8d: {  	s31 =	sadd.s32 $0x1380, s5;
	[sflag:s9] =	ssyncadd.s32 $0xFFFFE000;
	(pc) =	sbr.rel @p0 .LBB2_5-.Ltmp4, $4  }
0x8e: {  	[spmem:s3] =	stream.indirect.scatter.add.f32 [tilespmem:s26], [sflag:$0x8], $0x40, s31, s20, $0xb8;
	[tilespmem:$0x1DC40] =	vst v63  }
0x8f: {  	_ =	swait.ge [sflag:s12], $0x2000  }
0x90: {  	[sflag:s12] =	ssyncset.done $0x0  }
0x91: {  	[sflag:s12] =	ssyncadd.s32 $0xFFFFE000  }
.Ltmp5:
0x92: {  	(pc) =	sbr.rel .LBB2_3-.Ltmp5, $3  }
0x93: {  	_ =	sdelay $0x1  }
0x94: {  	s5 =	sadd.s32 $0x500, s5;
	s8 =	sadd.s32 $0x800, s8  }
0x95: {  	[tilespmem:s24], [sflag:$0x3] =	stream.indirect.gather [spmem:s4], $0x40, s5, s20, $0xb8;
	[tilespmem:$0x1DC40] =	vst v63  }
.LBB2_7:
0x96: {  	_ =	sfence.sel $0x180000  }
0x97: {  	[bflag:$0x0] =	sbarrier.arrive $0xFFFF  }
0x98: {  	_ =	strace $0x9000004A  }
0x99: {  	s0 =	stileid.u32;
	[bflag:$0x2] =	sbarrier.arrive $0xFFFF  }
0x9a: {  	p0 =	sne.s32 s0, $0x0;
	s0 =	rddreg [dreg:$0x4]  }
0x9b: {  	s0 =	sadd.s32 @!p0 $0x100000, s0  }
0x9c: {  	[sflag:s0] =	ssyncadd.tile.s32 @!p0 $0x1;
	_ =	shalt  }
.Lfunc_end2:
_tile_overlayer_lowered:
.L_overlay_start_2:
0x9d: {  	(tag) =	ssettag $0x2  }
0x9e: {  	s0 =	rddreg [dreg:$0x0];
	s2 =	stileid.u32  }
0x9f: {  	s1 =	rddreg [dreg:$0x1];
	p0 =	sne.s32 s2, $0x0  }
0xa0: {  	s3 =	rddreg [dreg:$0x2];
	[bflag:$0x3] =	sbarrier.arrive $0xFFFF;
	s2 =	simm.s32 @!p0 $0x1C09  }
0xa1: {  	[timem:s3], [sflag:s2] =	dma.local @!p0 [hbm:s0], s1  }
0xa2: {  	s0 =	simm.s32 @!p0 $0x9  }
0xa3: {  	_ =	swait.ge @!p0 [sflag:s0], s1  }
0xa4: {  	s1 =	ssub.s32 @!p0 $0x0, s1;
	[sflag:s0] =	ssyncset.done @!p0 $0x0  }
0xa5: {  	[sflag:s0] =	ssyncadd.s32 @!p0 s1  }
0xa6: {  	[bflag:$0x3] =	sbarrier.arrive $0xFFFF  }
0xa7: {  	_ =	shalt  }

// kernel: kernel.17.cloned.1.call-start
scs
__scs_entry_jumppad:
0x0: {  	(pc) =	sbr.rel $0x88, $3  }
0x1: {  	(tag) =	ssettag $0x0;
	lr =	simm.s32 $0x1  }
0x2: {  	[smem:$0x3F99] =	sst lr;
	_ =	strace $0xD0000000  }
0x3: {  	_ = 	snop  }
0x4: {  	_ = 	snop  }
0x5: {  	_ = 	snop  }
0x6: {  	_ = 	snop  }
0x7: {  	_ = 	snop  }
__scs_overlays_trampoline_lowered:
0x8: {  	[smem:$0x3FA8] =	sst s0  }
0x9: {  	[smem:$0x3FA9] =	sst s1  }
0xa: {  	[smem:$0x3FAA] =	sst s2  }
0xb: {  	[smem:$0x3FAB] =	sst s3  }
0xc: {  	[smem:$0x3FAC] =	sst s4  }
0xd: {  	[smem:$0x3FAD] =	sst s5  }
0xe: {  	[smem:$0x3FAE] =	sst s6  }
0xf: {  	[smem:$0x3FAF] =	sst s7  }
0x10: {  	[smem:$0x3FB0] =	sst s8  }
0x11: {  	[smem:$0x3FB1] =	sst s9;
	s0 =	simm.s32 @!p0 $0x0  }
0x12: {  	s1 =	sld [smem:$0x3F97];
	s0 =	simm.s32 @p0 $0x1  }
0x13: {  	[smem:$0x3FB2] =	sst s0;
	s0 =	simm.s32 @!p1 $0x0  }
0x14: {  	s2 =	sld [smem:$0x3F96];
	s0 =	simm.s32 @p1 $0x1  }
0x15: {  	[smem:$0x3FB3] =	sst s0;
	s0 =	simm.s32 @!p2 $0x0  }
0x16: {  	s3 =	sld [smem:$0x3FDB];
	s0 =	simm.s32 @p2 $0x1  }
0x17: {  	s4 =	simm.s32 $0x1BF5;
	[smem:$0x3FB5] =	sst s0  }
0x18: {  	s0 =	sld [smem:$0x3F98];
	_ =	swait.ge [sflag:s4], $0x0  }
0x19: {  	s7 =	sld [smem:$0x3F99]  }
0x1a: {  	s8 =	sadd.s32 $0xFFFFE003, lr  }
0x1b: {  	s9 =	sadd.s32 $0xFFFFFEF7, lr;
	s5 =	simm.s32 $0xFFFFFFFF;
	p2 =	slt.u32 s8, $0xFFFFF086  }
0x1c: {  	p1 =	slt.u32 s9, $0xF7A;
	s5 =	simm.s32 @!p2 $0x0  }
0x1d: {  	s5 =	simm.s32 @p1 $0x1;
	p0 =	seq.s32 s7, s2  }
0x1e: {  	s7 =	smul.u32 @!p0 $0xF7A, s2;
	p2 =	seq.s32 @!p0 s5, $0x0  }
0x1f: {  	s9 =	smul.u32 $0xF7A, s1;
	s8 =	simm.s32 @!p0 $0x1BF5;
	p2 =	por !p2, p0  }
0x20: {  	[sflag:s8] =	ssyncset.s32 @!p0 $0xFFFFF086;
	s6 =	sadd.s32 @!p0 s3, s7;
	s7 =	simm.s32 @!p0 $0x108  }
0x21: {  	s3 =	sadd.s32 s3, s9;
	s6 =	sadd.s32 @!p0 $0x88, s6;
	s7 =	simm.s32 @p2 $0x1082  }
0x22: {  	[simem:s7], [sflag:s8] =	dma.local @!p0 [hbm:s6], $0xF7A  }
0x23: {  	s9 =	sor.u32 $0xD0000000, s2;
	s6 =	simm.s32 $0x108;
	_ =	swait.ge @!p0 [sflag:s8], $0x0  }
0x24: {  	s3 =	sadd.s32 $0x88, s3;
	s6 =	simm.s32 @!p1 $0x1082;
	[sflag:s4] =	ssyncset.s32 $0xFFFFF086  }
0x25: {  	[simem:s6], [sflag:s4] =	dma.local [hbm:s3], $0xF7A  }
0x26: {  	[smem:$0x3F99] =	sst s1;
	(tag) =	ssettag s2;
	_ =	strace s9  }
0x27: {  	s1 =	sld [smem:$0x3FA9]  }
0x28: {  	s2 =	sld [smem:$0x3FAA]  }
0x29: {  	s4 =	sld [smem:$0x3FAC]  }
0x2a: {  	p0 =	seq.s32 s5, $0x0;
	s5 =	sld [smem:$0x3FAD]  }
0x2b: {  	s6 =	sld [smem:$0x3FAE]  }
0x2c: {  	s7 =	sld [smem:$0x3FAF]  }
0x2d: {  	s3 =	simm.s32 $0x108;
	s8 =	sld [smem:$0x3FB0]  }
0x2e: {  	s3 =	simm.s32 @!p0 $0x1082;
	s9 =	sld [smem:$0x3FB1]  }
0x2f: {  	lr =	sadd.s32 s0, s3;
	s0 =	sld [smem:$0x3FA8]  }
0x30: {  	s3 =	sld [smem:$0x3FAB]  }
0x31: {  	[smem:$0x3FB4] =	sst s10  }
0x32: {  	s10 =	sld [smem:$0x3FB2];
	_ =	sdelay $0x3  }
0x33: {  	p0 =	seq.s32 s10, $0x1;
	s10 =	sld [smem:$0x3FB4];
	_ =	sdelay $0x3  }
0x34: {  	[smem:$0x3FB4] =	sst s10  }
0x35: {  	s10 =	sld [smem:$0x3FB3];
	_ =	sdelay $0x3  }
0x36: {  	p1 =	seq.s32 s10, $0x1;
	s10 =	sld [smem:$0x3FB4];
	_ =	sdelay $0x3  }
0x37: {  	[smem:$0x3FB4] =	sst s10  }
0x38: {  	s10 =	sld [smem:$0x3FB5]  }
0x39: {  	_ = 	snop;
	(pc) =	sbr.ind lr, $3  }
0x3a: {  	_ = 	snop  }
0x3b: {  	_ = 	snop  }
0x3c: {  	p2 =	seq.s32 s10, $0x1;
	s10 =	sld [smem:$0x3FB4]  }
0x3d: {  	_ =	shalt  }
0x3e: {  	_ =	shalt  }
0x3f: {  	_ =	shalt  }
0x40: {  	_ =	shalt  }
0x41: {  	_ =	shalt  }
0x42: {  	_ =	shalt  }
0x43: {  	_ =	shalt  }
0x44: {  	_ =	shalt  }
0x45: {  	_ =	shalt  }
0x46: {  	_ =	shalt  }
0x47: {  	_ =	shalt  }
0x48: {  	_ =	shalt  }
0x49: {  	_ =	shalt  }
0x4a: {  	_ =	shalt  }
0x4b: {  	_ =	shalt  }
0x4c: {  	_ =	shalt  }
0x4d: {  	_ =	shalt  }
0x4e: {  	_ =	shalt  }
0x4f: {  	_ =	shalt  }
0x50: {  	_ =	shalt  }
0x51: {  	_ =	shalt  }
0x52: {  	_ =	shalt  }
0x53: {  	_ =	shalt  }
0x54: {  	_ =	shalt  }
0x55: {  	_ =	shalt  }
0x56: {  	_ =	shalt  }
0x57: {  	_ =	shalt  }
0x58: {  	_ =	shalt  }
0x59: {  	_ =	shalt  }
0x5a: {  	_ =	shalt  }
0x5b: {  	_ =	shalt  }
0x5c: {  	_ =	shalt  }
0x5d: {  	_ =	shalt  }
0x5e: {  	_ =	shalt  }
0x5f: {  	_ =	shalt  }
0x60: {  	_ =	shalt  }
0x61: {  	_ =	shalt  }
0x62: {  	_ =	shalt  }
0x63: {  	_ =	shalt  }
0x64: {  	_ =	shalt  }
0x65: {  	_ =	shalt  }
0x66: {  	_ =	shalt  }
0x67: {  	_ =	shalt  }
0x68: {  	_ =	shalt  }
0x69: {  	_ =	shalt  }
0x6a: {  	_ =	shalt  }
0x6b: {  	_ =	shalt  }
0x6c: {  	_ =	shalt  }
0x6d: {  	_ =	shalt  }
0x6e: {  	_ =	shalt  }
0x6f: {  	_ =	shalt  }
0x70: {  	_ =	shalt  }
0x71: {  	_ =	shalt  }
0x72: {  	_ =	shalt  }
0x73: {  	_ =	shalt  }
0x74: {  	_ =	shalt  }
0x75: {  	_ =	shalt  }
0x76: {  	_ =	shalt  }
0x77: {  	_ =	shalt  }
0x78: {  	_ =	shalt  }
0x79: {  	_ =	shalt  }
0x7a: {  	_ =	shalt  }
0x7b: {  	_ =	shalt  }
0x7c: {  	_ =	shalt  }
0x7d: {  	_ =	shalt  }
0x7e: {  	_ =	shalt  }
0x7f: {  	_ =	shalt  }
0x80: {  	_ =	shalt  }
0x81: {  	_ =	shalt  }
0x82: {  	_ =	shalt  }
0x83: {  	_ =	shalt  }
0x84: {  	_ =	shalt  }
0x85: {  	_ =	shalt  }
0x86: {  	_ =	shalt  }
0x87: {  	_ =	shalt  }
.Lfunc_end0:
.L_simem_size_0:
called_computation.2_lowered:
.L_overlay_start_0:
0x88: {  	s2 =	sld [smem:$0x3FD9]  }
0x89: {  	s3 =	sld [smem:$0x3FFE];
	_ =	sdelay $0x1  }
0x8a: {  	s1 =	srdreg.scid  }
0x8b: {  	s0 =	sand.u32 $0x1, s1  }
0x8c: {  	s17 =	sshll.u32 s0, $0xA;
	s2 =	sadd.s32 s3, s2  }
0x8d: {  	s2 =	sadd.s32 s2, s17  }
0x8e: {  	[smem:$0x3FC0] =	sst s2  }
0x8f: {  	_ = 	snop  }
0x90: {  	s2 =	sld [smem:$0x3FD0];
	(tm) =	ssettm $0x1  }
0x91: {  	s18 =	sld [smem:$0x3FFB];
	_ =	sdelay $0x3  }
0x92: {  	_ =	strace s18  }
0x93: {  	s3 =	sld [smem:$0x3FFC];
	_ =	sdelay $0x3  }
0x94: {  	_ =	strace s3  }
0x95: {  	s3 =	sld [smem:$0x3FFD];
	_ =	sdelay $0x3  }
0x96: {  	_ =	strace s3  }
0x97: {  	_ =	strace $0x8FFFFFFF  }
0x98: {  	s19 =	sld [smem:$0x3FDB];
	_ =	sdelay $0x1  }
0x99: {  	s4 =	simm.s32 $_scs_section_size  }
0x9a: {  	s5 =	simm.s32 $_size__tile_overlayer_lowered;
	s6 =	simm.s32 $_tile_overlayer_lowered  }
0x9b: {  	s22 =	simm.s32 $0x1BFF;
	s21 =	sshll.u32 s6, $0x1;
	s3 =	sadd.s32 s4, s19  }
0x9c: {  	s7 =	simm.s32 $0x0;
	s20 =	sshll.u32 s5, $0x1;
	s5 =	sadd.s32 s21, s3  }
0x9d: {  	[timem:s7], [sflag:s22] =	dma.local [hbm:s5], s20  }
0x9e: {  	_ =	swait.ge [sflag:s22], s20  }
0x9f: {  	s4 =	ssub.s32 $0x0, s20;
	[sflag:s22] =	ssyncset.done $0x0  }
0xa0: {  	[sflag:s22] =	ssyncadd.s32 s4;
	_ =	sdelay $0x1  }
0xa1: {  	s23 =	simm.s32 $0x1B8B  }
0xa2: {  	_ =	swait.ge [sflag:s23], $0x1  }
0xa3: {  	[sflag:s23] =	ssyncset.done $0x0  }
0xa4: {  	s25 =	simm.s32 $0x1B8E;
	s24 =	sld [smem:$0x3FFE];
	[sflag:s23] =	ssyncadd.s32 $0xFFFFFFFF  }
0xa5: {  	s26 =	simm.s32 $execute0_lowered;
	[smem:$0x3FD2] =	sst s25  }
0xa6: {  	s5 =	sshll.u32 s26, $0x1;
	_ =	strace $0x8000004C;
	[dreg:$0x1] =	wrdreg $0xFFFFFFFF  }
0xa7: {  	s28 =	simm.s32 $_size_execute0_lowered;
	s3 =	sadd.s32 s3, s5;
	[dreg:$0x0] =	wrdreg $0x0  }
0xa8: {  	s5 =	sshll.u32 s28, $0x1;
	[dreg:$0x2] =	wrdreg s3  }
0xa9: {  	[dreg:$0x3] =	wrdreg s5  }
0xaa: {  	[dreg:$0x4] =	wrdreg $0xC0  }
0xab: {  	_ =	task [dreg:s7], $0x5FFFF  }
0xac: {  	[dreg:$0x1] =	wrdreg $0xFFFFFFFF  }
0xad: {  	[dreg:$0x0] =	wrdreg $0x60  }
0xae: {  	[dreg:$0x2] =	wrdreg s24  }
0xaf: {  	[dreg:$0x3] =	wrdreg s2  }
0xb0: {  	[dreg:$0x4] =	wrdreg $0x13C400  }
0xb1: {  	[dreg:$0x5] =	wrdreg $0xA0000  }
0xb2: {  	[dreg:$0x6] =	wrdreg $0x9  }
0xb3: {  	_ =	task.clear_ibuf [dreg:s7], $0x7FFFF;
	_ =	strace $0x9000004C  }
0xb4: {  	s29 =	simm.s32 $0x9;
	_ =	strace $0x8000004E  }
0xb5: {  	_ =	swait.ge [sflag:s29], $0x1  }
0xb6: {  	[sflag:s29] =	ssyncadd.s32 $0xFFFFFFFF  }
0xb7: {  	_ =	strace $0x9000004E  }
0xb8: {  	_ =	sfence  }
0xb9: {  	s30 =	sld [smem:$0x0];
	_ =	sdelay $0x2  }
0xba: {  	s31 =	sshll.u32 s1, $0xD;
	s1 =	sshrl.u32 s1, $0x2  }
0xbb: {  	s3 =	sand.u32 $0x4000, s31;
	s1 =	sadd.s32 s1, s30  }
0xbc: {  	s0 =	sor.u32 s3, s0;
	s1 =	sshll.u32 s1, $0x11  }
0xbd: {  	s0 =	sor.u32 s1, s0  }
0xbe: {  	s0 =	sadd.s32 $0x8F2B, s0  }
0xbf: {  	[sflag:s0] =	ssyncadd.remote.s32 $0x1  }
0xc0: {  	_ =	sfence.sel $0xFFFF  }
0xc1: {  	[dreg:$0x0] =	wrdreg $0xFFFFFFFF;
	(pc) =	sbr.abs _section_cstart, $3  }
0xc2: {  	[dreg:$0x1] =	wrdreg $0xFFFFFFFF  }
0xc3: {  	_ =	task.clear_ibuf [dreg:s7], $0x2FFFF;
	_ =	strace $0x9FFFFFFF  }
0xc4: {  	(tm) =	ssettm $0x7FFFFFFF  }
0xc5: {  	_ =	shalt  }
tec
execute0_lowered:
.L_overlay_start_1:
0x0: {  	(tag) =	ssettag $0x1  }
0x1: {  	s0 =	rddreg [dreg:$0x0]  }
0x2: {  	s3 =	rddreg [dreg:$0x2]  }
0x3: {  	s4 =	rddreg [dreg:$0x3]  }
0x4: {  	s1 =	srdreg.scid;
	s10 =	stileid.u32  }
0x5: {  	s13 =	simm.s32 $0x0;
	s14 =	simm.s32 $0x9;
	s16 =	simm.s32 $0x1  }
0x6: {  	s17 =	simm.s32 $0x8;
	s19 =	simm.s32 $0x1000;
	s20 =	simm.s32 $0x80  }
0x7: {  	s21 =	simm.s32 $0x2000;
	s22 =	simm.s32 $0x4000;
	s28 =	simm.s32 $0x2  }
0x8: {  	s30 =	simm.s32 $0x5;
	s18 =	simm.s32 $0x280;
	s11 =	simm.s32 $0x1180  }
0x9: {  	s12 =	simm.s32 $0x7;
	s15 =	simm.s32 $0x300;
	s2 =	smul.u32 $0x13880, s10  }
0xa: {  	s1 =	sand.u32 $0x1, s1;
	s8 =	smul.u32 $0xA000, s10;
	[smem:$0x7FF] =	sst s13  }
0xb: {  	s6 =	sadd.s32 $0xC200, s0;
	s9 =	smul.u32 $0x27100, s10;
	s7 =	sadd.s32 $0x2000, s0  }
0xc: {  	s25 =	sshll.u32 s10, $0x6;
	s10 =	smul.u32 $0x5000, s10;
	s5 =	sshll.u32 s1, $0x6  }
0xd: {  	s23 =	smul.u32 $0xA0000, s1;
	_ =	strace $0x8000004D;
	s1 =	ssub.s32 $0x2, s1  }
0xe: {  	s2 =	sor.u32 s5, s2;
	s24 =	sshrl.u32 s1, $0x1;
	s9 =	sshrl.u32 s9, $0x2  }
0xf: {  	s2 =	sshrl.u32 s2, $0x3;
	s5 =	sadd.s32 s8, s23;
	s1 =	ssub.s32 s1, s24  }
0x10: {  	s8 =	sadd.s32 s8, s3;
	s23 =	sor.u32 $0x1C09, s25;
	s26 =	sadd.s32 s9, s4  }
0x11: {  	s24 =	simm.s32 $0x6000;
	s9 =	simm.s32 $0x4;
	s2 =	sadd.s32 s2, s0  }
0x12: {  	s5 =	sshrl.u32 s5, $0x3;
	s29 =	smax.u32 s1, $0x1;
	[dreg:$0x6] =	wrdreg s23  }
.Ltmp0:
0x13: {  	s31 =	sshrl.u32 s26, $0x3;
	[dreg:$0x9] =	wrdreg s29;
	(pc) =	sbr.rel .LBB2_1-.Ltmp0, $4  }
0x14: {  	s8 =	sshrl.u32 s8, $0x3;
	s26 =	simm.s32 $0x8000;
	[dreg:$0xb] =	wrdreg s31  }
0x15: {  	s0 =	sadd.s32 s5, s0;
	s2 =	sadd.s32 $0x16200, s2;
	[dreg:$0xa] =	wrdreg s8  }
0x16: {  	s1 =	simm.s32 $0x1100;
	[dreg:$0x7] =	wrdreg s2;
	s0 =	sadd.s32 $0x3D400, s0  }
0x17: {  	s2 =	simm.s32 $0x6;
	[dreg:$0x8] =	wrdreg s0;
	s0 =	simm.s32 $0x3  }
.LBB2_6:
0x18: {  	[bflag:$0x0] =	sbarrier.arrive $0xFFFF  }
0x19: {  	s23 =	rddreg [dreg:$0x6]  }
0x1a: {  	s5 =	rddreg [dreg:$0x8]  }
0x1b: {  	s8 =	rddreg [dreg:$0xa]  }
0x1c: {  	[hbm:s5], [sflag:s23] =	dma.local [spmem:s8], $0x1400  }
0x1d: {  	_ =	swait.ge [sflag:s14], $0x1400  }
0x1e: {  	s13 =	rddreg [dreg:$0x5]  }
0x1f: {  	s31 =	rddreg [dreg:$0x9];
	s13 =	sadd.s32 $0x1, s13  }
0x20: {  	p0 =	sne.s32 s13, s31  }
.Ltmp1:
0x21: {  	_ = 	snop;
	(pc) =	sbr.rel @!p0 .LBB2_7-.Ltmp1, $3  }
0x22: {  	_ =	sdelay $0x1  }
0x23: {  	[sflag:s14] =	ssyncset.done $0x0  }
0x24: {  	[sflag:s14] =	ssyncadd.s32 $0xFFFFEC00  }
.LBB2_1:
0x25: {  	[dreg:$0x5] =	wrdreg s13  }
0x26: {  	s5 =	rddreg [dreg:$0x1]  }
0x27: {  	[spmem:s8], [sflag:s23] =	dma.local [hbm:s5], $0x1400  }
0x28: {  	_ =	swait.ge [sflag:s14], $0x1400  }
0x29: {  	[sflag:s14] =	ssyncset.done $0x0;
	s25 =	rddreg [dreg:$0x7]  }
0x2a: {  	s31 =	simm.s32 $0x10;
	s29 =	rddreg [dreg:$0xb];
	[sflag:s14] =	ssyncadd.s32 $0xFFFFEC00  }
0x2b: {  	[spmem:s29@s17], [sflag:s23] =	dma.strided [hbm:s25@s31], $0x1388, s16, $0x8   }
.Ltmp2:
0x2c: {  	_ =	swait.ge [sflag:s14], $0x1388;
	(pc) =	sbr.rel .LBB2_2-.Ltmp2, $4  }
0x2d: {  	[sflag:s14] =	ssyncset.done $0x0  }
0x2e: {  	[sflag:s14] =	ssyncadd.s32 $0xFFFFEC78  }
0x2f: {  	[bflag:$0x0] =	sbarrier.arrive $0xFFFF  }
0x30: {  	s13 =	simm.s32 $0x0  }
.LBB2_5:
0x31: {  	s13 =	sadd.s32 $0x1, s13  }
0x32: {  	p0 =	sne.s32 s13, $0x5  }
.Ltmp3:
0x33: {  	_ = 	snop;
	(pc) =	sbr.rel @!p0 .LBB2_6-.Ltmp3, $4  }
0x34: {  	_ = 	snop  }
0x35: {  	_ =	swait.ge [sflag:s17], $0x2000  }
0x36: {  	[sflag:s17] =	ssyncset.done $0x0  }
0x37: {  	[sflag:s17] =	ssyncadd.s32 $0xFFFFE000  }
.LBB2_2:
0x38: {  	s5 =	sshll.u32 s13, $0xC  }
0x39: {  	s5 =	sadd.s32 s10, s5  }
0x3a: {  	s5 =	sshrl.u32 s5, $0x3  }
0x3b: {  	s8 =	simm.s32 $0x0;
	s23 =	sadd.s32 s6, s5  }
0x3c: {  	[tilespmem:s8], [sflag:$0x9] =	stream.linear.gather [hbm4b:s23+s8], $0x1000, $0x38;
	[tilespmem:$0x1DC40] =	vst v63  }
0x3d: {  	_ =	swait.ge [sflag:s14], $0x1000  }
0x3e: {  	[sflag:s14] =	ssyncset.done $0x0  }
0x3f: {  	s5 =	sadd.s32 s7, s5;
	[sflag:s14] =	ssyncadd.s32 $0xFFFFF000  }
0x40: {  	[tilespmem:s19], [sflag:$0x9] =	stream.linear.gather [hbm4b:s5+s8], $0x1000, $0x38;
	[tilespmem:$0x1DC40] =	vst v63  }
0x41: {  	_ =	swait.ge [sflag:s14], $0x1000  }
0x42: {  	[sflag:s14] =	ssyncset.done $0x0  }
0x43: {  	[sflag:s14] =	ssyncadd.s32 $0xFFFFF000  }
0x44: {  	[tilespmem:s21], [sflag:$0x1] =	stream.indirect.gather [spmem:s4], $0x40, s8, s20, $0xb8;
	[tilespmem:$0x1DC40] =	vst v63  }
0x45: {  	_ = 	snop  }
0x46: {  	[tilespmem:s22], [sflag:$0x2] =	stream.indirect.gather [spmem:s4], $0x40, s20, s20, $0xb8;
	[tilespmem:$0x1DC40] =	vst v63  }
0x47: {  	s23 =	simm.s32 $0x100  }
0x48: {  	[tilespmem:s24], [sflag:$0x3] =	stream.indirect.gather [spmem:s4], $0x40, s23, s20, $0xb8;
	[tilespmem:$0x1DC40] =	vst v63  }
0x49: {  	_ =	swait.ge [sflag:s16], $0x2000  }
0x4a: {  	[sflag:s16] =	ssyncset.done $0x0  }
0x4b: {  	[sflag:s16] =	ssyncadd.s32 $0xFFFFE000  }
0x4c: {  	[spmem:s3] =	stream.indirect.scatter.add.f32 [tilespmem:s21], [sflag:$0x5], $0x40, s19, s20, $0xb8;
	[tilespmem:$0x1DC40] =	vst v63  }
0x4d: {  	s25 =	simm.s32 $0x180  }
0x4e: {  	[tilespmem:s26], [sflag:$0x4] =	stream.indirect.gather [spmem:s4], $0x40, s25, s20, $0xb8;
	[tilespmem:$0x1DC40] =	vst v63  }
0x4f: {  	_ =	swait.ge [sflag:s28], $0x2000  }
0x50: {  	[sflag:s28] =	ssyncset.done $0x0  }
0x51: {  	s29 =	simm.s32 $0x1080;
	[sflag:s28] =	ssyncadd.s32 $0xFFFFE000  }
0x52: {  	[spmem:s3] =	stream.indirect.scatter.add.f32 [tilespmem:s22], [sflag:$0x6], $0x40, s29, s20, $0xb8;
	[tilespmem:$0x1DC40] =	vst v63  }
0x53: {  	_ =	swait.ge [sflag:s30], $0x2000  }
0x54: {  	[sflag:s30] =	ssyncset.done $0x0  }
0x55: {  	s31 =	simm.s32 $0x200;
	[sflag:s30] =	ssyncadd.s32 $0xFFFFE000  }
0x56: {  	[tilespmem:s21], [sflag:$0x1] =	stream.indirect.gather [spmem:s4], $0x40, s31, s20, $0xb8;
	[tilespmem:$0x1DC40] =	vst v63  }
0x57: {  	_ =	swait.ge [sflag:s0], $0x2000  }
0x58: {  	[sflag:s0] =	ssyncset.done $0x0  }
0x59: {  	[sflag:s0] =	ssyncadd.s32 $0xFFFFE000  }
0x5a: {  	[spmem:s3] =	stream.indirect.scatter.add.f32 [tilespmem:s24], [sflag:$0x7], $0x40, s1, s20, $0xb8;
	[tilespmem:$0x1DC40] =	vst v63  }
0x5b: {  	_ =	swait.ge [sflag:s2], $0x2000  }
0x5c: {  	[sflag:s2] =	ssyncset.done $0x0  }
0x5d: {  	[sflag:s2] =	ssyncadd.s32 $0xFFFFE000  }
0x5e: {  	[tilespmem:s22], [sflag:$0x2] =	stream.indirect.gather [spmem:s4], $0x40, s18, s20, $0xb8;
	[tilespmem:$0x1DC40] =	vst v63  }
0x5f: {  	_ =	swait.ge [sflag:s9], $0x2000  }
0x60: {  	[sflag:s9] =	ssyncset.done $0x0  }
0x61: {  	[sflag:s9] =	ssyncadd.s32 $0xFFFFE000  }
0x62: {  	[spmem:s3] =	stream.indirect.scatter.add.f32 [tilespmem:s26], [sflag:$0x8], $0x40, s11, s20, $0xb8;
	[tilespmem:$0x1DC40] =	vst v63  }
0x63: {  	_ =	swait.ge [sflag:s12], $0x2000  }
0x64: {  	[sflag:s12] =	ssyncset.done $0x0  }
0x65: {  	[sflag:s12] =	ssyncadd.s32 $0xFFFFE000  }
0x66: {  	[tilespmem:s24], [sflag:$0x3] =	stream.indirect.gather [spmem:s4], $0x40, s15, s20, $0xb8;
	[tilespmem:$0x1DC40] =	vst v63  }
.LBB2_3:
0x67: {  	_ =	swait.ge [sflag:s16], $0x2000  }
0x68: {  	s5 =	sshra.s32 s8, $0x2;
	[sflag:s16] =	ssyncset.done $0x0  }
0x69: {  	s23 =	sadd.s32 $0x1200, s5;
	[sflag:s16] =	ssyncadd.s32 $0xFFFFE000  }
0x6a: {  	[spmem:s3] =	stream.indirect.scatter.add.f32 [tilespmem:s21], [sflag:$0x5], $0x40, s23, s20, $0xb8;
	[tilespmem:$0x1DC40] =	vst v63  }
0x6b: {  	_ =	swait.ge [sflag:s17], $0x2000  }
0x6c: {  	[sflag:s17] =	ssyncset.done $0x0  }
0x6d: {  	s25 =	sadd.s32 $0x380, s5;
	[sflag:s17] =	ssyncadd.s32 $0xFFFFE000  }
0x6e: {  	[tilespmem:s26], [sflag:$0x4] =	stream.indirect.gather [spmem:s4], $0x40, s25, s20, $0xb8;
	[tilespmem:$0x1DC40] =	vst v63  }
0x6f: {  	_ =	swait.ge [sflag:s28], $0x2000  }
0x70: {  	[sflag:s28] =	ssyncset.done $0x0  }
0x71: {  	s29 =	sadd.s32 $0x1280, s5;
	[sflag:s28] =	ssyncadd.s32 $0xFFFFE000  }
0x72: {  	[spmem:s3] =	stream.indirect.scatter.add.f32 [tilespmem:s22], [sflag:$0x6], $0x40, s29, s20, $0xb8;
	[tilespmem:$0x1DC40] =	vst v63  }
0x73: {  	_ =	swait.ge [sflag:s30], $0x2000  }
0x74: {  	p0 =	seq.s32 s8, $0x3000;
	[sflag:s30] =	ssyncset.done $0x0  }
0x75: {  	s23 =	simm.s32 @p0 $0x3;
	[sflag:s30] =	ssyncadd.s32 $0xFFFFE000  }
0x76: {  	_ =	swait.ge @p0 [sflag:s23], $0x2000  }
0x77: {  	[sflag:s23] =	ssyncset.done @p0 $0x0  }
0x78: {  	[sflag:s23] =	ssyncadd.s32 @p0 $0xFFFFE000;
	s23 =	sshra.s32 @p0 s8, $0x2  }
0x79: {  	s25 =	simm.s32 @p0 $0x80;
	s29 =	simm.s32 @p0 $0x6000;
	s23 =	sadd.s32 @p0 $0x1300, s23  }
0x7a: {  	[spmem:s3] =	stream.indirect.scatter.add.f32 @p0 [tilespmem:s29], [sflag:$0x7], $0x40, s23, s25, $0xb8;
	[tilespmem:$0x1DC40] =	vst v63  }
0x7b: {  	s23 =	simm.s32 @p0 $0x6  }
0x7c: {  	_ =	swait.ge @p0 [sflag:s23], $0x2000  }
0x7d: {  	[sflag:s23] =	ssyncset.done @p0 $0x0  }
0x7e: {  	[sflag:s23] =	ssyncadd.s32 @p0 $0xFFFFE000;
	s23 =	sshra.s32 @!p0 s8, $0x2  }
0x7f: {  	s31 =	simm.s32 @!p0 $0x2000;
	s29 =	simm.s32 @!p0 $0x80;
	s25 =	sadd.s32 @!p0 $0x400, s23  }
0x80: {  	[tilespmem:s31], [sflag:$0x1] =	stream.indirect.gather @!p0 [spmem:s4], $0x40, s25, s29, $0xb8;
	[tilespmem:$0x1DC40] =	vst v63  }
0x81: {  	s25 =	simm.s32 @!p0 $0x3  }
0x82: {  	_ =	swait.ge @!p0 [sflag:s25], $0x2000  }
0x83: {  	[sflag:s25] =	ssyncset.done @!p0 $0x0  }
0x84: {  	s31 =	simm.s32 @!p0 $0x6000;
	[sflag:s25] =	ssyncadd.s32 @!p0 $0xFFFFE000;
	s25 =	sadd.s32 @!p0 $0x1300, s23  }
0x85: {  	[spmem:s3] =	stream.indirect.scatter.add.f32 @!p0 [tilespmem:s31], [sflag:$0x7], $0x40, s25, s29, $0xb8;
	[tilespmem:$0x1DC40] =	vst v63  }
0x86: {  	s25 =	simm.s32 @!p0 $0x6  }
0x87: {  	_ =	swait.ge @!p0 [sflag:s25], $0x2000  }
0x88: {  	[sflag:s25] =	ssyncset.done @!p0 $0x0  }
0x89: {  	s23 =	sadd.s32 @!p0 $0x480, s23;
	[sflag:s25] =	ssyncadd.s32 @!p0 $0xFFFFE000;
	s25 =	simm.s32 @!p0 $0x4000  }
0x8a: {  	[tilespmem:s25], [sflag:$0x2] =	stream.indirect.gather @!p0 [spmem:s4], $0x40, s23, s29, $0xb8;
	[tilespmem:$0x1DC40] =	vst v63  }
0x8b: {  	_ =	swait.ge [sflag:s9], $0x2000  }
0x8c: {  	[sflag:s9] =	ssyncset.done $0x0  }
.Ltmp4:
0x8d: {  	s31 =	sadd.s32 $0x1380, s5;
	[sflag:s9] =	ssyncadd.s32 $0xFFFFE000;
	(pc) =	sbr.rel @p0 .LBB2_5-.Ltmp4, $4  }
0x8e: {  	[spmem:s3] =	stream.indirect.scatter.add.f32 [tilespmem:s26], [sflag:$0x8], $0x40, s31, s20, $0xb8;
	[tilespmem:$0x1DC40] =	vst v63  }
0x8f: {  	_ =	swait.ge [sflag:s12], $0x2000  }
0x90: {  	[sflag:s12] =	ssyncset.done $0x0  }
0x91: {  	[sflag:s12] =	ssyncadd.s32 $0xFFFFE000  }
.Ltmp5:
0x92: {  	(pc) =	sbr.rel .LBB2_3-.Ltmp5, $3  }
0x93: {  	_ =	sdelay $0x1  }
0x94: {  	s5 =	sadd.s32 $0x500, s5;
	s8 =	sadd.s32 $0x800, s8  }
0x95: {  	[tilespmem:s24], [sflag:$0x3] =	stream.indirect.gather [spmem:s4], $0x40, s5, s20, $0xb8;
	[tilespmem:$0x1DC40] =	vst v63  }
.LBB2_7:
0x96: {  	_ =	sfence.sel $0x180000  }
0x97: {  	[bflag:$0x0] =	sbarrier.arrive $0xFFFF  }
0x98: {  	_ =	strace $0x9000004D  }
0x99: {  	s0 =	stileid.u32;
	[bflag:$0x2] =	sbarrier.arrive $0xFFFF  }
0x9a: {  	p0 =	sne.s32 s0, $0x0;
	s0 =	rddreg [dreg:$0x4]  }
0x9b: {  	s0 =	sadd.s32 @!p0 $0x100000, s0  }
0x9c: {  	[sflag:s0] =	ssyncadd.tile.s32 @!p0 $0x1;
	_ =	shalt  }
.Lfunc_end2:
_tile_overlayer_lowered:
.L_overlay_start_2:
0x9d: {  	(tag) =	ssettag $0x2  }
0x9e: {  	s0 =	rddreg [dreg:$0x0];
	s2 =	stileid.u32  }
0x9f: {  	s1 =	rddreg [dreg:$0x1];
	p0 =	sne.s32 s2, $0x0  }
0xa0: {  	s3 =	rddreg [dreg:$0x2];
	[bflag:$0x3] =	sbarrier.arrive $0xFFFF;
	s2 =	simm.s32 @!p0 $0x1C09  }
0xa1: {  	[timem:s3], [sflag:s2] =	dma.local @!p0 [hbm:s0], s1  }
0xa2: {  	s0 =	simm.s32 @!p0 $0x9  }
0xa3: {  	_ =	swait.ge @!p0 [sflag:s0], s1  }
0xa4: {  	s1 =	ssub.s32 @!p0 $0x0, s1;
	[sflag:s0] =	ssyncset.done @!p0 $0x0  }
0xa5: {  	[sflag:s0] =	ssyncadd.s32 @!p0 s1  }
0xa6: {  	[bflag:$0x3] =	sbarrier.arrive $0xFFFF  }
0xa7: {  	_ =	shalt  }

// kernel: kernel.20.cloned.1.call-start
scs
__scs_entry_jumppad:
0x0: {  	(pc) =	sbr.rel $0x88, $3  }
0x1: {  	(tag) =	ssettag $0x0;
	lr =	simm.s32 $0x1  }
0x2: {  	[smem:$0x3F99] =	sst lr;
	_ =	strace $0xD0000000  }
0x3: {  	_ = 	snop  }
0x4: {  	_ = 	snop  }
0x5: {  	_ = 	snop  }
0x6: {  	_ = 	snop  }
0x7: {  	_ = 	snop  }
__scs_overlays_trampoline_lowered:
0x8: {  	[smem:$0x3FA8] =	sst s0  }
0x9: {  	[smem:$0x3FA9] =	sst s1  }
0xa: {  	[smem:$0x3FAA] =	sst s2  }
0xb: {  	[smem:$0x3FAB] =	sst s3  }
0xc: {  	[smem:$0x3FAC] =	sst s4  }
0xd: {  	[smem:$0x3FAD] =	sst s5  }
0xe: {  	[smem:$0x3FAE] =	sst s6  }
0xf: {  	[smem:$0x3FAF] =	sst s7  }
0x10: {  	[smem:$0x3FB0] =	sst s8  }
0x11: {  	[smem:$0x3FB1] =	sst s9;
	s0 =	simm.s32 @!p0 $0x0  }
0x12: {  	s1 =	sld [smem:$0x3F97];
	s0 =	simm.s32 @p0 $0x1  }
0x13: {  	[smem:$0x3FB2] =	sst s0;
	s0 =	simm.s32 @!p1 $0x0  }
0x14: {  	s2 =	sld [smem:$0x3F96];
	s0 =	simm.s32 @p1 $0x1  }
0x15: {  	[smem:$0x3FB3] =	sst s0;
	s0 =	simm.s32 @!p2 $0x0  }
0x16: {  	s3 =	sld [smem:$0x3FDB];
	s0 =	simm.s32 @p2 $0x1  }
0x17: {  	s4 =	simm.s32 $0x1BF5;
	[smem:$0x3FB5] =	sst s0  }
0x18: {  	s0 =	sld [smem:$0x3F98];
	_ =	swait.ge [sflag:s4], $0x0  }
0x19: {  	s7 =	sld [smem:$0x3F99]  }
0x1a: {  	s8 =	sadd.s32 $0xFFFFE003, lr  }
0x1b: {  	s9 =	sadd.s32 $0xFFFFFEF7, lr;
	s5 =	simm.s32 $0xFFFFFFFF;
	p2 =	slt.u32 s8, $0xFFFFF086  }
0x1c: {  	p1 =	slt.u32 s9, $0xF7A;
	s5 =	simm.s32 @!p2 $0x0  }
0x1d: {  	s5 =	simm.s32 @p1 $0x1;
	p0 =	seq.s32 s7, s2  }
0x1e: {  	s7 =	smul.u32 @!p0 $0xF7A, s2;
	p2 =	seq.s32 @!p0 s5, $0x0  }
0x1f: {  	s9 =	smul.u32 $0xF7A, s1;
	s8 =	simm.s32 @!p0 $0x1BF5;
	p2 =	por !p2, p0  }
0x20: {  	[sflag:s8] =	ssyncset.s32 @!p0 $0xFFFFF086;
	s6 =	sadd.s32 @!p0 s3, s7;
	s7 =	simm.s32 @!p0 $0x108  }
0x21: {  	s3 =	sadd.s32 s3, s9;
	s6 =	sadd.s32 @!p0 $0x88, s6;
	s7 =	simm.s32 @p2 $0x1082  }
0x22: {  	[simem:s7], [sflag:s8] =	dma.local @!p0 [hbm:s6], $0xF7A  }
0x23: {  	s9 =	sor.u32 $0xD0000000, s2;
	s6 =	simm.s32 $0x108;
	_ =	swait.ge @!p0 [sflag:s8], $0x0  }
0x24: {  	s3 =	sadd.s32 $0x88, s3;
	s6 =	simm.s32 @!p1 $0x1082;
	[sflag:s4] =	ssyncset.s32 $0xFFFFF086  }
0x25: {  	[simem:s6], [sflag:s4] =	dma.local [hbm:s3], $0xF7A  }
0x26: {  	[smem:$0x3F99] =	sst s1;
	(tag) =	ssettag s2;
	_ =	strace s9  }
0x27: {  	s1 =	sld [smem:$0x3FA9]  }
0x28: {  	s2 =	sld [smem:$0x3FAA]  }
0x29: {  	s4 =	sld [smem:$0x3FAC]  }
0x2a: {  	p0 =	seq.s32 s5, $0x0;
	s5 =	sld [smem:$0x3FAD]  }
0x2b: {  	s6 =	sld [smem:$0x3FAE]  }
0x2c: {  	s7 =	sld [smem:$0x3FAF]  }
0x2d: {  	s3 =	simm.s32 $0x108;
	s8 =	sld [smem:$0x3FB0]  }
0x2e: {  	s3 =	simm.s32 @!p0 $0x1082;
	s9 =	sld [smem:$0x3FB1]  }
0x2f: {  	lr =	sadd.s32 s0, s3;
	s0 =	sld [smem:$0x3FA8]  }
0x30: {  	s3 =	sld [smem:$0x3FAB]  }
0x31: {  	[smem:$0x3FB4] =	sst s10  }
0x32: {  	s10 =	sld [smem:$0x3FB2];
	_ =	sdelay $0x3  }
0x33: {  	p0 =	seq.s32 s10, $0x1;
	s10 =	sld [smem:$0x3FB4];
	_ =	sdelay $0x3  }
0x34: {  	[smem:$0x3FB4] =	sst s10  }
0x35: {  	s10 =	sld [smem:$0x3FB3];
	_ =	sdelay $0x3  }
0x36: {  	p1 =	seq.s32 s10, $0x1;
	s10 =	sld [smem:$0x3FB4];
	_ =	sdelay $0x3  }
0x37: {  	[smem:$0x3FB4] =	sst s10  }
0x38: {  	s10 =	sld [smem:$0x3FB5]  }
0x39: {  	_ = 	snop;
	(pc) =	sbr.ind lr, $3  }
0x3a: {  	_ = 	snop  }
0x3b: {  	_ = 	snop  }
0x3c: {  	p2 =	seq.s32 s10, $0x1;
	s10 =	sld [smem:$0x3FB4]  }
0x3d: {  	_ =	shalt  }
0x3e: {  	_ =	shalt  }
0x3f: {  	_ =	shalt  }
0x40: {  	_ =	shalt  }
0x41: {  	_ =	shalt  }
0x42: {  	_ =	shalt  }
0x43: {  	_ =	shalt  }
0x44: {  	_ =	shalt  }
0x45: {  	_ =	shalt  }
0x46: {  	_ =	shalt  }
0x47: {  	_ =	shalt  }
0x48: {  	_ =	shalt  }
0x49: {  	_ =	shalt  }
0x4a: {  	_ =	shalt  }
0x4b: {  	_ =	shalt  }
0x4c: {  	_ =	shalt  }
0x4d: {  	_ =	shalt  }
0x4e: {  	_ =	shalt  }
0x4f: {  	_ =	shalt  }
0x50: {  	_ =	shalt  }
0x51: {  	_ =	shalt  }
0x52: {  	_ =	shalt  }
0x53: {  	_ =	shalt  }
0x54: {  	_ =	shalt  }
0x55: {  	_ =	shalt  }
0x56: {  	_ =	shalt  }
0x57: {  	_ =	shalt  }
0x58: {  	_ =	shalt  }
0x59: {  	_ =	shalt  }
0x5a: {  	_ =	shalt  }
0x5b: {  	_ =	shalt  }
0x5c: {  	_ =	shalt  }
0x5d: {  	_ =	shalt  }
0x5e: {  	_ =	shalt  }
0x5f: {  	_ =	shalt  }
0x60: {  	_ =	shalt  }
0x61: {  	_ =	shalt  }
0x62: {  	_ =	shalt  }
0x63: {  	_ =	shalt  }
0x64: {  	_ =	shalt  }
0x65: {  	_ =	shalt  }
0x66: {  	_ =	shalt  }
0x67: {  	_ =	shalt  }
0x68: {  	_ =	shalt  }
0x69: {  	_ =	shalt  }
0x6a: {  	_ =	shalt  }
0x6b: {  	_ =	shalt  }
0x6c: {  	_ =	shalt  }
0x6d: {  	_ =	shalt  }
0x6e: {  	_ =	shalt  }
0x6f: {  	_ =	shalt  }
0x70: {  	_ =	shalt  }
0x71: {  	_ =	shalt  }
0x72: {  	_ =	shalt  }
0x73: {  	_ =	shalt  }
0x74: {  	_ =	shalt  }
0x75: {  	_ =	shalt  }
0x76: {  	_ =	shalt  }
0x77: {  	_ =	shalt  }
0x78: {  	_ =	shalt  }
0x79: {  	_ =	shalt  }
0x7a: {  	_ =	shalt  }
0x7b: {  	_ =	shalt  }
0x7c: {  	_ =	shalt  }
0x7d: {  	_ =	shalt  }
0x7e: {  	_ =	shalt  }
0x7f: {  	_ =	shalt  }
0x80: {  	_ =	shalt  }
0x81: {  	_ =	shalt  }
0x82: {  	_ =	shalt  }
0x83: {  	_ =	shalt  }
0x84: {  	_ =	shalt  }
0x85: {  	_ =	shalt  }
0x86: {  	_ =	shalt  }
0x87: {  	_ =	shalt  }
.Lfunc_end0:
.L_simem_size_0:
called_computation.3_lowered:
.L_overlay_start_0:
0x88: {  	s2 =	sld [smem:$0x3FD9]  }
0x89: {  	s3 =	sld [smem:$0x3FFE];
	_ =	sdelay $0x1  }
0x8a: {  	s1 =	srdreg.scid  }
0x8b: {  	s0 =	sand.u32 $0x1, s1  }
0x8c: {  	s17 =	sshll.u32 s0, $0xA;
	s2 =	sadd.s32 s3, s2  }
0x8d: {  	s2 =	sadd.s32 s2, s17  }
0x8e: {  	[smem:$0x3FC0] =	sst s2  }
0x8f: {  	_ = 	snop  }
0x90: {  	s2 =	sld [smem:$0x3FD0];
	(tm) =	ssettm $0x1  }
0x91: {  	s18 =	sld [smem:$0x3FFB];
	_ =	sdelay $0x3  }
0x92: {  	_ =	strace s18  }
0x93: {  	s3 =	sld [smem:$0x3FFC];
	_ =	sdelay $0x3  }
0x94: {  	_ =	strace s3  }
0x95: {  	s3 =	sld [smem:$0x3FFD];
	_ =	sdelay $0x3  }
0x96: {  	_ =	strace s3  }
0x97: {  	_ =	strace $0x8FFFFFFF  }
0x98: {  	s19 =	sld [smem:$0x3FDB];
	_ =	sdelay $0x1  }
0x99: {  	s4 =	simm.s32 $_scs_section_size  }
0x9a: {  	s5 =	simm.s32 $_size__tile_overlayer_lowered;
	s6 =	simm.s32 $_tile_overlayer_lowered  }
0x9b: {  	s22 =	simm.s32 $0x1BFF;
	s21 =	sshll.u32 s6, $0x1;
	s3 =	sadd.s32 s4, s19  }
0x9c: {  	s7 =	simm.s32 $0x0;
	s20 =	sshll.u32 s5, $0x1;
	s5 =	sadd.s32 s21, s3  }
0x9d: {  	[timem:s7], [sflag:s22] =	dma.local [hbm:s5], s20  }
0x9e: {  	_ =	swait.ge [sflag:s22], s20  }
0x9f: {  	s4 =	ssub.s32 $0x0, s20;
	[sflag:s22] =	ssyncset.done $0x0  }
0xa0: {  	[sflag:s22] =	ssyncadd.s32 s4;
	_ =	sdelay $0x1  }
0xa1: {  	s23 =	simm.s32 $0x1B8B  }
0xa2: {  	_ =	swait.ge [sflag:s23], $0x1  }
0xa3: {  	[sflag:s23] =	ssyncset.done $0x0  }
0xa4: {  	s25 =	simm.s32 $0x1B8E;
	s24 =	sld [smem:$0x3FFE];
	[sflag:s23] =	ssyncadd.s32 $0xFFFFFFFF  }
0xa5: {  	s26 =	simm.s32 $execute0_lowered;
	[smem:$0x3FD2] =	sst s25  }
0xa6: {  	s5 =	sshll.u32 s26, $0x1;
	_ =	strace $0x8000004F;
	[dreg:$0x1] =	wrdreg $0xFFFFFFFF  }
0xa7: {  	s28 =	simm.s32 $_size_execute0_lowered;
	s3 =	sadd.s32 s3, s5;
	[dreg:$0x0] =	wrdreg $0x0  }
0xa8: {  	s5 =	sshll.u32 s28, $0x1;
	[dreg:$0x2] =	wrdreg s3  }
0xa9: {  	[dreg:$0x3] =	wrdreg s5  }
0xaa: {  	[dreg:$0x4] =	wrdreg $0xC0  }
0xab: {  	_ =	task [dreg:s7], $0x5FFFF  }
0xac: {  	[dreg:$0x1] =	wrdreg $0xFFFFFFFF  }
0xad: {  	[dreg:$0x0] =	wrdreg $0x60  }
0xae: {  	[dreg:$0x2] =	wrdreg s2  }
0xaf: {  	[dreg:$0x3] =	wrdreg s24  }
0xb0: {  	[dreg:$0x4] =	wrdreg $0xAE200  }
0xb1: {  	[dreg:$0x5] =	wrdreg $0x60000  }
0xb2: {  	[dreg:$0x6] =	wrdreg $0x9  }
0xb3: {  	_ =	task.clear_ibuf [dreg:s7], $0x7FFFF;
	_ =	strace $0x9000004F  }
0xb4: {  	s29 =	simm.s32 $0x9;
	_ =	strace $0x80000051  }
0xb5: {  	_ =	swait.ge [sflag:s29], $0x1  }
0xb6: {  	[sflag:s29] =	ssyncadd.s32 $0xFFFFFFFF  }
0xb7: {  	_ =	strace $0x90000051  }
0xb8: {  	_ =	sfence  }
0xb9: {  	s30 =	sld [smem:$0x0];
	_ =	sdelay $0x2  }
0xba: {  	s31 =	sshll.u32 s1, $0xD;
	s1 =	sshrl.u32 s1, $0x2  }
0xbb: {  	s3 =	sand.u32 $0x4000, s31;
	s1 =	sadd.s32 s1, s30  }
0xbc: {  	s0 =	sor.u32 s3, s0;
	s1 =	sshll.u32 s1, $0x11  }
0xbd: {  	s0 =	sor.u32 s1, s0  }
0xbe: {  	s0 =	sadd.s32 $0x8F2B, s0  }
0xbf: {  	[sflag:s0] =	ssyncadd.remote.s32 $0x1  }
0xc0: {  	_ =	sfence.sel $0xFFFF  }
0xc1: {  	[dreg:$0x0] =	wrdreg $0xFFFFFFFF;
	(pc) =	sbr.abs _section_cstart, $3  }
0xc2: {  	[dreg:$0x1] =	wrdreg $0xFFFFFFFF  }
0xc3: {  	_ =	task.clear_ibuf [dreg:s7], $0x2FFFF;
	_ =	strace $0x9FFFFFFF  }
0xc4: {  	(tm) =	ssettm $0x7FFFFFFF  }
0xc5: {  	_ =	shalt  }
tec
execute0_lowered:
.L_overlay_start_1:
0x0: {  	(tag) =	ssettag $0x1  }
0x1: {  	s0 =	rddreg [dreg:$0x0]  }
0x2: {  	s1 =	rddreg [dreg:$0x1]  }
0x3: {  	s2 =	rddreg [dreg:$0x2];
	s4 =	srdreg.scid  }
0x4: {  	s12 =	stileid.u32;
	s3 =	rddreg [dreg:$0x3]  }
0x5: {  	s13 =	simm.s32 $0x0;
	s14 =	simm.s32 $0x9;
	s16 =	simm.s32 $0x1  }
0x6: {  	s17 =	simm.s32 $0x4;
	s18 =	simm.s32 $0x8;
	s19 =	simm.s32 $0x1000  }
0x7: {  	s28 =	simm.s32 $0x2;
	s30 =	simm.s32 $0x5;
	s15 =	simm.s32 $0x300  }
0x8: {  	s5 =	sand.u32 $0x1, s4;
	s4 =	smul.u32 $0x5000, s12;
	[smem:$0x7FF] =	sst s13  }
0x9: {  	s6 =	sadd.s32 $0xC200, s1;
	s9 =	sadd.s32 $0x16200, s1;
	s21 =	smul.u32 $0x9C40, s12  }
0xa: {  	s11 =	smul.u32 $0x13880, s12;
	s23 =	sshll.u32 s12, $0x6;
	s12 =	simm.s32 $0x7  }
0xb: {  	s7 =	smul.u32 $0x50000, s5;
	_ =	strace $0x80000050;
	[dreg:$0x6] =	wrdreg s9  }
0xc: {  	s20 =	ssub.s32 $0x2, s5;
	s5 =	sshll.u32 s5, $0x5;
	s23 =	sor.u32 $0x1C09, s23  }
0xd: {  	s10 =	sshrl.u32 s20, $0x1;
	s22 =	sadd.s32 s4, s2;
	s5 =	sor.u32 s5, s21  }
0xe: {  	s11 =	sshrl.u32 s11, $0x2;
	s21 =	simm.s32 $0x2000;
	[dreg:$0x7] =	wrdreg s23  }
0xf: {  	s8 =	sadd.s32 s4, s7;
	s7 =	sadd.s32 $0x2000, s1;
	s5 =	sshrl.u32 s5, $0x3  }
0x10: {  	s24 =	sadd.s32 s11, s3;
	s25 =	sshrl.u32 s22, $0x3;
	s22 =	simm.s32 $0x3000  }
0x11: {  	s11 =	simm.s32 $0x1180;
	s8 =	sshrl.u32 s8, $0x3;
	s0 =	sadd.s32 s0, s5  }
0x12: {  	s31 =	sshrl.u32 s24, $0x3;
	s24 =	simm.s32 $0x4000;
	[dreg:$0xb] =	wrdreg s25  }
.Ltmp0:
0x13: {  	s1 =	sadd.s32 s8, s1;
	[dreg:$0x8] =	wrdreg s0;
	(pc) =	sbr.rel .LBB2_1-.Ltmp0, $4  }
0x14: {  	s8 =	ssub.s32 s20, s10;
	[dreg:$0xc] =	wrdreg s31;
	s20 =	simm.s32 $0x80  }
0x15: {  	s0 =	simm.s32 $0x1100;
	s10 =	simm.s32 $0x280;
	s26 =	sadd.s32 $0x16C00, s1  }
0x16: {  	s29 =	smax.u32 s8, $0x1;
	s1 =	simm.s32 $0x3;
	[dreg:$0x9] =	wrdreg s26  }
0x17: {  	s8 =	simm.s32 $0x6;
	[dreg:$0xa] =	wrdreg s29;
	s26 =	simm.s32 $0x5000  }
.LBB2_6:
0x18: {  	[bflag:$0x0] =	sbarrier.arrive $0xFFFF  }
0x19: {  	s23 =	rddreg [dreg:$0x7]  }
0x1a: {  	s5 =	rddreg [dreg:$0x9]  }
0x1b: {  	s25 =	rddreg [dreg:$0xb]  }
0x1c: {  	[hbm:s5], [sflag:s23] =	dma.local [spmem:s25], $0xA00  }
0x1d: {  	_ =	swait.ge [sflag:s14], $0xA00  }
0x1e: {  	s13 =	rddreg [dreg:$0x5]  }
0x1f: {  	s31 =	rddreg [dreg:$0xa];
	s13 =	sadd.s32 $0x1, s13  }
0x20: {  	p0 =	sne.s32 s13, s31  }
.Ltmp1:
0x21: {  	_ = 	snop;
	(pc) =	sbr.rel @!p0 .LBB2_7-.Ltmp1, $3  }
0x22: {  	_ =	sdelay $0x1  }
0x23: {  	[sflag:s14] =	ssyncset.done $0x0  }
0x24: {  	[sflag:s14] =	ssyncadd.s32 $0xFFFFF600  }
.LBB2_1:
0x25: {  	[dreg:$0x5] =	wrdreg s13  }
0x26: {  	s5 =	rddreg [dreg:$0x6]  }
0x27: {  	[spmem:s25], [sflag:s23] =	dma.local [hbm:s5], $0xA00  }
0x28: {  	_ =	swait.ge [sflag:s14], $0xA00  }
0x29: {  	[sflag:s14] =	ssyncset.done $0x0;
	s31 =	rddreg [dreg:$0x8]  }
0x2a: {  	s9 =	rddreg [dreg:$0xc];
	[sflag:s14] =	ssyncadd.s32 $0xFFFFF600  }
0x2b: {  	[spmem:s9@s17], [sflag:s23] =	dma.strided [hbm:s31@s18], $0x9C4, s16, $0x4   }
.Ltmp2:
0x2c: {  	_ =	swait.ge [sflag:s14], $0x9C4;
	(pc) =	sbr.rel .LBB2_2-.Ltmp2, $4  }
0x2d: {  	[sflag:s14] =	ssyncset.done $0x0  }
0x2e: {  	[sflag:s14] =	ssyncadd.s32 $0xFFFFF63C  }
0x2f: {  	[bflag:$0x0] =	sbarrier.arrive $0xFFFF  }
0x30: {  	s13 =	simm.s32 $0x0  }
.LBB2_5:
0x31: {  	s13 =	sadd.s32 $0x1, s13  }
0x32: {  	p0 =	sne.s32 s13, $0x5  }
.Ltmp3:
0x33: {  	_ = 	snop;
	(pc) =	sbr.rel @!p0 .LBB2_6-.Ltmp3, $4  }
0x34: {  	_ = 	snop  }
0x35: {  	_ =	swait.ge [sflag:s18], $0x1000  }
0x36: {  	[sflag:s18] =	ssyncset.done $0x0  }
0x37: {  	[sflag:s18] =	ssyncadd.s32 $0xFFFFF000  }
.LBB2_2:
0x38: {  	s5 =	sshll.u32 s13, $0xC  }
0x39: {  	s5 =	sadd.s32 s4, s5  }
0x3a: {  	s5 =	sshrl.u32 s5, $0x3  }
0x3b: {  	s9 =	simm.s32 $0x0;
	s23 =	sadd.s32 s6, s5  }
0x3c: {  	[tilespmem:s9], [sflag:$0x9] =	stream.linear.gather [hbm4b:s23+s9], $0x1000, $0x38;
	[tilespmem:$0xFE20] =	vst v63  }
0x3d: {  	_ =	swait.ge [sflag:s14], $0x1000  }
0x3e: {  	[sflag:s14] =	ssyncset.done $0x0  }
0x3f: {  	s5 =	sadd.s32 s7, s5;
	[sflag:s14] =	ssyncadd.s32 $0xFFFFF000  }
0x40: {  	[tilespmem:s19], [sflag:$0x9] =	stream.linear.gather [hbm4b:s5+s9], $0x1000, $0x38;
	[tilespmem:$0xFE20] =	vst v63  }
0x41: {  	_ =	swait.ge [sflag:s14], $0x1000  }
0x42: {  	[sflag:s14] =	ssyncset.done $0x0  }
0x43: {  	[sflag:s14] =	ssyncadd.s32 $0xFFFFF000  }
0x44: {  	[tilespmem:s21], [sflag:$0x1] =	stream.indirect.gather [spmem:s3], $0x20, s9, s20, $0xb8;
	[tilespmem:$0xFE20] =	vst v63  }
0x45: {  	_ = 	snop  }
0x46: {  	[tilespmem:s22], [sflag:$0x2] =	stream.indirect.gather [spmem:s3], $0x20, s20, s20, $0xb8;
	[tilespmem:$0xFE20] =	vst v63  }
0x47: {  	s23 =	simm.s32 $0x100  }
0x48: {  	[tilespmem:s24], [sflag:$0x3] =	stream.indirect.gather [spmem:s3], $0x20, s23, s20, $0xb8;
	[tilespmem:$0xFE20] =	vst v63  }
0x49: {  	_ =	swait.ge [sflag:s16], $0x1000  }
0x4a: {  	[sflag:s16] =	ssyncset.done $0x0  }
0x4b: {  	[sflag:s16] =	ssyncadd.s32 $0xFFFFF000  }
0x4c: {  	[spmem:s2] =	stream.indirect.scatter.add.f32 [tilespmem:s21], [sflag:$0x5], $0x20, s19, s20, $0xb8;
	[tilespmem:$0xFE20] =	vst v63  }
0x4d: {  	s25 =	simm.s32 $0x180  }
0x4e: {  	[tilespmem:s26], [sflag:$0x4] =	stream.indirect.gather [spmem:s3], $0x20, s25, s20, $0xb8;
	[tilespmem:$0xFE20] =	vst v63  }
0x4f: {  	_ =	swait.ge [sflag:s28], $0x1000  }
0x50: {  	[sflag:s28] =	ssyncset.done $0x0  }
0x51: {  	s29 =	simm.s32 $0x1080;
	[sflag:s28] =	ssyncadd.s32 $0xFFFFF000  }
0x52: {  	[spmem:s2] =	stream.indirect.scatter.add.f32 [tilespmem:s22], [sflag:$0x6], $0x20, s29, s20, $0xb8;
	[tilespmem:$0xFE20] =	vst v63  }
0x53: {  	_ =	swait.ge [sflag:s30], $0x1000  }
0x54: {  	[sflag:s30] =	ssyncset.done $0x0  }
0x55: {  	s31 =	simm.s32 $0x200;
	[sflag:s30] =	ssyncadd.s32 $0xFFFFF000  }
0x56: {  	[tilespmem:s21], [sflag:$0x1] =	stream.indirect.gather [spmem:s3], $0x20, s31, s20, $0xb8;
	[tilespmem:$0xFE20] =	vst v63  }
0x57: {  	_ =	swait.ge [sflag:s1], $0x1000  }
0x58: {  	[sflag:s1] =	ssyncset.done $0x0  }
0x59: {  	[sflag:s1] =	ssyncadd.s32 $0xFFFFF000  }
0x5a: {  	[spmem:s2] =	stream.indirect.scatter.add.f32 [tilespmem:s24], [sflag:$0x7], $0x20, s0, s20, $0xb8;
	[tilespmem:$0xFE20] =	vst v63  }
0x5b: {  	_ =	swait.ge [sflag:s8], $0x1000  }
0x5c: {  	[sflag:s8] =	ssyncset.done $0x0  }
0x5d: {  	[sflag:s8] =	ssyncadd.s32 $0xFFFFF000  }
0x5e: {  	[tilespmem:s22], [sflag:$0x2] =	stream.indirect.gather [spmem:s3], $0x20, s10, s20, $0xb8;
	[tilespmem:$0xFE20] =	vst v63  }
0x5f: {  	_ =	swait.ge [sflag:s17], $0x1000  }
0x60: {  	[sflag:s17] =	ssyncset.done $0x0  }
0x61: {  	[sflag:s17] =	ssyncadd.s32 $0xFFFFF000  }
0x62: {  	[spmem:s2] =	stream.indirect.scatter.add.f32 [tilespmem:s26], [sflag:$0x8], $0x20, s11, s20, $0xb8;
	[tilespmem:$0xFE20] =	vst v63  }
0x63: {  	_ =	swait.ge [sflag:s12], $0x1000  }
0x64: {  	[sflag:s12] =	ssyncset.done $0x0  }
0x65: {  	[sflag:s12] =	ssyncadd.s32 $0xFFFFF000  }
0x66: {  	[tilespmem:s24], [sflag:$0x3] =	stream.indirect.gather [spmem:s3], $0x20, s15, s20, $0xb8;
	[tilespmem:$0xFE20] =	vst v63  }
.LBB2_3:
0x67: {  	_ =	swait.ge [sflag:s16], $0x1000  }
0x68: {  	s5 =	sshra.s32 s9, $0x2;
	[sflag:s16] =	ssyncset.done $0x0  }
0x69: {  	s23 =	sadd.s32 $0x1200, s5;
	[sflag:s16] =	ssyncadd.s32 $0xFFFFF000  }
0x6a: {  	[spmem:s2] =	stream.indirect.scatter.add.f32 [tilespmem:s21], [sflag:$0x5], $0x20, s23, s20, $0xb8;
	[tilespmem:$0xFE20] =	vst v63  }
0x6b: {  	_ =	swait.ge [sflag:s18], $0x1000  }
0x6c: {  	[sflag:s18] =	ssyncset.done $0x0  }
0x6d: {  	s25 =	sadd.s32 $0x380, s5;
	[sflag:s18] =	ssyncadd.s32 $0xFFFFF000  }
0x6e: {  	[tilespmem:s26], [sflag:$0x4] =	stream.indirect.gather [spmem:s3], $0x20, s25, s20, $0xb8;
	[tilespmem:$0xFE20] =	vst v63  }
0x6f: {  	_ =	swait.ge [sflag:s28], $0x1000  }
0x70: {  	[sflag:s28] =	ssyncset.done $0x0  }
0x71: {  	s29 =	sadd.s32 $0x1280, s5;
	[sflag:s28] =	ssyncadd.s32 $0xFFFFF000  }
0x72: {  	[spmem:s2] =	stream.indirect.scatter.add.f32 [tilespmem:s22], [sflag:$0x6], $0x20, s29, s20, $0xb8;
	[tilespmem:$0xFE20] =	vst v63  }
0x73: {  	_ =	swait.ge [sflag:s30], $0x1000  }
0x74: {  	p0 =	seq.s32 s9, $0x3000;
	[sflag:s30] =	ssyncset.done $0x0  }
0x75: {  	s23 =	simm.s32 @p0 $0x3;
	[sflag:s30] =	ssyncadd.s32 $0xFFFFF000  }
0x76: {  	_ =	swait.ge @p0 [sflag:s23], $0x1000  }
0x77: {  	[sflag:s23] =	ssyncset.done @p0 $0x0  }
0x78: {  	[sflag:s23] =	ssyncadd.s32 @p0 $0xFFFFF000;
	s23 =	sshra.s32 @p0 s9, $0x2  }
0x79: {  	s25 =	simm.s32 @p0 $0x80;
	s29 =	simm.s32 @p0 $0x4000;
	s23 =	sadd.s32 @p0 $0x1300, s23  }
0x7a: {  	[spmem:s2] =	stream.indirect.scatter.add.f32 @p0 [tilespmem:s29], [sflag:$0x7], $0x20, s23, s25, $0xb8;
	[tilespmem:$0xFE20] =	vst v63  }
0x7b: {  	s23 =	simm.s32 @p0 $0x6  }
0x7c: {  	_ =	swait.ge @p0 [sflag:s23], $0x1000  }
0x7d: {  	[sflag:s23] =	ssyncset.done @p0 $0x0  }
0x7e: {  	[sflag:s23] =	ssyncadd.s32 @p0 $0xFFFFF000;
	s23 =	sshra.s32 @!p0 s9, $0x2  }
0x7f: {  	s31 =	simm.s32 @!p0 $0x2000;
	s29 =	simm.s32 @!p0 $0x80;
	s25 =	sadd.s32 @!p0 $0x400, s23  }
0x80: {  	[tilespmem:s31], [sflag:$0x1] =	stream.indirect.gather @!p0 [spmem:s3], $0x20, s25, s29, $0xb8;
	[tilespmem:$0xFE20] =	vst v63  }
0x81: {  	s25 =	simm.s32 @!p0 $0x3  }
0x82: {  	_ =	swait.ge @!p0 [sflag:s25], $0x1000  }
0x83: {  	[sflag:s25] =	ssyncset.done @!p0 $0x0  }
0x84: {  	s31 =	simm.s32 @!p0 $0x4000;
	[sflag:s25] =	ssyncadd.s32 @!p0 $0xFFFFF000;
	s25 =	sadd.s32 @!p0 $0x1300, s23  }
0x85: {  	[spmem:s2] =	stream.indirect.scatter.add.f32 @!p0 [tilespmem:s31], [sflag:$0x7], $0x20, s25, s29, $0xb8;
	[tilespmem:$0xFE20] =	vst v63  }
0x86: {  	s25 =	simm.s32 @!p0 $0x6  }
0x87: {  	_ =	swait.ge @!p0 [sflag:s25], $0x1000  }
0x88: {  	[sflag:s25] =	ssyncset.done @!p0 $0x0  }
0x89: {  	s23 =	sadd.s32 @!p0 $0x480, s23;
	[sflag:s25] =	ssyncadd.s32 @!p0 $0xFFFFF000;
	s25 =	simm.s32 @!p0 $0x3000  }
0x8a: {  	[tilespmem:s25], [sflag:$0x2] =	stream.indirect.gather @!p0 [spmem:s3], $0x20, s23, s29, $0xb8;
	[tilespmem:$0xFE20] =	vst v63  }
0x8b: {  	_ =	swait.ge [sflag:s17], $0x1000  }
0x8c: {  	[sflag:s17] =	ssyncset.done $0x0  }
.Ltmp4:
0x8d: {  	s31 =	sadd.s32 $0x1380, s5;
	[sflag:s17] =	ssyncadd.s32 $0xFFFFF000;
	(pc) =	sbr.rel @p0 .LBB2_5-.Ltmp4, $4  }
0x8e: {  	[spmem:s2] =	stream.indirect.scatter.add.f32 [tilespmem:s26], [sflag:$0x8], $0x20, s31, s20, $0xb8;
	[tilespmem:$0xFE20] =	vst v63  }
0x8f: {  	_ =	swait.ge [sflag:s12], $0x1000  }
0x90: {  	[sflag:s12] =	ssyncset.done $0x0  }
0x91: {  	[sflag:s12] =	ssyncadd.s32 $0xFFFFF000  }
.Ltmp5:
0x92: {  	(pc) =	sbr.rel .LBB2_3-.Ltmp5, $3  }
0x93: {  	_ =	sdelay $0x1  }
0x94: {  	s5 =	sadd.s32 $0x500, s5;
	s9 =	sadd.s32 $0x800, s9  }
0x95: {  	[tilespmem:s24], [sflag:$0x3] =	stream.indirect.gather [spmem:s3], $0x20, s5, s20, $0xb8;
	[tilespmem:$0xFE20] =	vst v63  }
.LBB2_7:
0x96: {  	_ =	sfence.sel $0x180000  }
0x97: {  	[bflag:$0x0] =	sbarrier.arrive $0xFFFF  }
0x98: {  	_ =	strace $0x90000050  }
0x99: {  	s0 =	stileid.u32;
	[bflag:$0x2] =	sbarrier.arrive $0xFFFF  }
0x9a: {  	p0 =	sne.s32 s0, $0x0;
	s0 =	rddreg [dreg:$0x4]  }
0x9b: {  	s0 =	sadd.s32 @!p0 $0x100000, s0  }
0x9c: {  	[sflag:s0] =	ssyncadd.tile.s32 @!p0 $0x1;
	_ =	shalt  }
.Lfunc_end2:
_tile_overlayer_lowered:
.L_overlay_start_2:
0x9d: {  	(tag) =	ssettag $0x2  }
0x9e: {  	s0 =	rddreg [dreg:$0x0];
	s2 =	stileid.u32  }
0x9f: {  	s1 =	rddreg [dreg:$0x1];
	p0 =	sne.s32 s2, $0x0  }
0xa0: {  	s3 =	rddreg [dreg:$0x2];
	[bflag:$0x3] =	sbarrier.arrive $0xFFFF;
	s2 =	simm.s32 @!p0 $0x1C09  }
0xa1: {  	[timem:s3], [sflag:s2] =	dma.local @!p0 [hbm:s0], s1  }
0xa2: {  	s0 =	simm.s32 @!p0 $0x9  }
0xa3: {  	_ =	swait.ge @!p0 [sflag:s0], s1  }
0xa4: {  	s1 =	ssub.s32 @!p0 $0x0, s1;
	[sflag:s0] =	ssyncset.done @!p0 $0x0  }
0xa5: {  	[sflag:s0] =	ssyncadd.s32 @!p0 s1  }
0xa6: {  	[bflag:$0x3] =	sbarrier.arrive $0xFFFF  }
0xa7: {  	_ =	shalt  }

</sc_bundles>
